<compile_context>
chip_gen: v7x
topology: tpu7x:2x2x1
jax: 0.10.2.dev20260603
libtpu: 0.0.44.dev20260713+nightly
codegen_flags: <defaults>
</compile_context>

<pallas_src>
import functools

import jax
import jax.numpy as jnp
from jax import lax
from jax.experimental import pallas as pl
from jax.experimental.pallas import tpu as pltpu
from jax.experimental.pallas import tpu_sc as plsc

N = 100000
E = 6400000
NC = 2
NS = 16
NW = NC * NS
BK = 128
NB = 16
NB1 = 8
BATCHES_PER_W = 1568
EPW = BATCHES_PER_W * BK
E_PAD = NW * EPW
N_ACC = 100352
RPT = N_ACC // NS

_MESH = plsc.VectorSubcoreMesh(core_axis_name="c", subcore_axis_name="s")
_SC_PARAMS = pltpu.CompilerParams(use_tc_tiling_on_sc=False)


def _zero_accum(zrow_v, acc_s, s):
    def zrow_body(i, _):
        zrow_v[i] = jnp.zeros((16,), jnp.float32)
        return 0
    lax.fori_loop(0, zrow_v.shape[0], zrow_body, 0)

    r0 = s * RPT
    chunk = zrow_v.shape[0]

    def zacc_body(k, _):
        pltpu.sync_copy(zrow_v, acc_s.at[pl.ds(r0 + k * chunk, chunk)])
        return 0
    lax.fori_loop(0, RPT // chunk, zacc_body, 0)


def _deg_body(dst_hbm, out_hbm, dst_v, ones_v, zflat_v, acc_s, sem_i, sem_s):
    c = lax.axis_index("c")
    s = lax.axis_index("s")
    wid = c * NS + s
    for i in range(8):
        ones_v[pl.ds(i * 16, 16)] = jnp.ones((16,), jnp.float32)
    r0 = s * RPT

    def zrow_body(i, _):
        zflat_v[pl.ds(i * 16, 16)] = jnp.zeros((16,), jnp.float32)
        return 0
    lax.fori_loop(0, zflat_v.shape[0] // 16, zrow_body, 0)

    def zacc_body(k, _):
        pltpu.sync_copy(zflat_v, acc_s.at[pl.ds(r0 + k * 2048, 2048)])
        return 0
    lax.fori_loop(0, RPT // 2048, zacc_body, 0)
    pltpu.sync_copy(zflat_v.at[pl.ds(0, 128)],
                    acc_s.at[pl.ds(r0 + 6144, 128)])
    plsc.subcore_barrier()

    row0 = wid * BATCHES_PER_W
    n_super = BATCHES_PER_W // NB

    def idx_copy(sc, buf):
        rb = row0 + sc * NB
        return pltpu.make_async_copy(dst_hbm.at[pl.ds(rb, NB)],
                                     dst_v.at[buf], sem_i)

    pltpu.sync_copy(dst_hbm.at[pl.ds(row0, NB)], dst_v.at[0])
    idx_copy(1, 1).start()

    def super_body(sc, _):
        cur = lax.rem(sc, 2)

        @pl.when(sc > 0)
        def _():
            idx_copy(sc, cur).wait()

        @pl.when((sc + 1 < n_super) & (sc > 0))
        def _():
            idx_copy(sc + 1, 1 - cur).start()

        for j in range(NB):
            pltpu.async_copy(ones_v, acc_s.at[dst_v.at[cur, j]], sem_s,
                             add=True)
        for j in range(NB):
            pltpu.make_async_copy(ones_v, acc_s.at[dst_v.at[cur, j]],
                                  sem_s).wait()
        return 0
    lax.fori_loop(0, n_super, super_body, 0)
    plsc.subcore_barrier()
    pltpu.sync_copy(acc_s.at[pl.ds(r0, RPT)],
                    out_hbm.at[pl.ds(c * N_ACC + r0, RPT)])


def _spmm_body(g_hbm, src_hbm, dst_hbm, out_hbm,
               src_v, dst_v, rows_v, zrow_v, acc_s, sem_i, sem_g, sem_s):
    c = lax.axis_index("c")
    s = lax.axis_index("s")
    wid = c * NS + s
    r0 = s * RPT
    _zero_accum(zrow_v, acc_s, s)
    plsc.subcore_barrier()

    row0 = wid * BATCHES_PER_W
    nb = src_v.shape[1]
    n_super = BATCHES_PER_W // nb

    def idx_copies(sc, buf):
        rb = row0 + sc * nb
        return (pltpu.make_async_copy(src_hbm.at[pl.ds(rb, nb)],
                                      src_v.at[buf], sem_i),
                pltpu.make_async_copy(dst_hbm.at[pl.ds(rb, nb)],
                                      dst_v.at[buf], sem_i))

    pltpu.sync_copy(src_hbm.at[pl.ds(row0, nb)], src_v.at[0])
    pltpu.sync_copy(dst_hbm.at[pl.ds(row0, nb)], dst_v.at[0])
    for cp in idx_copies(1, 1):
        cp.start()

    def super_body(sc, _):
        cur = lax.rem(sc, 2)
        @pl.when(sc > 0)
        def _():
            for cp in idx_copies(sc, cur):
                cp.wait()
        @pl.when(sc + 1 < n_super)
        def _():
            @pl.when(sc > 0)
            def _():
                for cp in idx_copies(sc + 1, 1 - cur):
                    cp.start()
        for j in range(nb):
            pltpu.async_copy(g_hbm.at[src_v.at[cur, j]], rows_v.at[j], sem_g)
        for j in range(nb):
            pltpu.make_async_copy(g_hbm.at[src_v.at[cur, j]], rows_v.at[j],
                                  sem_g).wait()
            pltpu.async_copy(rows_v.at[j], acc_s.at[dst_v.at[cur, j]], sem_s,
                             add=True)
        for j in range(nb):
            pltpu.make_async_copy(rows_v.at[j], acc_s.at[dst_v.at[cur, j]],
                                  sem_s).wait()
        return 0
    lax.fori_loop(0, n_super, super_body, 0)
    plsc.subcore_barrier()
    pltpu.sync_copy(acc_s.at[pl.ds(r0, RPT)],
                    out_hbm.at[pl.ds(c * N_ACC + r0, RPT)])


@functools.partial(
    pl.kernel,
    out_type=jax.ShapeDtypeStruct((NC * N_ACC,), jnp.float32),
    mesh=_MESH,
    compiler_params=_SC_PARAMS,
    scratch_types=[
        pltpu.VMEM((2, NB, BK), jnp.int32),
        pltpu.VMEM((128,), jnp.float32),
        pltpu.VMEM((2048,), jnp.float32),
        pltpu.VMEM_SHARED((N_ACC,), jnp.float32),
        pltpu.SemaphoreType.DMA,
        pltpu.SemaphoreType.DMA,
    ],
)
def _deg_kernel(dst_hbm, out_hbm, dst_v, ones_v, zflat_v, acc_s, sem_i, sem_s):
    _deg_body(dst_hbm, out_hbm, dst_v, ones_v, zflat_v, acc_s, sem_i, sem_s)


@functools.partial(
    pl.kernel,
    out_type=jax.ShapeDtypeStruct((NC * N_ACC, 16), jnp.float32),
    mesh=_MESH,
    compiler_params=_SC_PARAMS,
    scratch_types=[
        pltpu.VMEM((2, NB1, BK), jnp.int32),
        pltpu.VMEM((2, NB1, BK), jnp.int32),
        pltpu.VMEM((NB1, BK, 16), jnp.float32),
        pltpu.VMEM((64, 16), jnp.float32),
        pltpu.VMEM_SHARED((N_ACC, 16), jnp.float32),
        pltpu.SemaphoreType.DMA,
        pltpu.SemaphoreType.DMA,
        pltpu.SemaphoreType.DMA,
    ],
)
def _spmm16_kernel(g_hbm, src_hbm, dst_hbm, out_hbm,
                   src_v, dst_v, rows_v, zrow_v, acc_s, sem_i, sem_g, sem_s):
    _spmm_body(g_hbm, src_hbm, dst_hbm, out_hbm,
               src_v, dst_v, rows_v, zrow_v, acc_s, sem_i, sem_g, sem_s)


BN = 1024


def _dense_a_body(degp_ref, x_ref, w1_ref, g1_ref, dinv_ref):
    deg = degp_ref[0, :] + degp_ref[1, :] + 1.0
    dinv = lax.rsqrt(deg)
    h = jnp.dot(x_ref[...], w1_ref[...], preferred_element_type=jnp.float32)
    g1_ref[...] = h * dinv[:, None]
    dinv_ref[...] = dinv


def _dense_a(degp, x_pad, W1):
    return pl.pallas_call(
        _dense_a_body,
        grid=(N_ACC // BN,),
        in_specs=[
            pl.BlockSpec((NC, BN), lambda i: (0, i)),
            pl.BlockSpec((BN, 3), lambda i: (i, 0)),
            pl.BlockSpec((3, 16), lambda i: (0, 0)),
        ],
        out_specs=[
            pl.BlockSpec((BN, 16), lambda i: (i, 0)),
            pl.BlockSpec((BN,), lambda i: (i,)),
        ],
        out_shape=[
            jax.ShapeDtypeStruct((N_ACC, 16), jnp.float32),
            jax.ShapeDtypeStruct((N_ACC,), jnp.float32),
        ],
    )(degp, x_pad, W1)


def _dense_b_body(acc_ref, g1_ref, dinv_ref, b1_ref, u_ref):
    s1 = acc_ref[0] + acc_ref[1] + g1_ref[...]
    dinv = dinv_ref[...]
    out1 = s1 * dinv[:, None] + b1_ref[...][None, :]
    u_ref[...] = jnp.maximum(out1, 0.0) * dinv[:, None]


def _dense_b(acc1, g1, dinv, b1):
    return pl.pallas_call(
        _dense_b_body,
        grid=(N_ACC // BN,),
        in_specs=[
            pl.BlockSpec((NC, BN, 16), lambda i: (0, i, 0)),
            pl.BlockSpec((BN, 16), lambda i: (i, 0)),
            pl.BlockSpec((BN,), lambda i: (i,)),
            pl.BlockSpec((16,), lambda i: (0,)),
        ],
        out_specs=pl.BlockSpec((BN, 16), lambda i: (i, 0)),
        out_shape=jax.ShapeDtypeStruct((N_ACC, 16), jnp.float32),
    )(acc1, g1, dinv, b1)




def _dense_c_body(acc_ref, u_ref, dinv_ref, w2_ref, b2_ref, out_ref):
    t = acc_ref[0] + acc_ref[1] + u_ref[...]
    o = jnp.dot(t, w2_ref[...], preferred_element_type=jnp.float32)
    o = o * dinv_ref[...][:, None] + b2_ref[...][None, :]
    m = jnp.max(o, axis=1, keepdims=True)
    e = jnp.exp(o - m)
    lse = m + jnp.log(jnp.sum(e, axis=1, keepdims=True))
    out_ref[...] = o - lse


def _dense_c(accm, u, dinv, W2, b2):
    return pl.pallas_call(
        _dense_c_body,
        grid=(N_ACC // BN,),
        in_specs=[
            pl.BlockSpec((NC, BN, 16), lambda i: (0, i, 0)),
            pl.BlockSpec((BN, 16), lambda i: (i, 0)),
            pl.BlockSpec((BN,), lambda i: (i,)),
            pl.BlockSpec((16, 2), lambda i: (0, 0)),
            pl.BlockSpec((2,), lambda i: (0,)),
        ],
        out_specs=pl.BlockSpec((BN, 2), lambda i: (i, 0)),
        out_shape=jax.ShapeDtypeStruct((N_ACC, 2), jnp.float32),
    )(accm, u, dinv, W2, b2)


@jax.jit
def kernel(x, edge_index, W1, b1, W2, b2):
    pad = E_PAD - E
    padv = (jnp.arange(pad, dtype=jnp.int32) % 256) + N
    src2d = jnp.concatenate([edge_index[0], padv]).reshape(E_PAD // BK, BK)
    dst2d = jnp.concatenate([edge_index[1], padv]).reshape(E_PAD // BK, BK)
    x_pad = jnp.concatenate(
        [x, jnp.zeros((N_ACC - N, 3), jnp.float32)], axis=0)

    degp = _deg_kernel(dst2d).reshape(NC, N_ACC)
    g1, dinv = _dense_a(degp, x_pad, W1)
    acc1 = _spmm16_kernel(g1, src2d, dst2d).reshape(NC, N_ACC, 16)
    u = _dense_b(acc1, g1, dinv, b1)
    accm = _spmm16_kernel(u, src2d, dst2d).reshape(NC, N_ACC, 16)
    return _dense_c(accm, u, dinv, W2, b2)[:N]

# --- scband reference (transcript-rebuilt; emitter-appended) ---
"""Pipeline reference for scband-gcn-10900626997876 (READ-ONLY COPY).

The authoritative reference and input builder live on the scoring server;
editing this copy changes nothing except your own understanding.
"""

import jax, jax.numpy as jnp
import numpy as np

N = 100000
E = 6400000
IN_DIM, HID_DIM, OUT_DIM = 3, 16, 2


def setup_inputs(seed: int = 0) -> dict:
    key = jax.random.key(seed)
    k1, k2, k3, k4, k5, k6 = jax.random.split(key, 6)
    x = jax.random.normal(k1, (N, IN_DIM), dtype=jnp.float32)
    edge_index = jax.random.randint(k2, (2, E), 0, N, dtype=jnp.int32)
    W1 = jax.random.normal(k3, (IN_DIM, HID_DIM), dtype=jnp.float32) * (1.0 / np.sqrt(IN_DIM))
    b1 = jnp.zeros((HID_DIM,), dtype=jnp.float32)
    W2 = jax.random.normal(k4, (HID_DIM, OUT_DIM), dtype=jnp.float32) * (1.0 / np.sqrt(HID_DIM))
    b2 = jnp.zeros((OUT_DIM,), dtype=jnp.float32)
    return {"x": x, "edge_index": edge_index, "W1": W1, "b1": b1, "W2": W2, "b2": b2}


def _gcn_conv(x, src, dst, W, b, num_nodes):
    # PyG GCNConv with add_self_loops=True and symmetric normalization
    h = x @ W
    deg = jnp.zeros((num_nodes,), dtype=x.dtype).at[dst].add(1.0)
    dinv = jnp.where(deg > 0, 1.0 / jnp.sqrt(deg), 0.0)
    norm = dinv[src] * dinv[dst]
    msg = jnp.take(h, src, axis=0) * norm[:, None]
    out = jax.ops.segment_sum(msg, dst, num_segments=num_nodes)
    return out + b


def reference(x, edge_index, W1, b1, W2, b2):
    num_nodes = x.shape[0]
    loop = jnp.arange(num_nodes, dtype=edge_index.dtype)
    src = jnp.concatenate([edge_index[0], loop])
    dst = jnp.concatenate([edge_index[1], loop])
    h = _gcn_conv(x, src, dst, W1, b1, num_nodes)
    h = jax.nn.relu(h)
    # F.dropout in eval mode is identity (training flag not set at inference)
    h = _gcn_conv(h, src, dst, W2, b2, num_nodes)
    return jax.nn.log_softmax(h, axis=1)

if __name__ == "__main__":
    import jax
    _d = setup_inputs()
    print(jax.jit(kernel)(*tuple(_d.values())))

</pallas_src>

<mosaic_0001>
#map = affine_map<(d0, d1) -> (0, 0)>
module attributes {stable_mosaic.version = 14 : i64} {
  func.func @_spmm16_kernel(%arg0: i32, %arg1: i32, %arg2: memref<100352x16xf32, #tpu.memory_space<hbm>>, %arg3: memref<50176x128xi32, #tpu.memory_space<hbm>>, %arg4: memref<50176x128xi32, #tpu.memory_space<hbm>>, %arg5: memref<200704x16xf32, #tpu.memory_space<hbm>>, %arg6: memref<2x8x128xi32, #tpu.memory_space<vmem>>, %arg7: memref<2x8x128xi32, #tpu.memory_space<vmem>>, %arg8: memref<8x128x16xf32, #tpu.memory_space<vmem>>, %arg9: memref<64x16xf32, #tpu.memory_space<vmem>>, %arg10: memref<100352x16xf32, #tpu.memory_space<vmem_shared>>, %arg11: memref<!tpu.dma_semaphore, #tpu.memory_space<semaphore_mem>>, %arg12: memref<!tpu.dma_semaphore, #tpu.memory_space<semaphore_mem>>, %arg13: memref<!tpu.dma_semaphore, #tpu.memory_space<semaphore_mem>>) attributes {dimension_semantics = [#tpu.dimension_semantics<core_parallel>, #tpu.dimension_semantics<subcore_parallel>], iteration_bounds = array<i64: 2, 16>, scalar_prefetch = 0 : i64, scratch_operands = 8 : i64, tpu.core_type = #tpu.core_type<sc_vector_subcore>, window_params = [{transform_indices = #map}, {transform_indices = #map}, {transform_indices = #map}, {transform_indices = #map}]} {
    %mul3A = arith.constant 16 : i32
    %mul3A_0 = arith.muli %arg0, %mul3A : i32
    %add3A = arith.addi %mul3A_0, %arg1 : i32
    %mul3A_1 = arith.constant 6272 : i32
    %mul3A_2 = arith.muli %arg1, %mul3A_1 : i32
    %scan3A = arith.constant 0 : i32
    %scan3A_3 = arith.constant 0 : i32
    %scan3A_4 = arith.constant 64 : i32
    %scan3A_5 = arith.addi %scan3A_3, %scan3A_4 : i32
    %scan3A_6 = arith.constant 1 : i32
    %scan3A_7 = scf.for %scan3A_59 = %scan3A_3 to %scan3A_5 step %scan3A_6 iter_args(%scan3A_60 = %scan3A) -> (i32)  : i32 {
      %broadcast_in_dim3A = arith.constant 0.000000e+00 : f32
      %broadcast_in_dim3A_61 = vector.broadcast %broadcast_in_dim3A : f32 to vector<16xf32>
      %swap3A = arith.index_cast %scan3A_59 : i32 to index
      %swap3A_62 = arith.constant 0 : index
      %swap3A_63 = tpu.vector_load %arg9[%swap3A, %swap3A_62] {strides = array<i32>} : memref<64x16xf32, #tpu.memory_space<vmem>>, vector<1x16xf32>,
      %swap3A_64 = vector.shape_cast %swap3A_63 : vector<1x16xf32> to vector<16xf32>
      %swap3A_65 = vector.shape_cast %broadcast_in_dim3A_61 : vector<16xf32> to vector<1x16xf32>
      tpu.vector_store %arg9[%swap3A, %swap3A_62], %swap3A_65 {strides = array<i32>} : memref<64x16xf32, #tpu.memory_space<vmem>>, vector<1x16xf32>,
      %scan3A_66 = arith.constant 0 : i32
      scf.yield %scan3A_66 : i32
    }
    %scan3A_8 = arith.constant 64 : i32
    %mul3A_9 = arith.constant 6272 : i32
    %mul3A_10 = arith.muli %arg1, %mul3A_9 : i32
    %scan3A_11 = arith.constant 0 : i32
    %scan3A_12 = arith.constant 0 : i32
    %scan3A_13 = arith.constant 98 : i32
    %scan3A_14 = arith.addi %scan3A_12, %scan3A_13 : i32
    %scan3A_15 = arith.constant 1 : i32
    %scan3A_16 = scf.for %scan3A_59 = %scan3A_12 to %scan3A_14 step %scan3A_15 iter_args(%scan3A_60 = %scan3A_11) -> (i32)  : i32 {
      %mul3A_61 = arith.constant 64 : i32
      %mul3A_62 = arith.muli %scan3A_59, %mul3A_61 : i32
      %add3A_63 = arith.addi %mul3A_10, %mul3A_62 : i32
      "tpu.region"() ({
        %run_scoped3A_65 = tpu.sem_alloc : memref<!tpu.dma_semaphore, #tpu.memory_space<semaphore_mem>>
        %dma_start3A_66 = arith.constant 0 : i32
        %dma_start3A_67 = tpu.memref_slice %arg10[%add3A_63, %dma_start3A_66] : memref<100352x16xf32, #tpu.memory_space<vmem_shared>> -> memref<64x16xf32, #tpu.memory_space<vmem_shared>>
        %dma_start3A_68 = arith.constant 0 : i32
        %dma_start3A_69 = tpu.memref_slice %arg10[%add3A_63, %dma_start3A_68] : memref<100352x16xf32, #tpu.memory_space<vmem_shared>> -> memref<64x16xf32, #tpu.memory_space<vmem_shared>>
        tpu.enqueue_dma source(%arg9 : memref<64x16xf32, #tpu.memory_space<vmem>>) target(%dma_start3A_69 : memref<64x16xf32, #tpu.memory_space<vmem_shared>>) target_semaphore(%run_scoped3A_65 : memref<!tpu.dma_semaphore, #tpu.memory_space<semaphore_mem>>)
        %dma_wait3A = arith.constant 0 : i32
        %dma_wait3A_70 = tpu.memref_slice %arg10[%add3A_63, %dma_wait3A] : memref<100352x16xf32, #tpu.memory_space<vmem_shared>> -> memref<64x16xf32, #tpu.memory_space<vmem_shared>>
        %dma_wait3A_71 = arith.constant 0 : i32
        %dma_wait3A_72 = tpu.memref_slice %arg10[%add3A_63, %dma_wait3A_71] : memref<100352x16xf32, #tpu.memory_space<vmem_shared>> -> memref<64x16xf32, #tpu.memory_space<vmem_shared>>
        tpu.wait_dma2 semaphore(%run_scoped3A_65 : memref<!tpu.dma_semaphore, #tpu.memory_space<semaphore_mem>>) src(%arg9 : memref<64x16xf32, #tpu.memory_space<vmem>>) dst(%dma_wait3A_72 : memref<64x16xf32, #tpu.memory_space<vmem_shared>>)
        tpu.yield
      }) : () -> ()
      %scan3A_64 = arith.constant 0 : i32
      scf.yield %scan3A_64 : i32
    }
    %scan3A_17 = arith.constant 98 : i32
    %barrier3A = arith.constant 0 : index
    tpu.barrier barrier_id(%barrier3A)
    %mul3A_18 = arith.constant 1568 : i32
    %mul3A_19 = arith.muli %add3A, %mul3A_18 : i32
    %run_scoped3A = arith.constant 0 : i32
    "tpu.region"() ({
      %run_scoped3A_59 = tpu.sem_alloc : memref<!tpu.dma_semaphore, #tpu.memory_space<semaphore_mem>>
      %dma_start3A_60 = arith.constant 0 : i32
      %dma_start3A_61 = arith.constant 0 : i32
      %dma_start3A_62 = tpu.memref_slice %arg6[%run_scoped3A, %dma_start3A_60, %dma_start3A_61] : memref<2x8x128xi32, #tpu.memory_space<vmem>> -> memref<1x8x128xi32, #tpu.memory_space<vmem>>
      %dma_start3A_63 = tpu.memref_squeeze %dma_start3A_62 : memref<1x8x128xi32, #tpu.memory_space<vmem>> -> memref<8x128xi32, #tpu.memory_space<vmem>>
      %dma_start3A_64 = arith.constant 0 : i32
      %dma_start3A_65 = tpu.memref_slice %arg3[%mul3A_19, %dma_start3A_64] : memref<50176x128xi32, #tpu.memory_space<hbm>> -> memref<8x128xi32, #tpu.memory_space<hbm>>
      %dma_start3A_66 = arith.constant 0 : i32
      %dma_start3A_67 = arith.constant 0 : i32
      %dma_start3A_68 = tpu.memref_slice %arg6[%run_scoped3A, %dma_start3A_66, %dma_start3A_67] : memref<2x8x128xi32, #tpu.memory_space<vmem>> -> memref<1x8x128xi32, #tpu.memory_space<vmem>>
      %dma_start3A_69 = tpu.memref_squeeze %dma_start3A_68 : memref<1x8x128xi32, #tpu.memory_space<vmem>> -> memref<8x128xi32, #tpu.memory_space<vmem>>
      %dma_start3A_70 = arith.constant 0 : i32
      %dma_start3A_71 = tpu.memref_slice %arg3[%mul3A_19, %dma_start3A_70] : memref<50176x128xi32, #tpu.memory_space<hbm>> -> memref<8x128xi32, #tpu.memory_space<hbm>>
      tpu.enqueue_dma source(%dma_start3A_71 : memref<8x128xi32, #tpu.memory_space<hbm>>) target(%dma_start3A_69 : memref<8x128xi32, #tpu.memory_space<vmem>>) target_semaphore(%run_scoped3A_59 : memref<!tpu.dma_semaphore, #tpu.memory_space<semaphore_mem>>)
      %dma_wait3A = arith.constant 0 : i32
      %dma_wait3A_72 = arith.constant 0 : i32
      %dma_wait3A_73 = tpu.memref_slice %arg6[%run_scoped3A, %dma_wait3A, %dma_wait3A_72] : memref<2x8x128xi32, #tpu.memory_space<vmem>> -> memref<1x8x128xi32, #tpu.memory_space<vmem>>
      %dma_wait3A_74 = tpu.memref_squeeze %dma_wait3A_73 : memref<1x8x128xi32, #tpu.memory_space<vmem>> -> memref<8x128xi32, #tpu.memory_space<vmem>>
      %dma_wait3A_75 = arith.constant 0 : i32
      %dma_wait3A_76 = tpu.memref_slice %arg3[%mul3A_19, %dma_wait3A_75] : memref<50176x128xi32, #tpu.memory_space<hbm>> -> memref<8x128xi32, #tpu.memory_space<hbm>>
      %dma_wait3A_77 = arith.constant 0 : i32
      %dma_wait3A_78 = arith.constant 0 : i32
      %dma_wait3A_79 = tpu.memref_slice %arg6[%run_scoped3A, %dma_wait3A_77, %dma_wait3A_78] : memref<2x8x128xi32, #tpu.memory_space<vmem>> -> memref<1x8x128xi32, #tpu.memory_space<vmem>>
      %dma_wait3A_80 = tpu.memref_squeeze %dma_wait3A_79 : memref<1x8x128xi32, #tpu.memory_space<vmem>> -> memref<8x128xi32, #tpu.memory_space<vmem>>
      %dma_wait3A_81 = arith.constant 0 : i32
      %dma_wait3A_82 = tpu.memref_slice %arg3[%mul3A_19, %dma_wait3A_81] : memref<50176x128xi32, #tpu.memory_space<hbm>> -> memref<8x128xi32, #tpu.memory_space<hbm>>
      tpu.wait_dma2 semaphore(%run_scoped3A_59 : memref<!tpu.dma_semaphore, #tpu.memory_space<semaphore_mem>>) src(%dma_wait3A_82 : memref<8x128xi32, #tpu.memory_space<hbm>>) dst(%dma_wait3A_80 : memref<8x128xi32, #tpu.memory_space<vmem>>)
      tpu.yield
    }) : () -> ()
    %run_scoped3A_20 = arith.constant 0 : i32
    "tpu.region"() ({
      %run_scoped3A_59 = tpu.sem_alloc : memref<!tpu.dma_semaphore, #tpu.memory_space<semaphore_mem>>
      %dma_start3A_60 = arith.constant 0 : i32
      %dma_start3A_61 = arith.constant 0 : i32
      %dma_start3A_62 = tpu.memref_slice %arg7[%run_scoped3A_20, %dma_start3A_60, %dma_start3A_61] : memref<2x8x128xi32, #tpu.memory_space<vmem>> -> memref<1x8x128xi32, #tpu.memory_space<vmem>>
      %dma_start3A_63 = tpu.memref_squeeze %dma_start3A_62 : memref<1x8x128xi32, #tpu.memory_space<vmem>> -> memref<8x128xi32, #tpu.memory_space<vmem>>
      %dma_start3A_64 = arith.constant 0 : i32
      %dma_start3A_65 = tpu.memref_slice %arg4[%mul3A_19, %dma_start3A_64] : memref<50176x128xi32, #tpu.memory_space<hbm>> -> memref<8x128xi32, #tpu.memory_space<hbm>>
      %dma_start3A_66 = arith.constant 0 : i32
      %dma_start3A_67 = arith.constant 0 : i32
      %dma_start3A_68 = tpu.memref_slice %arg7[%run_scoped3A_20, %dma_start3A_66, %dma_start3A_67] : memref<2x8x128xi32, #tpu.memory_space<vmem>> -> memref<1x8x128xi32, #tpu.memory_space<vmem>>
      %dma_start3A_69 = tpu.memref_squeeze %dma_start3A_68 : memref<1x8x128xi32, #tpu.memory_space<vmem>> -> memref<8x128xi32, #tpu.memory_space<vmem>>
      %dma_start3A_70 = arith.constant 0 : i32
      %dma_start3A_71 = tpu.memref_slice %arg4[%mul3A_19, %dma_start3A_70] : memref<50176x128xi32, #tpu.memory_space<hbm>> -> memref<8x128xi32, #tpu.memory_space<hbm>>
      tpu.enqueue_dma source(%dma_start3A_71 : memref<8x128xi32, #tpu.memory_space<hbm>>) target(%dma_start3A_69 : memref<8x128xi32, #tpu.memory_space<vmem>>) target_semaphore(%run_scoped3A_59 : memref<!tpu.dma_semaphore, #tpu.memory_space<semaphore_mem>>)
      %dma_wait3A = arith.constant 0 : i32
      %dma_wait3A_72 = arith.constant 0 : i32
      %dma_wait3A_73 = tpu.memref_slice %arg7[%run_scoped3A_20, %dma_wait3A, %dma_wait3A_72] : memref<2x8x128xi32, #tpu.memory_space<vmem>> -> memref<1x8x128xi32, #tpu.memory_space<vmem>>
      %dma_wait3A_74 = tpu.memref_squeeze %dma_wait3A_73 : memref<1x8x128xi32, #tpu.memory_space<vmem>> -> memref<8x128xi32, #tpu.memory_space<vmem>>
      %dma_wait3A_75 = arith.constant 0 : i32
      %dma_wait3A_76 = tpu.memref_slice %arg4[%mul3A_19, %dma_wait3A_75] : memref<50176x128xi32, #tpu.memory_space<hbm>> -> memref<8x128xi32, #tpu.memory_space<hbm>>
      %dma_wait3A_77 = arith.constant 0 : i32
      %dma_wait3A_78 = arith.constant 0 : i32
      %dma_wait3A_79 = tpu.memref_slice %arg7[%run_scoped3A_20, %dma_wait3A_77, %dma_wait3A_78] : memref<2x8x128xi32, #tpu.memory_space<vmem>> -> memref<1x8x128xi32, #tpu.memory_space<vmem>>
      %dma_wait3A_80 = tpu.memref_squeeze %dma_wait3A_79 : memref<1x8x128xi32, #tpu.memory_space<vmem>> -> memref<8x128xi32, #tpu.memory_space<vmem>>
      %dma_wait3A_81 = arith.constant 0 : i32
      %dma_wait3A_82 = tpu.memref_slice %arg4[%mul3A_19, %dma_wait3A_81] : memref<50176x128xi32, #tpu.memory_space<hbm>> -> memref<8x128xi32, #tpu.memory_space<hbm>>
      tpu.wait_dma2 semaphore(%run_scoped3A_59 : memref<!tpu.dma_semaphore, #tpu.memory_space<semaphore_mem>>) src(%dma_wait3A_82 : memref<8x128xi32, #tpu.memory_space<hbm>>) dst(%dma_wait3A_80 : memref<8x128xi32, #tpu.memory_space<vmem>>)
      tpu.yield
    }) : () -> ()
    %add3A_21 = arith.constant 8 : i32
    %add3A_22 = arith.addi %mul3A_19, %add3A_21 : i32
    %dma_start3A = arith.constant 1 : i32
    %dma_start3A_23 = arith.constant 0 : i32
    %dma_start3A_24 = arith.constant 0 : i32
    %dma_start3A_25 = tpu.memref_slice %arg6[%dma_start3A, %dma_start3A_23, %dma_start3A_24] : memref<2x8x128xi32, #tpu.memory_space<vmem>> -> memref<1x8x128xi32, #tpu.memory_space<vmem>>
    %dma_start3A_26 = tpu.memref_squeeze %dma_start3A_25 : memref<1x8x128xi32, #tpu.memory_space<vmem>> -> memref<8x128xi32, #tpu.memory_space<vmem>>
    %dma_start3A_27 = arith.constant 0 : i32
    %dma_start3A_28 = tpu.memref_slice %arg3[%add3A_22, %dma_start3A_27] : memref<50176x128xi32, #tpu.memory_space<hbm>> -> memref<8x128xi32, #tpu.memory_space<hbm>>
    %dma_start3A_29 = arith.constant 0 : i32
    %dma_start3A_30 = arith.constant 0 : i32
    %dma_start3A_31 = tpu.memref_slice %arg6[%dma_start3A, %dma_start3A_29, %dma_start3A_30] : memref<2x8x128xi32, #tpu.memory_space<vmem>> -> memref<1x8x128xi32, #tpu.memory_space<vmem>>
    %dma_start3A_32 = tpu.memref_squeeze %dma_start3A_31 : memref<1x8x128xi32, #tpu.memory_space<vmem>> -> memref<8x128xi32, #tpu.memory_space<vmem>>
    %dma_start3A_33 = arith.constant 0 : i32
    %dma_start3A_34 = tpu.memref_slice %arg3[%add3A_22, %dma_start3A_33] : memref<50176x128xi32, #tpu.memory_space<hbm>> -> memref<8x128xi32, #tpu.memory_space<hbm>>
    tpu.enqueue_dma source(%dma_start3A_34 : memref<8x128xi32, #tpu.memory_space<hbm>>) target(%dma_start3A_32 : memref<8x128xi32, #tpu.memory_space<vmem>>) target_semaphore(%arg11 : memref<!tpu.dma_semaphore, #tpu.memory_space<semaphore_mem>>)
    %dma_start3A_35 = arith.constant 1 : i32
    %dma_start3A_36 = arith.constant 0 : i32
    %dma_start3A_37 = arith.constant 0 : i32
    %dma_start3A_38 = tpu.memref_slice %arg7[%dma_start3A_35, %dma_start3A_36, %dma_start3A_37] : memref<2x8x128xi32, #tpu.memory_space<vmem>> -> memref<1x8x128xi32, #tpu.memory_space<vmem>>
    %dma_start3A_39 = tpu.memref_squeeze %dma_start3A_38 : memref<1x8x128xi32, #tpu.memory_space<vmem>> -> memref<8x128xi32, #tpu.memory_space<vmem>>
    %dma_start3A_40 = arith.constant 0 : i32
    %dma_start3A_41 = tpu.memref_slice %arg4[%add3A_22, %dma_start3A_40] : memref<50176x128xi32, #tpu.memory_space<hbm>> -> memref<8x128xi32, #tpu.memory_space<hbm>>
    %dma_start3A_42 = arith.constant 0 : i32
    %dma_start3A_43 = arith.constant 0 : i32
    %dma_start3A_44 = tpu.memref_slice %arg7[%dma_start3A_35, %dma_start3A_42, %dma_start3A_43] : memref<2x8x128xi32, #tpu.memory_space<vmem>> -> memref<1x8x128xi32, #tpu.memory_space<vmem>>
    %dma_start3A_45 = tpu.memref_squeeze %dma_start3A_44 : memref<1x8x128xi32, #tpu.memory_space<vmem>> -> memref<8x128xi32, #tpu.memory_space<vmem>>
    %dma_start3A_46 = arith.constant 0 : i32
    %dma_start3A_47 = tpu.memref_slice %arg4[%add3A_22, %dma_start3A_46] : memref<50176x128xi32, #tpu.memory_space<hbm>> -> memref<8x128xi32, #tpu.memory_space<hbm>>
    tpu.enqueue_dma source(%dma_start3A_47 : memref<8x128xi32, #tpu.memory_space<hbm>>) target(%dma_start3A_45 : memref<8x128xi32, #tpu.memory_space<vmem>>) target_semaphore(%arg11 : memref<!tpu.dma_semaphore, #tpu.memory_space<semaphore_mem>>)
    %scan3A_48 = arith.constant 0 : i32
    %scan3A_49 = arith.constant 0 : i32
    %scan3A_50 = arith.constant 196 : i32
    %scan3A_51 = arith.addi %scan3A_49, %scan3A_50 : i32
    %scan3A_52 = arith.constant 1 : i32
    %scan3A_53 = scf.for %scan3A_59 = %scan3A_49 to %scan3A_51 step %scan3A_52 iter_args(%scan3A_60 = %scan3A_48) -> (i32)  : i32 {
      %rem3A = arith.constant 2 : i32
      %rem3A_61 = arith.remsi %scan3A_59, %rem3A : i32
      %gt3A = arith.constant 0 : i32
      %gt3A_62 = arith.cmpi sgt, %scan3A_59, %gt3A : i32
      %convert_element_type3A = arith.extui %gt3A_62 : i1 to i32
      %cond3A = arith.constant 0 : i32
      %cond3A_63 = arith.cmpi ne, %convert_element_type3A, %cond3A : i32
      scf.if %cond3A_63 {
        %mul3A_454 = arith.constant 8 : i32
        %mul3A_455 = arith.muli %scan3A_59, %mul3A_454 : i32
        %add3A_456 = arith.addi %mul3A_19, %mul3A_455 : i32
        %dma_wait3A_457 = arith.constant 0 : i32
        %dma_wait3A_458 = arith.constant 0 : i32
        %dma_wait3A_459 = tpu.memref_slice %arg6[%rem3A_61, %dma_wait3A_457, %dma_wait3A_458] : memref<2x8x128xi32, #tpu.memory_space<vmem>> -> memref<1x8x128xi32, #tpu.memory_space<vmem>>
        %dma_wait3A_460 = tpu.memref_squeeze %dma_wait3A_459 : memref<1x8x128xi32, #tpu.memory_space<vmem>> -> memref<8x128xi32, #tpu.memory_space<vmem>>
        %dma_wait3A_461 = arith.constant 0 : i32
        %dma_wait3A_462 = tpu.memref_slice %arg3[%add3A_456, %dma_wait3A_461] : memref<50176x128xi32, #tpu.memory_space<hbm>> -> memref<8x128xi32, #tpu.memory_space<hbm>>
        %dma_wait3A_463 = arith.constant 0 : i32
        %dma_wait3A_464 = arith.constant 0 : i32
        %dma_wait3A_465 = tpu.memref_slice %arg6[%rem3A_61, %dma_wait3A_463, %dma_wait3A_464] : memref<2x8x128xi32, #tpu.memory_space<vmem>> -> memref<1x8x128xi32, #tpu.memory_space<vmem>>
        %dma_wait3A_466 = tpu.memref_squeeze %dma_wait3A_465 : memref<1x8x128xi32, #tpu.memory_space<vmem>> -> memref<8x128xi32, #tpu.memory_space<vmem>>
        %dma_wait3A_467 = arith.constant 0 : i32
        %dma_wait3A_468 = tpu.memref_slice %arg3[%add3A_456, %dma_wait3A_467] : memref<50176x128xi32, #tpu.memory_space<hbm>> -> memref<8x128xi32, #tpu.memory_space<hbm>>
        tpu.wait_dma2 semaphore(%arg11 : memref<!tpu.dma_semaphore, #tpu.memory_space<semaphore_mem>>) src(%dma_wait3A_468 : memref<8x128xi32, #tpu.memory_space<hbm>>) dst(%dma_wait3A_466 : memref<8x128xi32, #tpu.memory_space<vmem>>)
        %dma_wait3A_469 = arith.constant 0 : i32
        %dma_wait3A_470 = arith.constant 0 : i32
        %dma_wait3A_471 = tpu.memref_slice %arg7[%rem3A_61, %dma_wait3A_469, %dma_wait3A_470] : memref<2x8x128xi32, #tpu.memory_space<vmem>> -> memref<1x8x128xi32, #tpu.memory_space<vmem>>
        %dma_wait3A_472 = tpu.memref_squeeze %dma_wait3A_471 : memref<1x8x128xi32, #tpu.memory_space<vmem>> -> memref<8x128xi32, #tpu.memory_space<vmem>>
        %dma_wait3A_473 = arith.constant 0 : i32
        %dma_wait3A_474 = tpu.memref_slice %arg4[%add3A_456, %dma_wait3A_473] : memref<50176x128xi32, #tpu.memory_space<hbm>> -> memref<8x128xi32, #tpu.memory_space<hbm>>
        %dma_wait3A_475 = arith.constant 0 : i32
        %dma_wait3A_476 = arith.constant 0 : i32
        %dma_wait3A_477 = tpu.memref_slice %arg7[%rem3A_61, %dma_wait3A_475, %dma_wait3A_476] : memref<2x8x128xi32, #tpu.memory_space<vmem>> -> memref<1x8x128xi32, #tpu.memory_space<vmem>>
        %dma_wait3A_478 = tpu.memref_squeeze %dma_wait3A_477 : memref<1x8x128xi32, #tpu.memory_space<vmem>> -> memref<8x128xi32, #tpu.memory_space<vmem>>
        %dma_wait3A_479 = arith.constant 0 : i32
        %dma_wait3A_480 = tpu.memref_slice %arg4[%add3A_456, %dma_wait3A_479] : memref<50176x128xi32, #tpu.memory_space<hbm>> -> memref<8x128xi32, #tpu.memory_space<hbm>>
        tpu.wait_dma2 semaphore(%arg11 : memref<!tpu.dma_semaphore, #tpu.memory_space<semaphore_mem>>) src(%dma_wait3A_480 : memref<8x128xi32, #tpu.memory_space<hbm>>) dst(%dma_wait3A_478 : memref<8x128xi32, #tpu.memory_space<vmem>>)
      } else {
      }
      %add3A_64 = arith.constant 1 : i32
      %add3A_65 = arith.addi %scan3A_59, %add3A_64 : i32
      %lt3A = arith.constant 196 : i32
      %lt3A_66 = arith.cmpi slt, %add3A_65, %lt3A : i32
      %convert_element_type3A_67 = arith.extui %lt3A_66 : i1 to i32
      %cond3A_68 = arith.constant 0 : i32
      %cond3A_69 = arith.cmpi ne, %convert_element_type3A_67, %cond3A_68 : i32
      scf.if %cond3A_69 {
        %gt3A_454 = arith.constant 0 : i32
        %gt3A_455 = arith.cmpi sgt, %scan3A_59, %gt3A_454 : i32
        %convert_element_type3A_456 = arith.extui %gt3A_455 : i1 to i32
        %cond3A_457 = arith.constant 0 : i32
        %cond3A_458 = arith.cmpi ne, %convert_element_type3A_456, %cond3A_457 : i32
        scf.if %cond3A_458 {
          %add3A_459 = arith.constant 1 : i32
          %add3A_460 = arith.addi %scan3A_59, %add3A_459 : i32
          %sub3A = arith.constant 1 : i32
          %sub3A_461 = arith.subi %sub3A, %rem3A_61 : i32
          %mul3A_462 = arith.constant 8 : i32
          %mul3A_463 = arith.muli %add3A_460, %mul3A_462 : i32
          %add3A_464 = arith.addi %mul3A_19, %mul3A_463 : i32
          %dma_start3A_465 = arith.constant 0 : i32
          %dma_start3A_466 = arith.constant 0 : i32
          %dma_start3A_467 = tpu.memref_slice %arg6[%sub3A_461, %dma_start3A_465, %dma_start3A_466] : memref<2x8x128xi32, #tpu.memory_space<vmem>> -> memref<1x8x128xi32, #tpu.memory_space<vmem>>
          %dma_start3A_468 = tpu.memref_squeeze %dma_start3A_467 : memref<1x8x128xi32, #tpu.memory_space<vmem>> -> memref<8x128xi32, #tpu.memory_space<vmem>>
          %dma_start3A_469 = arith.constant 0 : i32
          %dma_start3A_470 = tpu.memref_slice %arg3[%add3A_464, %dma_start3A_469] : memref<50176x128xi32, #tpu.memory_space<hbm>> -> memref<8x128xi32, #tpu.memory_space<hbm>>
          %dma_start3A_471 = arith.constant 0 : i32
          %dma_start3A_472 = arith.constant 0 : i32
          %dma_start3A_473 = tpu.memref_slice %arg6[%sub3A_461, %dma_start3A_471, %dma_start3A_472] : memref<2x8x128xi32, #tpu.memory_space<vmem>> -> memref<1x8x128xi32, #tpu.memory_space<vmem>>
          %dma_start3A_474 = tpu.memref_squeeze %dma_start3A_473 : memref<1x8x128xi32, #tpu.memory_space<vmem>> -> memref<8x128xi32, #tpu.memory_space<vmem>>
          %dma_start3A_475 = arith.constant 0 : i32
          %dma_start3A_476 = tpu.memref_slice %arg3[%add3A_464, %dma_start3A_475] : memref<50176x128xi32, #tpu.memory_space<hbm>> -> memref<8x128xi32, #tpu.memory_space<hbm>>
          tpu.enqueue_dma source(%dma_start3A_476 : memref<8x128xi32, #tpu.memory_space<hbm>>) target(%dma_start3A_474 : memref<8x128xi32, #tpu.memory_space<vmem>>) target_semaphore(%arg11 : memref<!tpu.dma_semaphore, #tpu.memory_space<semaphore_mem>>)
          %dma_start3A_477 = arith.constant 0 : i32
          %dma_start3A_478 = arith.constant 0 : i32
          %dma_start3A_479 = tpu.memref_slice %arg7[%sub3A_461, %dma_start3A_477, %dma_start3A_478] : memref<2x8x128xi32, #tpu.memory_space<vmem>> -> memref<1x8x128xi32, #tpu.memory_space<vmem>>
          %dma_start3A_480 = tpu.memref_squeeze %dma_start3A_479 : memref<1x8x128xi32, #tpu.memory_space<vmem>> -> memref<8x128xi32, #tpu.memory_space<vmem>>
          %dma_start3A_481 = arith.constant 0 : i32
          %dma_start3A_482 = tpu.memref_slice %arg4[%add3A_464, %dma_start3A_481] : memref<50176x128xi32, #tpu.memory_space<hbm>> -> memref<8x128xi32, #tpu.memory_space<hbm>>
          %dma_start3A_483 = arith.constant 0 : i32
          %dma_start3A_484 = arith.constant 0 : i32
          %dma_start3A_485 = tpu.memref_slice %arg7[%sub3A_461, %dma_start3A_483, %dma_start3A_484] : memref<2x8x128xi32, #tpu.memory_space<vmem>> -> memref<1x8x128xi32, #tpu.memory_space<vmem>>
          %dma_start3A_486 = tpu.memref_squeeze %dma_start3A_485 : memref<1x8x128xi32, #tpu.memory_space<vmem>> -> memref<8x128xi32, #tpu.memory_space<vmem>>
          %dma_start3A_487 = arith.constant 0 : i32
          %dma_start3A_488 = tpu.memref_slice %arg4[%add3A_464, %dma_start3A_487] : memref<50176x128xi32, #tpu.memory_space<hbm>> -> memref<8x128xi32, #tpu.memory_space<hbm>>
          tpu.enqueue_dma source(%dma_start3A_488 : memref<8x128xi32, #tpu.memory_space<hbm>>) target(%dma_start3A_486 : memref<8x128xi32, #tpu.memory_space<vmem>>) target_semaphore(%arg11 : memref<!tpu.dma_semaphore, #tpu.memory_space<semaphore_mem>>)
        } else {
        }
      } else {
      }
      %dma_start3A_70 = arith.constant 0 : i32
      %dma_start3A_71 = arith.constant 0 : i32
      %dma_start3A_72 = arith.constant 0 : i32
      %dma_start3A_73 = arith.constant 0 : i32
      %dma_start3A_74 = tpu.memref_slice %arg8[%dma_start3A_71, %dma_start3A_72, %dma_start3A_73] : memref<8x128x16xf32, #tpu.memory_space<vmem>> -> memref<1x128x16xf32, #tpu.memory_space<vmem>>
      %dma_start3A_75 = tpu.memref_squeeze %dma_start3A_74 : memref<1x128x16xf32, #tpu.memory_space<vmem>> -> memref<128x16xf32, #tpu.memory_space<vmem>>
      %dma_start3A_76 = arith.constant 0 : i32
      %dma_start3A_77 = tpu.memref_slice %arg6[%rem3A_61, %dma_start3A_70, %dma_start3A_76] : memref<2x8x128xi32, #tpu.memory_space<vmem>> -> memref<1x1x128xi32, #tpu.memory_space<vmem>>
      %dma_start3A_78 = tpu.memref_squeeze %dma_start3A_77 : memref<1x1x128xi32, #tpu.memory_space<vmem>> -> memref<128xi32, #tpu.memory_space<vmem>>
      %dma_start3A_79 = arith.constant 0 : i32
      %dma_start3A_80 = arith.constant 0 : i32
      %dma_start3A_81 = tpu.memref_slice %arg2[%dma_start3A_79, %dma_start3A_80] : memref<100352x16xf32, #tpu.memory_space<hbm>> -> memref<100352x16xf32, #tpu.memory_space<hbm>>
      tpu.enqueue_indirect_dma source(%dma_start3A_81 : memref<100352x16xf32, #tpu.memory_space<hbm>>) target(%dma_start3A_75 : memref<128x16xf32, #tpu.memory_space<vmem>>) offsets(%dma_start3A_78 : memref<128xi32, #tpu.memory_space<vmem>>) semaphore(%arg12 : memref<!tpu.dma_semaphore, #tpu.memory_space<semaphore_mem>>)
      %dma_start3A_82 = arith.constant 1 : i32
      %dma_start3A_83 = arith.constant 1 : i32
      %dma_start3A_84 = arith.constant 0 : i32
      %dma_start3A_85 = arith.constant 0 : i32
      %dma_start3A_86 = tpu.memref_slice %arg8[%dma_start3A_83, %dma_start3A_84, %dma_start3A_85] : memref<8x128x16xf32, #tpu.memory_space<vmem>> -> memref<1x128x16xf32, #tpu.memory_space<vmem>>
      %dma_start3A_87 = tpu.memref_squeeze %dma_start3A_86 : memref<1x128x16xf32, #tpu.memory_space<vmem>> -> memref<128x16xf32, #tpu.memory_space<vmem>>
      %dma_start3A_88 = arith.constant 0 : i32
      %dma_start3A_89 = tpu.memref_slice %arg6[%rem3A_61, %dma_start3A_82, %dma_start3A_88] : memref<2x8x128xi32, #tpu.memory_space<vmem>> -> memref<1x1x128xi32, #tpu.memory_space<vmem>>
      %dma_start3A_90 = tpu.memref_squeeze %dma_start3A_89 : memref<1x1x128xi32, #tpu.memory_space<vmem>> -> memref<128xi32, #tpu.memory_space<vmem>>
      %dma_start3A_91 = arith.constant 0 : i32
      %dma_start3A_92 = arith.constant 0 : i32
      %dma_start3A_93 = tpu.memref_slice %arg2[%dma_start3A_91, %dma_start3A_92] : memref<100352x16xf32, #tpu.memory_space<hbm>> -> memref<100352x16xf32, #tpu.memory_space<hbm>>
      tpu.enqueue_indirect_dma source(%dma_start3A_93 : memref<100352x16xf32, #tpu.memory_space<hbm>>) target(%dma_start3A_87 : memref<128x16xf32, #tpu.memory_space<vmem>>) offsets(%dma_start3A_90 : memref<128xi32, #tpu.memory_space<vmem>>) semaphore(%arg12 : memref<!tpu.dma_semaphore, #tpu.memory_space<semaphore_mem>>)
      %dma_start3A_94 = arith.constant 2 : i32
      %dma_start3A_95 = arith.constant 2 : i32
      %dma_start3A_96 = arith.constant 0 : i32
      %dma_start3A_97 = arith.constant 0 : i32
      %dma_start3A_98 = tpu.memref_slice %arg8[%dma_start3A_95, %dma_start3A_96, %dma_start3A_97] : memref<8x128x16xf32, #tpu.memory_space<vmem>> -> memref<1x128x16xf32, #tpu.memory_space<vmem>>
      %dma_start3A_99 = tpu.memref_squeeze %dma_start3A_98 : memref<1x128x16xf32, #tpu.memory_space<vmem>> -> memref<128x16xf32, #tpu.memory_space<vmem>>
      %dma_start3A_100 = arith.constant 0 : i32
      %dma_start3A_101 = tpu.memref_slice %arg6[%rem3A_61, %dma_start3A_94, %dma_start3A_100] : memref<2x8x128xi32, #tpu.memory_space<vmem>> -> memref<1x1x128xi32, #tpu.memory_space<vmem>>
      %dma_start3A_102 = tpu.memref_squeeze %dma_start3A_101 : memref<1x1x128xi32, #tpu.memory_space<vmem>> -> memref<128xi32, #tpu.memory_space<vmem>>
      %dma_start3A_103 = arith.constant 0 : i32
      %dma_start3A_104 = arith.constant 0 : i32
      %dma_start3A_105 = tpu.memref_slice %arg2[%dma_start3A_103, %dma_start3A_104] : memref<100352x16xf32, #tpu.memory_space<hbm>> -> memref<100352x16xf32, #tpu.memory_space<hbm>>
      tpu.enqueue_indirect_dma source(%dma_start3A_105 : memref<100352x16xf32, #tpu.memory_space<hbm>>) target(%dma_start3A_99 : memref<128x16xf32, #tpu.memory_space<vmem>>) offsets(%dma_start3A_102 : memref<128xi32, #tpu.memory_space<vmem>>) semaphore(%arg12 : memref<!tpu.dma_semaphore, #tpu.memory_space<semaphore_mem>>)
      %dma_start3A_106 = arith.constant 3 : i32
      %dma_start3A_107 = arith.constant 3 : i32
      %dma_start3A_108 = arith.constant 0 : i32
      %dma_start3A_109 = arith.constant 0 : i32
      %dma_start3A_110 = tpu.memref_slice %arg8[%dma_start3A_107, %dma_start3A_108, %dma_start3A_109] : memref<8x128x16xf32, #tpu.memory_space<vmem>> -> memref<1x128x16xf32, #tpu.memory_space<vmem>>
      %dma_start3A_111 = tpu.memref_squeeze %dma_start3A_110 : memref<1x128x16xf32, #tpu.memory_space<vmem>> -> memref<128x16xf32, #tpu.memory_space<vmem>>
      %dma_start3A_112 = arith.constant 0 : i32
      %dma_start3A_113 = tpu.memref_slice %arg6[%rem3A_61, %dma_start3A_106, %dma_start3A_112] : memref<2x8x128xi32, #tpu.memory_space<vmem>> -> memref<1x1x128xi32, #tpu.memory_space<vmem>>
      %dma_start3A_114 = tpu.memref_squeeze %dma_start3A_113 : memref<1x1x128xi32, #tpu.memory_space<vmem>> -> memref<128xi32, #tpu.memory_space<vmem>>
      %dma_start3A_115 = arith.constant 0 : i32
      %dma_start3A_116 = arith.constant 0 : i32
      %dma_start3A_117 = tpu.memref_slice %arg2[%dma_start3A_115, %dma_start3A_116] : memref<100352x16xf32, #tpu.memory_space<hbm>> -> memref<100352x16xf32, #tpu.memory_space<hbm>>
      tpu.enqueue_indirect_dma source(%dma_start3A_117 : memref<100352x16xf32, #tpu.memory_space<hbm>>) target(%dma_start3A_111 : memref<128x16xf32, #tpu.memory_space<vmem>>) offsets(%dma_start3A_114 : memref<128xi32, #tpu.memory_space<vmem>>) semaphore(%arg12 : memref<!tpu.dma_semaphore, #tpu.memory_space<semaphore_mem>>)
      %dma_start3A_118 = arith.constant 4 : i32
      %dma_start3A_119 = arith.constant 4 : i32
      %dma_start3A_120 = arith.constant 0 : i32
      %dma_start3A_121 = arith.constant 0 : i32
      %dma_start3A_122 = tpu.memref_slice %arg8[%dma_start3A_119, %dma_start3A_120, %dma_start3A_121] : memref<8x128x16xf32, #tpu.memory_space<vmem>> -> memref<1x128x16xf32, #tpu.memory_space<vmem>>
      %dma_start3A_123 = tpu.memref_squeeze %dma_start3A_122 : memref<1x128x16xf32, #tpu.memory_space<vmem>> -> memref<128x16xf32, #tpu.memory_space<vmem>>
      %dma_start3A_124 = arith.constant 0 : i32
      %dma_start3A_125 = tpu.memref_slice %arg6[%rem3A_61, %dma_start3A_118, %dma_start3A_124] : memref<2x8x128xi32, #tpu.memory_space<vmem>> -> memref<1x1x128xi32, #tpu.memory_space<vmem>>
      %dma_start3A_126 = tpu.memref_squeeze %dma_start3A_125 : memref<1x1x128xi32, #tpu.memory_space<vmem>> -> memref<128xi32, #tpu.memory_space<vmem>>
      %dma_start3A_127 = arith.constant 0 : i32
      %dma_start3A_128 = arith.constant 0 : i32
      %dma_start3A_129 = tpu.memref_slice %arg2[%dma_start3A_127, %dma_start3A_128] : memref<100352x16xf32, #tpu.memory_space<hbm>> -> memref<100352x16xf32, #tpu.memory_space<hbm>>
      tpu.enqueue_indirect_dma source(%dma_start3A_129 : memref<100352x16xf32, #tpu.memory_space<hbm>>) target(%dma_start3A_123 : memref<128x16xf32, #tpu.memory_space<vmem>>) offsets(%dma_start3A_126 : memref<128xi32, #tpu.memory_space<vmem>>) semaphore(%arg12 : memref<!tpu.dma_semaphore, #tpu.memory_space<semaphore_mem>>)
      %dma_start3A_130 = arith.constant 5 : i32
      %dma_start3A_131 = arith.constant 5 : i32
      %dma_start3A_132 = arith.constant 0 : i32
      %dma_start3A_133 = arith.constant 0 : i32
      %dma_start3A_134 = tpu.memref_slice %arg8[%dma_start3A_131, %dma_start3A_132, %dma_start3A_133] : memref<8x128x16xf32, #tpu.memory_space<vmem>> -> memref<1x128x16xf32, #tpu.memory_space<vmem>>
      %dma_start3A_135 = tpu.memref_squeeze %dma_start3A_134 : memref<1x128x16xf32, #tpu.memory_space<vmem>> -> memref<128x16xf32, #tpu.memory_space<vmem>>
      %dma_start3A_136 = arith.constant 0 : i32
      %dma_start3A_137 = tpu.memref_slice %arg6[%rem3A_61, %dma_start3A_130, %dma_start3A_136] : memref<2x8x128xi32, #tpu.memory_space<vmem>> -> memref<1x1x128xi32, #tpu.memory_space<vmem>>
      %dma_start3A_138 = tpu.memref_squeeze %dma_start3A_137 : memref<1x1x128xi32, #tpu.memory_space<vmem>> -> memref<128xi32, #tpu.memory_space<vmem>>
      %dma_start3A_139 = arith.constant 0 : i32
      %dma_start3A_140 = arith.constant 0 : i32
      %dma_start3A_141 = tpu.memref_slice %arg2[%dma_start3A_139, %dma_start3A_140] : memref<100352x16xf32, #tpu.memory_space<hbm>> -> memref<100352x16xf32, #tpu.memory_space<hbm>>
      tpu.enqueue_indirect_dma source(%dma_start3A_141 : memref<100352x16xf32, #tpu.memory_space<hbm>>) target(%dma_start3A_135 : memref<128x16xf32, #tpu.memory_space<vmem>>) offsets(%dma_start3A_138 : memref<128xi32, #tpu.memory_space<vmem>>) semaphore(%arg12 : memref<!tpu.dma_semaphore, #tpu.memory_space<semaphore_mem>>)
      %dma_start3A_142 = arith.constant 6 : i32
      %dma_start3A_143 = arith.constant 6 : i32
      %dma_start3A_144 = arith.constant 0 : i32
      %dma_start3A_145 = arith.constant 0 : i32
      %dma_start3A_146 = tpu.memref_slice %arg8[%dma_start3A_143, %dma_start3A_144, %dma_start3A_145] : memref<8x128x16xf32, #tpu.memory_space<vmem>> -> memref<1x128x16xf32, #tpu.memory_space<vmem>>
      %dma_start3A_147 = tpu.memref_squeeze %dma_start3A_146 : memref<1x128x16xf32, #tpu.memory_space<vmem>> -> memref<128x16xf32, #tpu.memory_space<vmem>>
      %dma_start3A_148 = arith.constant 0 : i32
      %dma_start3A_149 = tpu.memref_slice %arg6[%rem3A_61, %dma_start3A_142, %dma_start3A_148] : memref<2x8x128xi32, #tpu.memory_space<vmem>> -> memref<1x1x128xi32, #tpu.memory_space<vmem>>
      %dma_start3A_150 = tpu.memref_squeeze %dma_start3A_149 : memref<1x1x128xi32, #tpu.memory_space<vmem>> -> memref<128xi32, #tpu.memory_space<vmem>>
      %dma_start3A_151 = arith.constant 0 : i32
      %dma_start3A_152 = arith.constant 0 : i32
      %dma_start3A_153 = tpu.memref_slice %arg2[%dma_start3A_151, %dma_start3A_152] : memref<100352x16xf32, #tpu.memory_space<hbm>> -> memref<100352x16xf32, #tpu.memory_space<hbm>>
      tpu.enqueue_indirect_dma source(%dma_start3A_153 : memref<100352x16xf32, #tpu.memory_space<hbm>>) target(%dma_start3A_147 : memref<128x16xf32, #tpu.memory_space<vmem>>) offsets(%dma_start3A_150 : memref<128xi32, #tpu.memory_space<vmem>>) semaphore(%arg12 : memref<!tpu.dma_semaphore, #tpu.memory_space<semaphore_mem>>)
      %dma_start3A_154 = arith.constant 7 : i32
      %dma_start3A_155 = arith.constant 7 : i32
      %dma_start3A_156 = arith.constant 0 : i32
      %dma_start3A_157 = arith.constant 0 : i32
      %dma_start3A_158 = tpu.memref_slice %arg8[%dma_start3A_155, %dma_start3A_156, %dma_start3A_157] : memref<8x128x16xf32, #tpu.memory_space<vmem>> -> memref<1x128x16xf32, #tpu.memory_space<vmem>>
      %dma_start3A_159 = tpu.memref_squeeze %dma_start3A_158 : memref<1x128x16xf32, #tpu.memory_space<vmem>> -> memref<128x16xf32, #tpu.memory_space<vmem>>
      %dma_start3A_160 = arith.constant 0 : i32
      %dma_start3A_161 = tpu.memref_slice %arg6[%rem3A_61, %dma_start3A_154, %dma_start3A_160] : memref<2x8x128xi32, #tpu.memory_space<vmem>> -> memref<1x1x128xi32, #tpu.memory_space<vmem>>
      %dma_start3A_162 = tpu.memref_squeeze %dma_start3A_161 : memref<1x1x128xi32, #tpu.memory_space<vmem>> -> memref<128xi32, #tpu.memory_space<vmem>>
      %dma_start3A_163 = arith.constant 0 : i32
      %dma_start3A_164 = arith.constant 0 : i32
      %dma_start3A_165 = tpu.memref_slice %arg2[%dma_start3A_163, %dma_start3A_164] : memref<100352x16xf32, #tpu.memory_space<hbm>> -> memref<100352x16xf32, #tpu.memory_space<hbm>>
      tpu.enqueue_indirect_dma source(%dma_start3A_165 : memref<100352x16xf32, #tpu.memory_space<hbm>>) target(%dma_start3A_159 : memref<128x16xf32, #tpu.memory_space<vmem>>) offsets(%dma_start3A_162 : memref<128xi32, #tpu.memory_space<vmem>>) semaphore(%arg12 : memref<!tpu.dma_semaphore, #tpu.memory_space<semaphore_mem>>)
      %dma_wait3A = arith.constant 0 : i32
      %dma_wait3A_166 = arith.constant 0 : i32
      %dma_wait3A_167 = arith.constant 0 : i32
      %dma_wait3A_168 = arith.constant 0 : i32
      %dma_wait3A_169 = tpu.memref_slice %arg8[%dma_wait3A_166, %dma_wait3A_167, %dma_wait3A_168] : memref<8x128x16xf32, #tpu.memory_space<vmem>> -> memref<1x128x16xf32, #tpu.memory_space<vmem>>
      %dma_wait3A_170 = tpu.memref_squeeze %dma_wait3A_169 : memref<1x128x16xf32, #tpu.memory_space<vmem>> -> memref<128x16xf32, #tpu.memory_space<vmem>>
      %dma_wait3A_171 = arith.constant 0 : i32
      %dma_wait3A_172 = tpu.memref_slice %arg6[%rem3A_61, %dma_wait3A, %dma_wait3A_171] : memref<2x8x128xi32, #tpu.memory_space<vmem>> -> memref<1x1x128xi32, #tpu.memory_space<vmem>>
      %dma_wait3A_173 = tpu.memref_squeeze %dma_wait3A_172 : memref<1x1x128xi32, #tpu.memory_space<vmem>> -> memref<128xi32, #tpu.memory_space<vmem>>
      %dma_wait3A_174 = arith.constant 0 : i32
      %dma_wait3A_175 = arith.constant 0 : i32
      %dma_wait3A_176 = tpu.memref_slice %arg2[%dma_wait3A_174, %dma_wait3A_175] : memref<100352x16xf32, #tpu.memory_space<hbm>> -> memref<100352x16xf32, #tpu.memory_space<hbm>>
      tpu.wait_indirect_dma semaphore(%arg12 : memref<!tpu.dma_semaphore, #tpu.memory_space<semaphore_mem>>) src(%dma_wait3A_176 : memref<100352x16xf32, #tpu.memory_space<hbm>>) dst(%dma_wait3A_170 : memref<128x16xf32, #tpu.memory_space<vmem>>)
      %dma_start3A_177 = arith.constant 0 : i32
      %dma_start3A_178 = arith.constant 0 : i32
      %dma_start3A_179 = arith.constant 0 : i32
      %dma_start3A_180 = arith.constant 0 : i32
      %dma_start3A_181 = tpu.memref_slice %arg8[%dma_start3A_177, %dma_start3A_179, %dma_start3A_180] : memref<8x128x16xf32, #tpu.memory_space<vmem>> -> memref<1x128x16xf32, #tpu.memory_space<vmem>>
      %dma_start3A_182 = tpu.memref_squeeze %dma_start3A_181 : memref<1x128x16xf32, #tpu.memory_space<vmem>> -> memref<128x16xf32, #tpu.memory_space<vmem>>
      %dma_start3A_183 = arith.constant 0 : i32
      %dma_start3A_184 = tpu.memref_slice %arg7[%rem3A_61, %dma_start3A_178, %dma_start3A_183] : memref<2x8x128xi32, #tpu.memory_space<vmem>> -> memref<1x1x128xi32, #tpu.memory_space<vmem>>
      %dma_start3A_185 = tpu.memref_squeeze %dma_start3A_184 : memref<1x1x128xi32, #tpu.memory_space<vmem>> -> memref<128xi32, #tpu.memory_space<vmem>>
      %dma_start3A_186 = arith.constant 0 : i32
      %dma_start3A_187 = arith.constant 0 : i32
      %dma_start3A_188 = tpu.memref_slice %arg10[%dma_start3A_186, %dma_start3A_187] : memref<100352x16xf32, #tpu.memory_space<vmem_shared>> -> memref<100352x16xf32, #tpu.memory_space<vmem_shared>>
      tpu.enqueue_indirect_dma source(%dma_start3A_182 : memref<128x16xf32, #tpu.memory_space<vmem>>) target(%dma_start3A_188 : memref<100352x16xf32, #tpu.memory_space<vmem_shared>>) offsets(%dma_start3A_185 : memref<128xi32, #tpu.memory_space<vmem>>) semaphore(%arg13 : memref<!tpu.dma_semaphore, #tpu.memory_space<semaphore_mem>>) {add = true}
      %dma_wait3A_189 = arith.constant 1 : i32
      %dma_wait3A_190 = arith.constant 1 : i32
      %dma_wait3A_191 = arith.constant 0 : i32
      %dma_wait3A_192 = arith.constant 0 : i32
      %dma_wait3A_193 = tpu.memref_slice %arg8[%dma_wait3A_190, %dma_wait3A_191, %dma_wait3A_192] : memref<8x128x16xf32, #tpu.memory_space<vmem>> -> memref<1x128x16xf32, #tpu.memory_space<vmem>>
      %dma_wait3A_194 = tpu.memref_squeeze %dma_wait3A_193 : memref<1x128x16xf32, #tpu.memory_space<vmem>> -> memref<128x16xf32, #tpu.memory_space<vmem>>
      %dma_wait3A_195 = arith.constant 0 : i32
      %dma_wait3A_196 = tpu.memref_slice %arg6[%rem3A_61, %dma_wait3A_189, %dma_wait3A_195] : memref<2x8x128xi32, #tpu.memory_space<vmem>> -> memref<1x1x128xi32, #tpu.memory_space<vmem>>
      %dma_wait3A_197 = tpu.memref_squeeze %dma_wait3A_196 : memref<1x1x128xi32, #tpu.memory_space<vmem>> -> memref<128xi32, #tpu.memory_space<vmem>>
      %dma_wait3A_198 = arith.constant 0 : i32
      %dma_wait3A_199 = arith.constant 0 : i32
      %dma_wait3A_200 = tpu.memref_slice %arg2[%dma_wait3A_198, %dma_wait3A_199] : memref<100352x16xf32, #tpu.memory_space<hbm>> -> memref<100352x16xf32, #tpu.memory_space<hbm>>
      tpu.wait_indirect_dma semaphore(%arg12 : memref<!tpu.dma_semaphore, #tpu.memory_space<semaphore_mem>>) src(%dma_wait3A_200 : memref<100352x16xf32, #tpu.memory_space<hbm>>) dst(%dma_wait3A_194 : memref<128x16xf32, #tpu.memory_space<vmem>>)
      %dma_start3A_201 = arith.constant 1 : i32
      %dma_start3A_202 = arith.constant 1 : i32
      %dma_start3A_203 = arith.constant 0 : i32
      %dma_start3A_204 = arith.constant 0 : i32
      %dma_start3A_205 = tpu.memref_slice %arg8[%dma_start3A_201, %dma_start3A_203, %dma_start3A_204] : memref<8x128x16xf32, #tpu.memory_space<vmem>> -> memref<1x128x16xf32, #tpu.memory_space<vmem>>
      %dma_start3A_206 = tpu.memref_squeeze %dma_start3A_205 : memref<1x128x16xf32, #tpu.memory_space<vmem>> -> memref<128x16xf32, #tpu.memory_space<vmem>>
      %dma_start3A_207 = arith.constant 0 : i32
      %dma_start3A_208 = tpu.memref_slice %arg7[%rem3A_61, %dma_start3A_202, %dma_start3A_207] : memref<2x8x128xi32, #tpu.memory_space<vmem>> -> memref<1x1x128xi32, #tpu.memory_space<vmem>>
      %dma_start3A_209 = tpu.memref_squeeze %dma_start3A_208 : memref<1x1x128xi32, #tpu.memory_space<vmem>> -> memref<128xi32, #tpu.memory_space<vmem>>
      %dma_start3A_210 = arith.constant 0 : i32
      %dma_start3A_211 = arith.constant 0 : i32
      %dma_start3A_212 = tpu.memref_slice %arg10[%dma_start3A_210, %dma_start3A_211] : memref<100352x16xf32, #tpu.memory_space<vmem_shared>> -> memref<100352x16xf32, #tpu.memory_space<vmem_shared>>
      tpu.enqueue_indirect_dma source(%dma_start3A_206 : memref<128x16xf32, #tpu.memory_space<vmem>>) target(%dma_start3A_212 : memref<100352x16xf32, #tpu.memory_space<vmem_shared>>) offsets(%dma_start3A_209 : memref<128xi32, #tpu.memory_space<vmem>>) semaphore(%arg13 : memref<!tpu.dma_semaphore, #tpu.memory_space<semaphore_mem>>) {add = true}
      %dma_wait3A_213 = arith.constant 2 : i32
      %dma_wait3A_214 = arith.constant 2 : i32
      %dma_wait3A_215 = arith.constant 0 : i32
      %dma_wait3A_216 = arith.constant 0 : i32
      %dma_wait3A_217 = tpu.memref_slice %arg8[%dma_wait3A_214, %dma_wait3A_215, %dma_wait3A_216] : memref<8x128x16xf32, #tpu.memory_space<vmem>> -> memref<1x128x16xf32, #tpu.memory_space<vmem>>
      %dma_wait3A_218 = tpu.memref_squeeze %dma_wait3A_217 : memref<1x128x16xf32, #tpu.memory_space<vmem>> -> memref<128x16xf32, #tpu.memory_space<vmem>>
      %dma_wait3A_219 = arith.constant 0 : i32
      %dma_wait3A_220 = tpu.memref_slice %arg6[%rem3A_61, %dma_wait3A_213, %dma_wait3A_219] : memref<2x8x128xi32, #tpu.memory_space<vmem>> -> memref<1x1x128xi32, #tpu.memory_space<vmem>>
      %dma_wait3A_221 = tpu.memref_squeeze %dma_wait3A_220 : memref<1x1x128xi32, #tpu.memory_space<vmem>> -> memref<128xi32, #tpu.memory_space<vmem>>
      %dma_wait3A_222 = arith.constant 0 : i32
      %dma_wait3A_223 = arith.constant 0 : i32
      %dma_wait3A_224 = tpu.memref_slice %arg2[%dma_wait3A_222, %dma_wait3A_223] : memref<100352x16xf32, #tpu.memory_space<hbm>> -> memref<100352x16xf32, #tpu.memory_space<hbm>>
      tpu.wait_indirect_dma semaphore(%arg12 : memref<!tpu.dma_semaphore, #tpu.memory_space<semaphore_mem>>) src(%dma_wait3A_224 : memref<100352x16xf32, #tpu.memory_space<hbm>>) dst(%dma_wait3A_218 : memref<128x16xf32, #tpu.memory_space<vmem>>)
      %dma_start3A_225 = arith.constant 2 : i32
      %dma_start3A_226 = arith.constant 2 : i32
      %dma_start3A_227 = arith.constant 0 : i32
      %dma_start3A_228 = arith.constant 0 : i32
      %dma_start3A_229 = tpu.memref_slice %arg8[%dma_start3A_225, %dma_start3A_227, %dma_start3A_228] : memref<8x128x16xf32, #tpu.memory_space<vmem>> -> memref<1x128x16xf32, #tpu.memory_space<vmem>>
      %dma_start3A_230 = tpu.memref_squeeze %dma_start3A_229 : memref<1x128x16xf32, #tpu.memory_space<vmem>> -> memref<128x16xf32, #tpu.memory_space<vmem>>
      %dma_start3A_231 = arith.constant 0 : i32
      %dma_start3A_232 = tpu.memref_slice %arg7[%rem3A_61, %dma_start3A_226, %dma_start3A_231] : memref<2x8x128xi32, #tpu.memory_space<vmem>> -> memref<1x1x128xi32, #tpu.memory_space<vmem>>
      %dma_start3A_233 = tpu.memref_squeeze %dma_start3A_232 : memref<1x1x128xi32, #tpu.memory_space<vmem>> -> memref<128xi32, #tpu.memory_space<vmem>>
      %dma_start3A_234 = arith.constant 0 : i32
      %dma_start3A_235 = arith.constant 0 : i32
      %dma_start3A_236 = tpu.memref_slice %arg10[%dma_start3A_234, %dma_start3A_235] : memref<100352x16xf32, #tpu.memory_space<vmem_shared>> -> memref<100352x16xf32, #tpu.memory_space<vmem_shared>>
      tpu.enqueue_indirect_dma source(%dma_start3A_230 : memref<128x16xf32, #tpu.memory_space<vmem>>) target(%dma_start3A_236 : memref<100352x16xf32, #tpu.memory_space<vmem_shared>>) offsets(%dma_start3A_233 : memref<128xi32, #tpu.memory_space<vmem>>) semaphore(%arg13 : memref<!tpu.dma_semaphore, #tpu.memory_space<semaphore_mem>>) {add = true}
      %dma_wait3A_237 = arith.constant 3 : i32
      %dma_wait3A_238 = arith.constant 3 : i32
      %dma_wait3A_239 = arith.constant 0 : i32
      %dma_wait3A_240 = arith.constant 0 : i32
      %dma_wait3A_241 = tpu.memref_slice %arg8[%dma_wait3A_238, %dma_wait3A_239, %dma_wait3A_240] : memref<8x128x16xf32, #tpu.memory_space<vmem>> -> memref<1x128x16xf32, #tpu.memory_space<vmem>>
      %dma_wait3A_242 = tpu.memref_squeeze %dma_wait3A_241 : memref<1x128x16xf32, #tpu.memory_space<vmem>> -> memref<128x16xf32, #tpu.memory_space<vmem>>
      %dma_wait3A_243 = arith.constant 0 : i32
      %dma_wait3A_244 = tpu.memref_slice %arg6[%rem3A_61, %dma_wait3A_237, %dma_wait3A_243] : memref<2x8x128xi32, #tpu.memory_space<vmem>> -> memref<1x1x128xi32, #tpu.memory_space<vmem>>
      %dma_wait3A_245 = tpu.memref_squeeze %dma_wait3A_244 : memref<1x1x128xi32, #tpu.memory_space<vmem>> -> memref<128xi32, #tpu.memory_space<vmem>>
      %dma_wait3A_246 = arith.constant 0 : i32
      %dma_wait3A_247 = arith.constant 0 : i32
      %dma_wait3A_248 = tpu.memref_slice %arg2[%dma_wait3A_246, %dma_wait3A_247] : memref<100352x16xf32, #tpu.memory_space<hbm>> -> memref<100352x16xf32, #tpu.memory_space<hbm>>
      tpu.wait_indirect_dma semaphore(%arg12 : memref<!tpu.dma_semaphore, #tpu.memory_space<semaphore_mem>>) src(%dma_wait3A_248 : memref<100352x16xf32, #tpu.memory_space<hbm>>) dst(%dma_wait3A_242 : memref<128x16xf32, #tpu.memory_space<vmem>>)
      %dma_start3A_249 = arith.constant 3 : i32
      %dma_start3A_250 = arith.constant 3 : i32
      %dma_start3A_251 = arith.constant 0 : i32
      %dma_start3A_252 = arith.constant 0 : i32
      %dma_start3A_253 = tpu.memref_slice %arg8[%dma_start3A_249, %dma_start3A_251, %dma_start3A_252] : memref<8x128x16xf32, #tpu.memory_space<vmem>> -> memref<1x128x16xf32, #tpu.memory_space<vmem>>
      %dma_start3A_254 = tpu.memref_squeeze %dma_start3A_253 : memref<1x128x16xf32, #tpu.memory_space<vmem>> -> memref<128x16xf32, #tpu.memory_space<vmem>>
      %dma_start3A_255 = arith.constant 0 : i32
      %dma_start3A_256 = tpu.memref_slice %arg7[%rem3A_61, %dma_start3A_250, %dma_start3A_255] : memref<2x8x128xi32, #tpu.memory_space<vmem>> -> memref<1x1x128xi32, #tpu.memory_space<vmem>>
      %dma_start3A_257 = tpu.memref_squeeze %dma_start3A_256 : memref<1x1x128xi32, #tpu.memory_space<vmem>> -> memref<128xi32, #tpu.memory_space<vmem>>
      %dma_start3A_258 = arith.constant 0 : i32
      %dma_start3A_259 = arith.constant 0 : i32
      %dma_start3A_260 = tpu.memref_slice %arg10[%dma_start3A_258, %dma_start3A_259] : memref<100352x16xf32, #tpu.memory_space<vmem_shared>> -> memref<100352x16xf32, #tpu.memory_space<vmem_shared>>
      tpu.enqueue_indirect_dma source(%dma_start3A_254 : memref<128x16xf32, #tpu.memory_space<vmem>>) target(%dma_start3A_260 : memref<100352x16xf32, #tpu.memory_space<vmem_shared>>) offsets(%dma_start3A_257 : memref<128xi32, #tpu.memory_space<vmem>>) semaphore(%arg13 : memref<!tpu.dma_semaphore, #tpu.memory_space<semaphore_mem>>) {add = true}
      %dma_wait3A_261 = arith.constant 4 : i32
      %dma_wait3A_262 = arith.constant 4 : i32
      %dma_wait3A_263 = arith.constant 0 : i32
      %dma_wait3A_264 = arith.constant 0 : i32
      %dma_wait3A_265 = tpu.memref_slice %arg8[%dma_wait3A_262, %dma_wait3A_263, %dma_wait3A_264] : memref<8x128x16xf32, #tpu.memory_space<vmem>> -> memref<1x128x16xf32, #tpu.memory_space<vmem>>
      %dma_wait3A_266 = tpu.memref_squeeze %dma_wait3A_265 : memref<1x128x16xf32, #tpu.memory_space<vmem>> -> memref<128x16xf32, #tpu.memory_space<vmem>>
      %dma_wait3A_267 = arith.constant 0 : i32
      %dma_wait3A_268 = tpu.memref_slice %arg6[%rem3A_61, %dma_wait3A_261, %dma_wait3A_267] : memref<2x8x128xi32, #tpu.memory_space<vmem>> -> memref<1x1x128xi32, #tpu.memory_space<vmem>>
      %dma_wait3A_269 = tpu.memref_squeeze %dma_wait3A_268 : memref<1x1x128xi32, #tpu.memory_space<vmem>> -> memref<128xi32, #tpu.memory_space<vmem>>
      %dma_wait3A_270 = arith.constant 0 : i32
      %dma_wait3A_271 = arith.constant 0 : i32
      %dma_wait3A_272 = tpu.memref_slice %arg2[%dma_wait3A_270, %dma_wait3A_271] : memref<100352x16xf32, #tpu.memory_space<hbm>> -> memref<100352x16xf32, #tpu.memory_space<hbm>>
      tpu.wait_indirect_dma semaphore(%arg12 : memref<!tpu.dma_semaphore, #tpu.memory_space<semaphore_mem>>) src(%dma_wait3A_272 : memref<100352x16xf32, #tpu.memory_space<hbm>>) dst(%dma_wait3A_266 : memref<128x16xf32, #tpu.memory_space<vmem>>)
      %dma_start3A_273 = arith.constant 4 : i32
      %dma_start3A_274 = arith.constant 4 : i32
      %dma_start3A_275 = arith.constant 0 : i32
      %dma_start3A_276 = arith.constant 0 : i32
      %dma_start3A_277 = tpu.memref_slice %arg8[%dma_start3A_273, %dma_start3A_275, %dma_start3A_276] : memref<8x128x16xf32, #tpu.memory_space<vmem>> -> memref<1x128x16xf32, #tpu.memory_space<vmem>>
      %dma_start3A_278 = tpu.memref_squeeze %dma_start3A_277 : memref<1x128x16xf32, #tpu.memory_space<vmem>> -> memref<128x16xf32, #tpu.memory_space<vmem>>
      %dma_start3A_279 = arith.constant 0 : i32
      %dma_start3A_280 = tpu.memref_slice %arg7[%rem3A_61, %dma_start3A_274, %dma_start3A_279] : memref<2x8x128xi32, #tpu.memory_space<vmem>> -> memref<1x1x128xi32, #tpu.memory_space<vmem>>
      %dma_start3A_281 = tpu.memref_squeeze %dma_start3A_280 : memref<1x1x128xi32, #tpu.memory_space<vmem>> -> memref<128xi32, #tpu.memory_space<vmem>>
      %dma_start3A_282 = arith.constant 0 : i32
      %dma_start3A_283 = arith.constant 0 : i32
      %dma_start3A_284 = tpu.memref_slice %arg10[%dma_start3A_282, %dma_start3A_283] : memref<100352x16xf32, #tpu.memory_space<vmem_shared>> -> memref<100352x16xf32, #tpu.memory_space<vmem_shared>>
      tpu.enqueue_indirect_dma source(%dma_start3A_278 : memref<128x16xf32, #tpu.memory_space<vmem>>) target(%dma_start3A_284 : memref<100352x16xf32, #tpu.memory_space<vmem_shared>>) offsets(%dma_start3A_281 : memref<128xi32, #tpu.memory_space<vmem>>) semaphore(%arg13 : memref<!tpu.dma_semaphore, #tpu.memory_space<semaphore_mem>>) {add = true}
      %dma_wait3A_285 = arith.constant 5 : i32
      %dma_wait3A_286 = arith.constant 5 : i32
      %dma_wait3A_287 = arith.constant 0 : i32
      %dma_wait3A_288 = arith.constant 0 : i32
      %dma_wait3A_289 = tpu.memref_slice %arg8[%dma_wait3A_286, %dma_wait3A_287, %dma_wait3A_288] : memref<8x128x16xf32, #tpu.memory_space<vmem>> -> memref<1x128x16xf32, #tpu.memory_space<vmem>>
      %dma_wait3A_290 = tpu.memref_squeeze %dma_wait3A_289 : memref<1x128x16xf32, #tpu.memory_space<vmem>> -> memref<128x16xf32, #tpu.memory_space<vmem>>
      %dma_wait3A_291 = arith.constant 0 : i32
      %dma_wait3A_292 = tpu.memref_slice %arg6[%rem3A_61, %dma_wait3A_285, %dma_wait3A_291] : memref<2x8x128xi32, #tpu.memory_space<vmem>> -> memref<1x1x128xi32, #tpu.memory_space<vmem>>
      %dma_wait3A_293 = tpu.memref_squeeze %dma_wait3A_292 : memref<1x1x128xi32, #tpu.memory_space<vmem>> -> memref<128xi32, #tpu.memory_space<vmem>>
      %dma_wait3A_294 = arith.constant 0 : i32
      %dma_wait3A_295 = arith.constant 0 : i32
      %dma_wait3A_296 = tpu.memref_slice %arg2[%dma_wait3A_294, %dma_wait3A_295] : memref<100352x16xf32, #tpu.memory_space<hbm>> -> memref<100352x16xf32, #tpu.memory_space<hbm>>
      tpu.wait_indirect_dma semaphore(%arg12 : memref<!tpu.dma_semaphore, #tpu.memory_space<semaphore_mem>>) src(%dma_wait3A_296 : memref<100352x16xf32, #tpu.memory_space<hbm>>) dst(%dma_wait3A_290 : memref<128x16xf32, #tpu.memory_space<vmem>>)
      %dma_start3A_297 = arith.constant 5 : i32
      %dma_start3A_298 = arith.constant 5 : i32
      %dma_start3A_299 = arith.constant 0 : i32
      %dma_start3A_300 = arith.constant 0 : i32
      %dma_start3A_301 = tpu.memref_slice %arg8[%dma_start3A_297, %dma_start3A_299, %dma_start3A_300] : memref<8x128x16xf32, #tpu.memory_space<vmem>> -> memref<1x128x16xf32, #tpu.memory_space<vmem>>
      %dma_start3A_302 = tpu.memref_squeeze %dma_start3A_301 : memref<1x128x16xf32, #tpu.memory_space<vmem>> -> memref<128x16xf32, #tpu.memory_space<vmem>>
      %dma_start3A_303 = arith.constant 0 : i32
      %dma_start3A_304 = tpu.memref_slice %arg7[%rem3A_61, %dma_start3A_298, %dma_start3A_303] : memref<2x8x128xi32, #tpu.memory_space<vmem>> -> memref<1x1x128xi32, #tpu.memory_space<vmem>>
      %dma_start3A_305 = tpu.memref_squeeze %dma_start3A_304 : memref<1x1x128xi32, #tpu.memory_space<vmem>> -> memref<128xi32, #tpu.memory_space<vmem>>
      %dma_start3A_306 = arith.constant 0 : i32
      %dma_start3A_307 = arith.constant 0 : i32
      %dma_start3A_308 = tpu.memref_slice %arg10[%dma_start3A_306, %dma_start3A_307] : memref<100352x16xf32, #tpu.memory_space<vmem_shared>> -> memref<100352x16xf32, #tpu.memory_space<vmem_shared>>
      tpu.enqueue_indirect_dma source(%dma_start3A_302 : memref<128x16xf32, #tpu.memory_space<vmem>>) target(%dma_start3A_308 : memref<100352x16xf32, #tpu.memory_space<vmem_shared>>) offsets(%dma_start3A_305 : memref<128xi32, #tpu.memory_space<vmem>>) semaphore(%arg13 : memref<!tpu.dma_semaphore, #tpu.memory_space<semaphore_mem>>) {add = true}
      %dma_wait3A_309 = arith.constant 6 : i32
      %dma_wait3A_310 = arith.constant 6 : i32
      %dma_wait3A_311 = arith.constant 0 : i32
      %dma_wait3A_312 = arith.constant 0 : i32
      %dma_wait3A_313 = tpu.memref_slice %arg8[%dma_wait3A_310, %dma_wait3A_311, %dma_wait3A_312] : memref<8x128x16xf32, #tpu.memory_space<vmem>> -> memref<1x128x16xf32, #tpu.memory_space<vmem>>
      %dma_wait3A_314 = tpu.memref_squeeze %dma_wait3A_313 : memref<1x128x16xf32, #tpu.memory_space<vmem>> -> memref<128x16xf32, #tpu.memory_space<vmem>>
      %dma_wait3A_315 = arith.constant 0 : i32
      %dma_wait3A_316 = tpu.memref_slice %arg6[%rem3A_61, %dma_wait3A_309, %dma_wait3A_315] : memref<2x8x128xi32, #tpu.memory_space<vmem>> -> memref<1x1x128xi32, #tpu.memory_space<vmem>>
      %dma_wait3A_317 = tpu.memref_squeeze %dma_wait3A_316 : memref<1x1x128xi32, #tpu.memory_space<vmem>> -> memref<128xi32, #tpu.memory_space<vmem>>
      %dma_wait3A_318 = arith.constant 0 : i32
      %dma_wait3A_319 = arith.constant 0 : i32
      %dma_wait3A_320 = tpu.memref_slice %arg2[%dma_wait3A_318, %dma_wait3A_319] : memref<100352x16xf32, #tpu.memory_space<hbm>> -> memref<100352x16xf32, #tpu.memory_space<hbm>>
      tpu.wait_indirect_dma semaphore(%arg12 : memref<!tpu.dma_semaphore, #tpu.memory_space<semaphore_mem>>) src(%dma_wait3A_320 : memref<100352x16xf32, #tpu.memory_space<hbm>>) dst(%dma_wait3A_314 : memref<128x16xf32, #tpu.memory_space<vmem>>)
      %dma_start3A_321 = arith.constant 6 : i32
      %dma_start3A_322 = arith.constant 6 : i32
      %dma_start3A_323 = arith.constant 0 : i32
      %dma_start3A_324 = arith.constant 0 : i32
      %dma_start3A_325 = tpu.memref_slice %arg8[%dma_start3A_321, %dma_start3A_323, %dma_start3A_324] : memref<8x128x16xf32, #tpu.memory_space<vmem>> -> memref<1x128x16xf32, #tpu.memory_space<vmem>>
      %dma_start3A_326 = tpu.memref_squeeze %dma_start3A_325 : memref<1x128x16xf32, #tpu.memory_space<vmem>> -> memref<128x16xf32, #tpu.memory_space<vmem>>
      %dma_start3A_327 = arith.constant 0 : i32
      %dma_start3A_328 = tpu.memref_slice %arg7[%rem3A_61, %dma_start3A_322, %dma_start3A_327] : memref<2x8x128xi32, #tpu.memory_space<vmem>> -> memref<1x1x128xi32, #tpu.memory_space<vmem>>
      %dma_start3A_329 = tpu.memref_squeeze %dma_start3A_328 : memref<1x1x128xi32, #tpu.memory_space<vmem>> -> memref<128xi32, #tpu.memory_space<vmem>>
      %dma_start3A_330 = arith.constant 0 : i32
      %dma_start3A_331 = arith.constant 0 : i32
      %dma_start3A_332 = tpu.memref_slice %arg10[%dma_start3A_330, %dma_start3A_331] : memref<100352x16xf32, #tpu.memory_space<vmem_shared>> -> memref<100352x16xf32, #tpu.memory_space<vmem_shared>>
      tpu.enqueue_indirect_dma source(%dma_start3A_326 : memref<128x16xf32, #tpu.memory_space<vmem>>) target(%dma_start3A_332 : memref<100352x16xf32, #tpu.memory_space<vmem_shared>>) offsets(%dma_start3A_329 : memref<128xi32, #tpu.memory_space<vmem>>) semaphore(%arg13 : memref<!tpu.dma_semaphore, #tpu.memory_space<semaphore_mem>>) {add = true}
      %dma_wait3A_333 = arith.constant 7 : i32
      %dma_wait3A_334 = arith.constant 7 : i32
      %dma_wait3A_335 = arith.constant 0 : i32
      %dma_wait3A_336 = arith.constant 0 : i32
      %dma_wait3A_337 = tpu.memref_slice %arg8[%dma_wait3A_334, %dma_wait3A_335, %dma_wait3A_336] : memref<8x128x16xf32, #tpu.memory_space<vmem>> -> memref<1x128x16xf32, #tpu.memory_space<vmem>>
      %dma_wait3A_338 = tpu.memref_squeeze %dma_wait3A_337 : memref<1x128x16xf32, #tpu.memory_space<vmem>> -> memref<128x16xf32, #tpu.memory_space<vmem>>
      %dma_wait3A_339 = arith.constant 0 : i32
      %dma_wait3A_340 = tpu.memref_slice %arg6[%rem3A_61, %dma_wait3A_333, %dma_wait3A_339] : memref<2x8x128xi32, #tpu.memory_space<vmem>> -> memref<1x1x128xi32, #tpu.memory_space<vmem>>
      %dma_wait3A_341 = tpu.memref_squeeze %dma_wait3A_340 : memref<1x1x128xi32, #tpu.memory_space<vmem>> -> memref<128xi32, #tpu.memory_space<vmem>>
      %dma_wait3A_342 = arith.constant 0 : i32
      %dma_wait3A_343 = arith.constant 0 : i32
      %dma_wait3A_344 = tpu.memref_slice %arg2[%dma_wait3A_342, %dma_wait3A_343] : memref<100352x16xf32, #tpu.memory_space<hbm>> -> memref<100352x16xf32, #tpu.memory_space<hbm>>
      tpu.wait_indirect_dma semaphore(%arg12 : memref<!tpu.dma_semaphore, #tpu.memory_space<semaphore_mem>>) src(%dma_wait3A_344 : memref<100352x16xf32, #tpu.memory_space<hbm>>) dst(%dma_wait3A_338 : memref<128x16xf32, #tpu.memory_space<vmem>>)
      %dma_start3A_345 = arith.constant 7 : i32
      %dma_start3A_346 = arith.constant 7 : i32
      %dma_start3A_347 = arith.constant 0 : i32
      %dma_start3A_348 = arith.constant 0 : i32
      %dma_start3A_349 = tpu.memref_slice %arg8[%dma_start3A_345, %dma_start3A_347, %dma_start3A_348] : memref<8x128x16xf32, #tpu.memory_space<vmem>> -> memref<1x128x16xf32, #tpu.memory_space<vmem>>
      %dma_start3A_350 = tpu.memref_squeeze %dma_start3A_349 : memref<1x128x16xf32, #tpu.memory_space<vmem>> -> memref<128x16xf32, #tpu.memory_space<vmem>>
      %dma_start3A_351 = arith.constant 0 : i32
      %dma_start3A_352 = tpu.memref_slice %arg7[%rem3A_61, %dma_start3A_346, %dma_start3A_351] : memref<2x8x128xi32, #tpu.memory_space<vmem>> -> memref<1x1x128xi32, #tpu.memory_space<vmem>>
      %dma_start3A_353 = tpu.memref_squeeze %dma_start3A_352 : memref<1x1x128xi32, #tpu.memory_space<vmem>> -> memref<128xi32, #tpu.memory_space<vmem>>
      %dma_start3A_354 = arith.constant 0 : i32
      %dma_start3A_355 = arith.constant 0 : i32
      %dma_start3A_356 = tpu.memref_slice %arg10[%dma_start3A_354, %dma_start3A_355] : memref<100352x16xf32, #tpu.memory_space<vmem_shared>> -> memref<100352x16xf32, #tpu.memory_space<vmem_shared>>
      tpu.enqueue_indirect_dma source(%dma_start3A_350 : memref<128x16xf32, #tpu.memory_space<vmem>>) target(%dma_start3A_356 : memref<100352x16xf32, #tpu.memory_space<vmem_shared>>) offsets(%dma_start3A_353 : memref<128xi32, #tpu.memory_space<vmem>>) semaphore(%arg13 : memref<!tpu.dma_semaphore, #tpu.memory_space<semaphore_mem>>) {add = true}
      %dma_wait3A_357 = arith.constant 0 : i32
      %dma_wait3A_358 = arith.constant 0 : i32
      %dma_wait3A_359 = arith.constant 0 : i32
      %dma_wait3A_360 = arith.constant 0 : i32
      %dma_wait3A_361 = tpu.memref_slice %arg8[%dma_wait3A_357, %dma_wait3A_359, %dma_wait3A_360] : memref<8x128x16xf32, #tpu.memory_space<vmem>> -> memref<1x128x16xf32, #tpu.memory_space<vmem>>
      %dma_wait3A_362 = tpu.memref_squeeze %dma_wait3A_361 : memref<1x128x16xf32, #tpu.memory_space<vmem>> -> memref<128x16xf32, #tpu.memory_space<vmem>>
      %dma_wait3A_363 = arith.constant 0 : i32
      %dma_wait3A_364 = tpu.memref_slice %arg7[%rem3A_61, %dma_wait3A_358, %dma_wait3A_363] : memref<2x8x128xi32, #tpu.memory_space<vmem>> -> memref<1x1x128xi32, #tpu.memory_space<vmem>>
      %dma_wait3A_365 = tpu.memref_squeeze %dma_wait3A_364 : memref<1x1x128xi32, #tpu.memory_space<vmem>> -> memref<128xi32, #tpu.memory_space<vmem>>
      %dma_wait3A_366 = arith.constant 0 : i32
      %dma_wait3A_367 = arith.constant 0 : i32
      %dma_wait3A_368 = tpu.memref_slice %arg10[%dma_wait3A_366, %dma_wait3A_367] : memref<100352x16xf32, #tpu.memory_space<vmem_shared>> -> memref<100352x16xf32, #tpu.memory_space<vmem_shared>>
      tpu.wait_indirect_dma semaphore(%arg13 : memref<!tpu.dma_semaphore, #tpu.memory_space<semaphore_mem>>) src(%dma_wait3A_362 : memref<128x16xf32, #tpu.memory_space<vmem>>) dst(%dma_wait3A_368 : memref<100352x16xf32, #tpu.memory_space<vmem_shared>>)
      %dma_wait3A_369 = arith.constant 1 : i32
      %dma_wait3A_370 = arith.constant 1 : i32
      %dma_wait3A_371 = arith.constant 0 : i32
      %dma_wait3A_372 = arith.constant 0 : i32
      %dma_wait3A_373 = tpu.memref_slice %arg8[%dma_wait3A_369, %dma_wait3A_371, %dma_wait3A_372] : memref<8x128x16xf32, #tpu.memory_space<vmem>> -> memref<1x128x16xf32, #tpu.memory_space<vmem>>
      %dma_wait3A_374 = tpu.memref_squeeze %dma_wait3A_373 : memref<1x128x16xf32, #tpu.memory_space<vmem>> -> memref<128x16xf32, #tpu.memory_space<vmem>>
      %dma_wait3A_375 = arith.constant 0 : i32
      %dma_wait3A_376 = tpu.memref_slice %arg7[%rem3A_61, %dma_wait3A_370, %dma_wait3A_375] : memref<2x8x128xi32, #tpu.memory_space<vmem>> -> memref<1x1x128xi32, #tpu.memory_space<vmem>>
      %dma_wait3A_377 = tpu.memref_squeeze %dma_wait3A_376 : memref<1x1x128xi32, #tpu.memory_space<vmem>> -> memref<128xi32, #tpu.memory_space<vmem>>
      %dma_wait3A_378 = arith.constant 0 : i32
      %dma_wait3A_379 = arith.constant 0 : i32
      %dma_wait3A_380 = tpu.memref_slice %arg10[%dma_wait3A_378, %dma_wait3A_379] : memref<100352x16xf32, #tpu.memory_space<vmem_shared>> -> memref<100352x16xf32, #tpu.memory_space<vmem_shared>>
      tpu.wait_indirect_dma semaphore(%arg13 : memref<!tpu.dma_semaphore, #tpu.memory_space<semaphore_mem>>) src(%dma_wait3A_374 : memref<128x16xf32, #tpu.memory_space<vmem>>) dst(%dma_wait3A_380 : memref<100352x16xf32, #tpu.memory_space<vmem_shared>>)
      %dma_wait3A_381 = arith.constant 2 : i32
      %dma_wait3A_382 = arith.constant 2 : i32
      %dma_wait3A_383 = arith.constant 0 : i32
      %dma_wait3A_384 = arith.constant 0 : i32
      %dma_wait3A_385 = tpu.memref_slice %arg8[%dma_wait3A_381, %dma_wait3A_383, %dma_wait3A_384] : memref<8x128x16xf32, #tpu.memory_space<vmem>> -> memref<1x128x16xf32, #tpu.memory_space<vmem>>
      %dma_wait3A_386 = tpu.memref_squeeze %dma_wait3A_385 : memref<1x128x16xf32, #tpu.memory_space<vmem>> -> memref<128x16xf32, #tpu.memory_space<vmem>>
      %dma_wait3A_387 = arith.constant 0 : i32
      %dma_wait3A_388 = tpu.memref_slice %arg7[%rem3A_61, %dma_wait3A_382, %dma_wait3A_387] : memref<2x8x128xi32, #tpu.memory_space<vmem>> -> memref<1x1x128xi32, #tpu.memory_space<vmem>>
      %dma_wait3A_389 = tpu.memref_squeeze %dma_wait3A_388 : memref<1x1x128xi32, #tpu.memory_space<vmem>> -> memref<128xi32, #tpu.memory_space<vmem>>
      %dma_wait3A_390 = arith.constant 0 : i32
      %dma_wait3A_391 = arith.constant 0 : i32
      %dma_wait3A_392 = tpu.memref_slice %arg10[%dma_wait3A_390, %dma_wait3A_391] : memref<100352x16xf32, #tpu.memory_space<vmem_shared>> -> memref<100352x16xf32, #tpu.memory_space<vmem_shared>>
      tpu.wait_indirect_dma semaphore(%arg13 : memref<!tpu.dma_semaphore, #tpu.memory_space<semaphore_mem>>) src(%dma_wait3A_386 : memref<128x16xf32, #tpu.memory_space<vmem>>) dst(%dma_wait3A_392 : memref<100352x16xf32, #tpu.memory_space<vmem_shared>>)
      %dma_wait3A_393 = arith.constant 3 : i32
      %dma_wait3A_394 = arith.constant 3 : i32
      %dma_wait3A_395 = arith.constant 0 : i32
      %dma_wait3A_396 = arith.constant 0 : i32
      %dma_wait3A_397 = tpu.memref_slice %arg8[%dma_wait3A_393, %dma_wait3A_395, %dma_wait3A_396] : memref<8x128x16xf32, #tpu.memory_space<vmem>> -> memref<1x128x16xf32, #tpu.memory_space<vmem>>
      %dma_wait3A_398 = tpu.memref_squeeze %dma_wait3A_397 : memref<1x128x16xf32, #tpu.memory_space<vmem>> -> memref<128x16xf32, #tpu.memory_space<vmem>>
      %dma_wait3A_399 = arith.constant 0 : i32
      %dma_wait3A_400 = tpu.memref_slice %arg7[%rem3A_61, %dma_wait3A_394, %dma_wait3A_399] : memref<2x8x128xi32, #tpu.memory_space<vmem>> -> memref<1x1x128xi32, #tpu.memory_space<vmem>>
      %dma_wait3A_401 = tpu.memref_squeeze %dma_wait3A_400 : memref<1x1x128xi32, #tpu.memory_space<vmem>> -> memref<128xi32, #tpu.memory_space<vmem>>
      %dma_wait3A_402 = arith.constant 0 : i32
      %dma_wait3A_403 = arith.constant 0 : i32
      %dma_wait3A_404 = tpu.memref_slice %arg10[%dma_wait3A_402, %dma_wait3A_403] : memref<100352x16xf32, #tpu.memory_space<vmem_shared>> -> memref<100352x16xf32, #tpu.memory_space<vmem_shared>>
      tpu.wait_indirect_dma semaphore(%arg13 : memref<!tpu.dma_semaphore, #tpu.memory_space<semaphore_mem>>) src(%dma_wait3A_398 : memref<128x16xf32, #tpu.memory_space<vmem>>) dst(%dma_wait3A_404 : memref<100352x16xf32, #tpu.memory_space<vmem_shared>>)
      %dma_wait3A_405 = arith.constant 4 : i32
      %dma_wait3A_406 = arith.constant 4 : i32
      %dma_wait3A_407 = arith.constant 0 : i32
      %dma_wait3A_408 = arith.constant 0 : i32
      %dma_wait3A_409 = tpu.memref_slice %arg8[%dma_wait3A_405, %dma_wait3A_407, %dma_wait3A_408] : memref<8x128x16xf32, #tpu.memory_space<vmem>> -> memref<1x128x16xf32, #tpu.memory_space<vmem>>
      %dma_wait3A_410 = tpu.memref_squeeze %dma_wait3A_409 : memref<1x128x16xf32, #tpu.memory_space<vmem>> -> memref<128x16xf32, #tpu.memory_space<vmem>>
      %dma_wait3A_411 = arith.constant 0 : i32
      %dma_wait3A_412 = tpu.memref_slice %arg7[%rem3A_61, %dma_wait3A_406, %dma_wait3A_411] : memref<2x8x128xi32, #tpu.memory_space<vmem>> -> memref<1x1x128xi32, #tpu.memory_space<vmem>>
      %dma_wait3A_413 = tpu.memref_squeeze %dma_wait3A_412 : memref<1x1x128xi32, #tpu.memory_space<vmem>> -> memref<128xi32, #tpu.memory_space<vmem>>
      %dma_wait3A_414 = arith.constant 0 : i32
      %dma_wait3A_415 = arith.constant 0 : i32
      %dma_wait3A_416 = tpu.memref_slice %arg10[%dma_wait3A_414, %dma_wait3A_415] : memref<100352x16xf32, #tpu.memory_space<vmem_shared>> -> memref<100352x16xf32, #tpu.memory_space<vmem_shared>>
      tpu.wait_indirect_dma semaphore(%arg13 : memref<!tpu.dma_semaphore, #tpu.memory_space<semaphore_mem>>) src(%dma_wait3A_410 : memref<128x16xf32, #tpu.memory_space<vmem>>) dst(%dma_wait3A_416 : memref<100352x16xf32, #tpu.memory_space<vmem_shared>>)
      %dma_wait3A_417 = arith.constant 5 : i32
      %dma_wait3A_418 = arith.constant 5 : i32
      %dma_wait3A_419 = arith.constant 0 : i32
      %dma_wait3A_420 = arith.constant 0 : i32
      %dma_wait3A_421 = tpu.memref_slice %arg8[%dma_wait3A_417, %dma_wait3A_419, %dma_wait3A_420] : memref<8x128x16xf32, #tpu.memory_space<vmem>> -> memref<1x128x16xf32, #tpu.memory_space<vmem>>
      %dma_wait3A_422 = tpu.memref_squeeze %dma_wait3A_421 : memref<1x128x16xf32, #tpu.memory_space<vmem>> -> memref<128x16xf32, #tpu.memory_space<vmem>>
      %dma_wait3A_423 = arith.constant 0 : i32
      %dma_wait3A_424 = tpu.memref_slice %arg7[%rem3A_61, %dma_wait3A_418, %dma_wait3A_423] : memref<2x8x128xi32, #tpu.memory_space<vmem>> -> memref<1x1x128xi32, #tpu.memory_space<vmem>>
      %dma_wait3A_425 = tpu.memref_squeeze %dma_wait3A_424 : memref<1x1x128xi32, #tpu.memory_space<vmem>> -> memref<128xi32, #tpu.memory_space<vmem>>
      %dma_wait3A_426 = arith.constant 0 : i32
      %dma_wait3A_427 = arith.constant 0 : i32
      %dma_wait3A_428 = tpu.memref_slice %arg10[%dma_wait3A_426, %dma_wait3A_427] : memref<100352x16xf32, #tpu.memory_space<vmem_shared>> -> memref<100352x16xf32, #tpu.memory_space<vmem_shared>>
      tpu.wait_indirect_dma semaphore(%arg13 : memref<!tpu.dma_semaphore, #tpu.memory_space<semaphore_mem>>) src(%dma_wait3A_422 : memref<128x16xf32, #tpu.memory_space<vmem>>) dst(%dma_wait3A_428 : memref<100352x16xf32, #tpu.memory_space<vmem_shared>>)
      %dma_wait3A_429 = arith.constant 6 : i32
      %dma_wait3A_430 = arith.constant 6 : i32
      %dma_wait3A_431 = arith.constant 0 : i32
      %dma_wait3A_432 = arith.constant 0 : i32
      %dma_wait3A_433 = tpu.memref_slice %arg8[%dma_wait3A_429, %dma_wait3A_431, %dma_wait3A_432] : memref<8x128x16xf32, #tpu.memory_space<vmem>> -> memref<1x128x16xf32, #tpu.memory_space<vmem>>
      %dma_wait3A_434 = tpu.memref_squeeze %dma_wait3A_433 : memref<1x128x16xf32, #tpu.memory_space<vmem>> -> memref<128x16xf32, #tpu.memory_space<vmem>>
      %dma_wait3A_435 = arith.constant 0 : i32
      %dma_wait3A_436 = tpu.memref_slice %arg7[%rem3A_61, %dma_wait3A_430, %dma_wait3A_435] : memref<2x8x128xi32, #tpu.memory_space<vmem>> -> memref<1x1x128xi32, #tpu.memory_space<vmem>>
      %dma_wait3A_437 = tpu.memref_squeeze %dma_wait3A_436 : memref<1x1x128xi32, #tpu.memory_space<vmem>> -> memref<128xi32, #tpu.memory_space<vmem>>
      %dma_wait3A_438 = arith.constant 0 : i32
      %dma_wait3A_439 = arith.constant 0 : i32
      %dma_wait3A_440 = tpu.memref_slice %arg10[%dma_wait3A_438, %dma_wait3A_439] : memref<100352x16xf32, #tpu.memory_space<vmem_shared>> -> memref<100352x16xf32, #tpu.memory_space<vmem_shared>>
      tpu.wait_indirect_dma semaphore(%arg13 : memref<!tpu.dma_semaphore, #tpu.memory_space<semaphore_mem>>) src(%dma_wait3A_434 : memref<128x16xf32, #tpu.memory_space<vmem>>) dst(%dma_wait3A_440 : memref<100352x16xf32, #tpu.memory_space<vmem_shared>>)
      %dma_wait3A_441 = arith.constant 7 : i32
      %dma_wait3A_442 = arith.constant 7 : i32
      %dma_wait3A_443 = arith.constant 0 : i32
      %dma_wait3A_444 = arith.constant 0 : i32
      %dma_wait3A_445 = tpu.memref_slice %arg8[%dma_wait3A_441, %dma_wait3A_443, %dma_wait3A_444] : memref<8x128x16xf32, #tpu.memory_space<vmem>> -> memref<1x128x16xf32, #tpu.memory_space<vmem>>
      %dma_wait3A_446 = tpu.memref_squeeze %dma_wait3A_445 : memref<1x128x16xf32, #tpu.memory_space<vmem>> -> memref<128x16xf32, #tpu.memory_space<vmem>>
      %dma_wait3A_447 = arith.constant 0 : i32
      %dma_wait3A_448 = tpu.memref_slice %arg7[%rem3A_61, %dma_wait3A_442, %dma_wait3A_447] : memref<2x8x128xi32, #tpu.memory_space<vmem>> -> memref<1x1x128xi32, #tpu.memory_space<vmem>>
      %dma_wait3A_449 = tpu.memref_squeeze %dma_wait3A_448 : memref<1x1x128xi32, #tpu.memory_space<vmem>> -> memref<128xi32, #tpu.memory_space<vmem>>
      %dma_wait3A_450 = arith.constant 0 : i32
      %dma_wait3A_451 = arith.constant 0 : i32
      %dma_wait3A_452 = tpu.memref_slice %arg10[%dma_wait3A_450, %dma_wait3A_451] : memref<100352x16xf32, #tpu.memory_space<vmem_shared>> -> memref<100352x16xf32, #tpu.memory_space<vmem_shared>>
      tpu.wait_indirect_dma semaphore(%arg13 : memref<!tpu.dma_semaphore, #tpu.memory_space<semaphore_mem>>) src(%dma_wait3A_446 : memref<128x16xf32, #tpu.memory_space<vmem>>) dst(%dma_wait3A_452 : memref<100352x16xf32, #tpu.memory_space<vmem_shared>>)
      %scan3A_453 = arith.constant 0 : i32
      scf.yield %scan3A_453 : i32
    }
    %scan3A_54 = arith.constant 196 : i32
    %barrier3A_55 = arith.constant 0 : index
    tpu.barrier barrier_id(%barrier3A_55)
    %mul3A_56 = arith.constant 100352 : i32
    %mul3A_57 = arith.muli %arg0, %mul3A_56 : i32
    %add3A_58 = arith.addi %mul3A_57, %mul3A_2 : i32
    "tpu.region"() ({
      %run_scoped3A_59 = tpu.sem_alloc : memref<!tpu.dma_semaphore, #tpu.memory_space<semaphore_mem>>
      %dma_start3A_60 = arith.constant 0 : i32
      %dma_start3A_61 = tpu.memref_slice %arg5[%add3A_58, %dma_start3A_60] : memref<200704x16xf32, #tpu.memory_space<hbm>> -> memref<6272x16xf32, #tpu.memory_space<hbm>>
      %dma_start3A_62 = arith.constant 0 : i32
      %dma_start3A_63 = tpu.memref_slice %arg10[%mul3A_2, %dma_start3A_62] : memref<100352x16xf32, #tpu.memory_space<vmem_shared>> -> memref<6272x16xf32, #tpu.memory_space<vmem_shared>>
      tpu.enqueue_dma source(%dma_start3A_63 : memref<6272x16xf32, #tpu.memory_space<vmem_shared>>) target(%dma_start3A_61 : memref<6272x16xf32, #tpu.memory_space<hbm>>) target_semaphore(%run_scoped3A_59 : memref<!tpu.dma_semaphore, #tpu.memory_space<semaphore_mem>>)
      %dma_wait3A = arith.constant 0 : i32
      %dma_wait3A_64 = tpu.memref_slice %arg5[%add3A_58, %dma_wait3A] : memref<200704x16xf32, #tpu.memory_space<hbm>> -> memref<6272x16xf32, #tpu.memory_space<hbm>>
      %dma_wait3A_65 = arith.constant 0 : i32
      %dma_wait3A_66 = tpu.memref_slice %arg10[%mul3A_2, %dma_wait3A_65] : memref<100352x16xf32, #tpu.memory_space<vmem_shared>> -> memref<6272x16xf32, #tpu.memory_space<vmem_shared>>
      tpu.wait_dma2 semaphore(%run_scoped3A_59 : memref<!tpu.dma_semaphore, #tpu.memory_space<semaphore_mem>>) src(%dma_wait3A_66 : memref<6272x16xf32, #tpu.memory_space<vmem_shared>>) dst(%dma_wait3A_64 : memref<6272x16xf32, #tpu.memory_space<hbm>>)
      tpu.yield
    }) : () -> ()
    return
  }
}

#map = affine_map<(d0, d1) -> (0, 0)>
#map1 = affine_map<(d0, d1) -> (0)>
module attributes {stable_mosaic.version = 14 : i64} {
  func.func @_deg_kernel(%arg0: i32, %arg1: i32, %arg2: memref<50176x128xi32, #tpu.memory_space<hbm>>, %arg3: memref<200704xf32, #tpu.memory_space<hbm>>, %arg4: memref<2x16x128xi32, #tpu.memory_space<vmem>>, %arg5: memref<128xf32, #tpu.memory_space<vmem>>, %arg6: memref<2048xf32, #tpu.memory_space<vmem>>, %arg7: memref<100352xf32, #tpu.memory_space<vmem_shared>>, %arg8: memref<!tpu.dma_semaphore, #tpu.memory_space<semaphore_mem>>, %arg9: memref<!tpu.dma_semaphore, #tpu.memory_space<semaphore_mem>>) attributes {dimension_semantics = [#tpu.dimension_semantics<core_parallel>, #tpu.dimension_semantics<subcore_parallel>], iteration_bounds = array<i64: 2, 16>, scalar_prefetch = 0 : i64, scratch_operands = 6 : i64, tpu.core_type = #tpu.core_type<sc_vector_subcore>, window_params = [{transform_indices = #map}, {transform_indices = #map1}]} {
    %mul3A = arith.constant 16 : i32
    %mul3A_0 = arith.muli %arg0, %mul3A : i32
    %add3A = arith.addi %mul3A_0, %arg1 : i32
    %broadcast_in_dim3A = arith.constant 1.000000e+00 : f32
    %broadcast_in_dim3A_1 = vector.broadcast %broadcast_in_dim3A : f32 to vector<16xf32>
    %swap3A = arith.constant 0 : index
    %swap3A_2 = tpu.vector_load %arg5[%swap3A] {strides = array<i32>} : memref<128xf32, #tpu.memory_space<vmem>>, vector<16xf32>,
    %swap3A_3 = vector.shape_cast %swap3A_2 : vector<16xf32> to vector<16xf32>
    %swap3A_4 = vector.shape_cast %broadcast_in_dim3A_1 : vector<16xf32> to vector<16xf32>
    tpu.vector_store %arg5[%swap3A], %swap3A_4 {strides = array<i32>} : memref<128xf32, #tpu.memory_space<vmem>>, vector<16xf32>,
    %broadcast_in_dim3A_5 = arith.constant 1.000000e+00 : f32
    %broadcast_in_dim3A_6 = vector.broadcast %broadcast_in_dim3A_5 : f32 to vector<16xf32>
    %swap3A_7 = arith.constant 16 : index
    %swap3A_8 = tpu.vector_load %arg5[%swap3A_7] {strides = array<i32>} : memref<128xf32, #tpu.memory_space<vmem>>, vector<16xf32>,
    %swap3A_9 = vector.shape_cast %swap3A_8 : vector<16xf32> to vector<16xf32>
    %swap3A_10 = vector.shape_cast %broadcast_in_dim3A_6 : vector<16xf32> to vector<16xf32>
    tpu.vector_store %arg5[%swap3A_7], %swap3A_10 {strides = array<i32>} : memref<128xf32, #tpu.memory_space<vmem>>, vector<16xf32>,
    %broadcast_in_dim3A_11 = arith.constant 1.000000e+00 : f32
    %broadcast_in_dim3A_12 = vector.broadcast %broadcast_in_dim3A_11 : f32 to vector<16xf32>
    %swap3A_13 = arith.constant 32 : index
    %swap3A_14 = tpu.vector_load %arg5[%swap3A_13] {strides = array<i32>} : memref<128xf32, #tpu.memory_space<vmem>>, vector<16xf32>,
    %swap3A_15 = vector.shape_cast %swap3A_14 : vector<16xf32> to vector<16xf32>
    %swap3A_16 = vector.shape_cast %broadcast_in_dim3A_12 : vector<16xf32> to vector<16xf32>
    tpu.vector_store %arg5[%swap3A_13], %swap3A_16 {strides = array<i32>} : memref<128xf32, #tpu.memory_space<vmem>>, vector<16xf32>,
    %broadcast_in_dim3A_17 = arith.constant 1.000000e+00 : f32
    %broadcast_in_dim3A_18 = vector.broadcast %broadcast_in_dim3A_17 : f32 to vector<16xf32>
    %swap3A_19 = arith.constant 48 : index
    %swap3A_20 = tpu.vector_load %arg5[%swap3A_19] {strides = array<i32>} : memref<128xf32, #tpu.memory_space<vmem>>, vector<16xf32>,
    %swap3A_21 = vector.shape_cast %swap3A_20 : vector<16xf32> to vector<16xf32>
    %swap3A_22 = vector.shape_cast %broadcast_in_dim3A_18 : vector<16xf32> to vector<16xf32>
    tpu.vector_store %arg5[%swap3A_19], %swap3A_22 {strides = array<i32>} : memref<128xf32, #tpu.memory_space<vmem>>, vector<16xf32>,
    %broadcast_in_dim3A_23 = arith.constant 1.000000e+00 : f32
    %broadcast_in_dim3A_24 = vector.broadcast %broadcast_in_dim3A_23 : f32 to vector<16xf32>
    %swap3A_25 = arith.constant 64 : index
    %swap3A_26 = tpu.vector_load %arg5[%swap3A_25] {strides = array<i32>} : memref<128xf32, #tpu.memory_space<vmem>>, vector<16xf32>,
    %swap3A_27 = vector.shape_cast %swap3A_26 : vector<16xf32> to vector<16xf32>
    %swap3A_28 = vector.shape_cast %broadcast_in_dim3A_24 : vector<16xf32> to vector<16xf32>
    tpu.vector_store %arg5[%swap3A_25], %swap3A_28 {strides = array<i32>} : memref<128xf32, #tpu.memory_space<vmem>>, vector<16xf32>,
    %broadcast_in_dim3A_29 = arith.constant 1.000000e+00 : f32
    %broadcast_in_dim3A_30 = vector.broadcast %broadcast_in_dim3A_29 : f32 to vector<16xf32>
    %swap3A_31 = arith.constant 80 : index
    %swap3A_32 = tpu.vector_load %arg5[%swap3A_31] {strides = array<i32>} : memref<128xf32, #tpu.memory_space<vmem>>, vector<16xf32>,
    %swap3A_33 = vector.shape_cast %swap3A_32 : vector<16xf32> to vector<16xf32>
    %swap3A_34 = vector.shape_cast %broadcast_in_dim3A_30 : vector<16xf32> to vector<16xf32>
    tpu.vector_store %arg5[%swap3A_31], %swap3A_34 {strides = array<i32>} : memref<128xf32, #tpu.memory_space<vmem>>, vector<16xf32>,
    %broadcast_in_dim3A_35 = arith.constant 1.000000e+00 : f32
    %broadcast_in_dim3A_36 = vector.broadcast %broadcast_in_dim3A_35 : f32 to vector<16xf32>
    %swap3A_37 = arith.constant 96 : index
    %swap3A_38 = tpu.vector_load %arg5[%swap3A_37] {strides = array<i32>} : memref<128xf32, #tpu.memory_space<vmem>>, vector<16xf32>,
    %swap3A_39 = vector.shape_cast %swap3A_38 : vector<16xf32> to vector<16xf32>
    %swap3A_40 = vector.shape_cast %broadcast_in_dim3A_36 : vector<16xf32> to vector<16xf32>
    tpu.vector_store %arg5[%swap3A_37], %swap3A_40 {strides = array<i32>} : memref<128xf32, #tpu.memory_space<vmem>>, vector<16xf32>,
    %broadcast_in_dim3A_41 = arith.constant 1.000000e+00 : f32
    %broadcast_in_dim3A_42 = vector.broadcast %broadcast_in_dim3A_41 : f32 to vector<16xf32>
    %swap3A_43 = arith.constant 112 : index
    %swap3A_44 = tpu.vector_load %arg5[%swap3A_43] {strides = array<i32>} : memref<128xf32, #tpu.memory_space<vmem>>, vector<16xf32>,
    %swap3A_45 = vector.shape_cast %swap3A_44 : vector<16xf32> to vector<16xf32>
    %swap3A_46 = vector.shape_cast %broadcast_in_dim3A_42 : vector<16xf32> to vector<16xf32>
    tpu.vector_store %arg5[%swap3A_43], %swap3A_46 {strides = array<i32>} : memref<128xf32, #tpu.memory_space<vmem>>, vector<16xf32>,
    %mul3A_47 = arith.constant 6272 : i32
    %mul3A_48 = arith.muli %arg1, %mul3A_47 : i32
    %scan3A = arith.constant 0 : i32
    %scan3A_49 = arith.constant 0 : i32
    %scan3A_50 = arith.constant 128 : i32
    %scan3A_51 = arith.addi %scan3A_49, %scan3A_50 : i32
    %scan3A_52 = arith.constant 1 : i32
    %scan3A_53 = scf.for %scan3A_91 = %scan3A_49 to %scan3A_51 step %scan3A_52 iter_args(%scan3A_92 = %scan3A) -> (i32)  : i32 {
      %broadcast_in_dim3A_93 = arith.constant 0.000000e+00 : f32
      %broadcast_in_dim3A_94 = vector.broadcast %broadcast_in_dim3A_93 : f32 to vector<16xf32>
      %mul3A_95 = arith.constant 16 : i32
      %mul3A_96 = arith.muli %scan3A_91, %mul3A_95 : i32
      %swap3A_97 = arith.index_cast %mul3A_96 : i32 to index
      %swap3A_98 = tpu.vector_load %arg6[%swap3A_97] {strides = array<i32>} : memref<2048xf32, #tpu.memory_space<vmem>>, vector<16xf32>,
      %swap3A_99 = vector.shape_cast %swap3A_98 : vector<16xf32> to vector<16xf32>
      %swap3A_100 = vector.shape_cast %broadcast_in_dim3A_94 : vector<16xf32> to vector<16xf32>
      tpu.vector_store %arg6[%swap3A_97], %swap3A_100 {strides = array<i32>} : memref<2048xf32, #tpu.memory_space<vmem>>, vector<16xf32>,
      %scan3A_101 = arith.constant 0 : i32
      scf.yield %scan3A_101 : i32
    }
    %scan3A_54 = arith.constant 128 : i32
    %scan3A_55 = arith.constant 0 : i32
    %scan3A_56 = arith.constant 0 : i32
    %scan3A_57 = arith.constant 3 : i32
    %scan3A_58 = arith.addi %scan3A_56, %scan3A_57 : i32
    %scan3A_59 = arith.constant 1 : i32
    %scan3A_60 = scf.for %scan3A_91 = %scan3A_56 to %scan3A_58 step %scan3A_59 iter_args(%scan3A_92 = %scan3A_55) -> (i32)  : i32 {
      %mul3A_93 = arith.constant 2048 : i32
      %mul3A_94 = arith.muli %scan3A_91, %mul3A_93 : i32
      %add3A_95 = arith.addi %mul3A_48, %mul3A_94 : i32
      "tpu.region"() ({
        %run_scoped3A_97 = tpu.sem_alloc : memref<!tpu.dma_semaphore, #tpu.memory_space<semaphore_mem>>
        %dma_start3A_98 = tpu.memref_slice %arg7[%add3A_95] : memref<100352xf32, #tpu.memory_space<vmem_shared>> -> memref<2048xf32, #tpu.memory_space<vmem_shared>>
        %dma_start3A_99 = tpu.memref_slice %arg7[%add3A_95] : memref<100352xf32, #tpu.memory_space<vmem_shared>> -> memref<2048xf32, #tpu.memory_space<vmem_shared>>
        tpu.enqueue_dma source(%arg6 : memref<2048xf32, #tpu.memory_space<vmem>>) target(%dma_start3A_99 : memref<2048xf32, #tpu.memory_space<vmem_shared>>) target_semaphore(%run_scoped3A_97 : memref<!tpu.dma_semaphore, #tpu.memory_space<semaphore_mem>>)
        %dma_wait3A = tpu.memref_slice %arg7[%add3A_95] : memref<100352xf32, #tpu.memory_space<vmem_shared>> -> memref<2048xf32, #tpu.memory_space<vmem_shared>>
        %dma_wait3A_100 = tpu.memref_slice %arg7[%add3A_95] : memref<100352xf32, #tpu.memory_space<vmem_shared>> -> memref<2048xf32, #tpu.memory_space<vmem_shared>>
        tpu.wait_dma2 semaphore(%run_scoped3A_97 : memref<!tpu.dma_semaphore, #tpu.memory_space<semaphore_mem>>) src(%arg6 : memref<2048xf32, #tpu.memory_space<vmem>>) dst(%dma_wait3A_100 : memref<2048xf32, #tpu.memory_space<vmem_shared>>)
        tpu.yield
      }) : () -> ()
      %scan3A_96 = arith.constant 0 : i32
      scf.yield %scan3A_96 : i32
    }
    %scan3A_61 = arith.constant 3 : i32
    %add3A_62 = arith.constant 6144 : i32
    %add3A_63 = arith.addi %mul3A_48, %add3A_62 : i32
    "tpu.region"() ({
      %run_scoped3A_91 = tpu.sem_alloc : memref<!tpu.dma_semaphore, #tpu.memory_space<semaphore_mem>>
      %dma_start3A_92 = arith.constant 0 : i32
      %dma_start3A_93 = tpu.memref_slice %arg6[%dma_start3A_92] : memref<2048xf32, #tpu.memory_space<vmem>> -> memref<128xf32, #tpu.memory_space<vmem>>
      %dma_start3A_94 = tpu.memref_slice %arg7[%add3A_63] : memref<100352xf32, #tpu.memory_space<vmem_shared>> -> memref<128xf32, #tpu.memory_space<vmem_shared>>
      %dma_start3A_95 = tpu.memref_slice %arg7[%add3A_63] : memref<100352xf32, #tpu.memory_space<vmem_shared>> -> memref<128xf32, #tpu.memory_space<vmem_shared>>
      %dma_start3A_96 = arith.constant 0 : i32
      %dma_start3A_97 = tpu.memref_slice %arg6[%dma_start3A_96] : memref<2048xf32, #tpu.memory_space<vmem>> -> memref<128xf32, #tpu.memory_space<vmem>>
      tpu.enqueue_dma source(%dma_start3A_97 : memref<128xf32, #tpu.memory_space<vmem>>) target(%dma_start3A_95 : memref<128xf32, #tpu.memory_space<vmem_shared>>) target_semaphore(%run_scoped3A_91 : memref<!tpu.dma_semaphore, #tpu.memory_space<semaphore_mem>>)
      %dma_wait3A = arith.constant 0 : i32
      %dma_wait3A_98 = tpu.memref_slice %arg6[%dma_wait3A] : memref<2048xf32, #tpu.memory_space<vmem>> -> memref<128xf32, #tpu.memory_space<vmem>>
      %dma_wait3A_99 = tpu.memref_slice %arg7[%add3A_63] : memref<100352xf32, #tpu.memory_space<vmem_shared>> -> memref<128xf32, #tpu.memory_space<vmem_shared>>
      %dma_wait3A_100 = tpu.memref_slice %arg7[%add3A_63] : memref<100352xf32, #tpu.memory_space<vmem_shared>> -> memref<128xf32, #tpu.memory_space<vmem_shared>>
      %dma_wait3A_101 = arith.constant 0 : i32
      %dma_wait3A_102 = tpu.memref_slice %arg6[%dma_wait3A_101] : memref<2048xf32, #tpu.memory_space<vmem>> -> memref<128xf32, #tpu.memory_space<vmem>>
      tpu.wait_dma2 semaphore(%run_scoped3A_91 : memref<!tpu.dma_semaphore, #tpu.memory_space<semaphore_mem>>) src(%dma_wait3A_102 : memref<128xf32, #tpu.memory_space<vmem>>) dst(%dma_wait3A_100 : memref<128xf32, #tpu.memory_space<vmem_shared>>)
      tpu.yield
    }) : () -> ()
    %barrier3A = arith.constant 0 : index
    tpu.barrier barrier_id(%barrier3A)
    %mul3A_64 = arith.constant 1568 : i32
    %mul3A_65 = arith.muli %add3A, %mul3A_64 : i32
    %run_scoped3A = arith.constant 0 : i32
    "tpu.region"() ({
      %run_scoped3A_91 = tpu.sem_alloc : memref<!tpu.dma_semaphore, #tpu.memory_space<semaphore_mem>>
      %dma_start3A_92 = arith.constant 0 : i32
      %dma_start3A_93 = arith.constant 0 : i32
      %dma_start3A_94 = tpu.memref_slice %arg4[%run_scoped3A, %dma_start3A_92, %dma_start3A_93] : memref<2x16x128xi32, #tpu.memory_space<vmem>> -> memref<1x16x128xi32, #tpu.memory_space<vmem>>
      %dma_start3A_95 = tpu.memref_squeeze %dma_start3A_94 : memref<1x16x128xi32, #tpu.memory_space<vmem>> -> memref<16x128xi32, #tpu.memory_space<vmem>>
      %dma_start3A_96 = arith.constant 0 : i32
      %dma_start3A_97 = tpu.memref_slice %arg2[%mul3A_65, %dma_start3A_96] : memref<50176x128xi32, #tpu.memory_space<hbm>> -> memref<16x128xi32, #tpu.memory_space<hbm>>
      %dma_start3A_98 = arith.constant 0 : i32
      %dma_start3A_99 = arith.constant 0 : i32
      %dma_start3A_100 = tpu.memref_slice %arg4[%run_scoped3A, %dma_start3A_98, %dma_start3A_99] : memref<2x16x128xi32, #tpu.memory_space<vmem>> -> memref<1x16x128xi32, #tpu.memory_space<vmem>>
      %dma_start3A_101 = tpu.memref_squeeze %dma_start3A_100 : memref<1x16x128xi32, #tpu.memory_space<vmem>> -> memref<16x128xi32, #tpu.memory_space<vmem>>
      %dma_start3A_102 = arith.constant 0 : i32
      %dma_start3A_103 = tpu.memref_slice %arg2[%mul3A_65, %dma_start3A_102] : memref<50176x128xi32, #tpu.memory_space<hbm>> -> memref<16x128xi32, #tpu.memory_space<hbm>>
      tpu.enqueue_dma source(%dma_start3A_103 : memref<16x128xi32, #tpu.memory_space<hbm>>) target(%dma_start3A_101 : memref<16x128xi32, #tpu.memory_space<vmem>>) target_semaphore(%run_scoped3A_91 : memref<!tpu.dma_semaphore, #tpu.memory_space<semaphore_mem>>)
      %dma_wait3A = arith.constant 0 : i32
      %dma_wait3A_104 = arith.constant 0 : i32
      %dma_wait3A_105 = tpu.memref_slice %arg4[%run_scoped3A, %dma_wait3A, %dma_wait3A_104] : memref<2x16x128xi32, #tpu.memory_space<vmem>> -> memref<1x16x128xi32, #tpu.memory_space<vmem>>
      %dma_wait3A_106 = tpu.memref_squeeze %dma_wait3A_105 : memref<1x16x128xi32, #tpu.memory_space<vmem>> -> memref<16x128xi32, #tpu.memory_space<vmem>>
      %dma_wait3A_107 = arith.constant 0 : i32
      %dma_wait3A_108 = tpu.memref_slice %arg2[%mul3A_65, %dma_wait3A_107] : memref<50176x128xi32, #tpu.memory_space<hbm>> -> memref<16x128xi32, #tpu.memory_space<hbm>>
      %dma_wait3A_109 = arith.constant 0 : i32
      %dma_wait3A_110 = arith.constant 0 : i32
      %dma_wait3A_111 = tpu.memref_slice %arg4[%run_scoped3A, %dma_wait3A_109, %dma_wait3A_110] : memref<2x16x128xi32, #tpu.memory_space<vmem>> -> memref<1x16x128xi32, #tpu.memory_space<vmem>>
      %dma_wait3A_112 = tpu.memref_squeeze %dma_wait3A_111 : memref<1x16x128xi32, #tpu.memory_space<vmem>> -> memref<16x128xi32, #tpu.memory_space<vmem>>
      %dma_wait3A_113 = arith.constant 0 : i32
      %dma_wait3A_114 = tpu.memref_slice %arg2[%mul3A_65, %dma_wait3A_113] : memref<50176x128xi32, #tpu.memory_space<hbm>> -> memref<16x128xi32, #tpu.memory_space<hbm>>
      tpu.wait_dma2 semaphore(%run_scoped3A_91 : memref<!tpu.dma_semaphore, #tpu.memory_space<semaphore_mem>>) src(%dma_wait3A_114 : memref<16x128xi32, #tpu.memory_space<hbm>>) dst(%dma_wait3A_112 : memref<16x128xi32, #tpu.memory_space<vmem>>)
      tpu.yield
    }) : () -> ()
    %add3A_66 = arith.constant 16 : i32
    %add3A_67 = arith.addi %mul3A_65, %add3A_66 : i32
    %dma_start3A = arith.constant 1 : i32
    %dma_start3A_68 = arith.constant 0 : i32
    %dma_start3A_69 = arith.constant 0 : i32
    %dma_start3A_70 = tpu.memref_slice %arg4[%dma_start3A, %dma_start3A_68, %dma_start3A_69] : memref<2x16x128xi32, #tpu.memory_space<vmem>> -> memref<1x16x128xi32, #tpu.memory_space<vmem>>
    %dma_start3A_71 = tpu.memref_squeeze %dma_start3A_70 : memref<1x16x128xi32, #tpu.memory_space<vmem>> -> memref<16x128xi32, #tpu.memory_space<vmem>>
    %dma_start3A_72 = arith.constant 0 : i32
    %dma_start3A_73 = tpu.memref_slice %arg2[%add3A_67, %dma_start3A_72] : memref<50176x128xi32, #tpu.memory_space<hbm>> -> memref<16x128xi32, #tpu.memory_space<hbm>>
    %dma_start3A_74 = arith.constant 0 : i32
    %dma_start3A_75 = arith.constant 0 : i32
    %dma_start3A_76 = tpu.memref_slice %arg4[%dma_start3A, %dma_start3A_74, %dma_start3A_75] : memref<2x16x128xi32, #tpu.memory_space<vmem>> -> memref<1x16x128xi32, #tpu.memory_space<vmem>>
    %dma_start3A_77 = tpu.memref_squeeze %dma_start3A_76 : memref<1x16x128xi32, #tpu.memory_space<vmem>> -> memref<16x128xi32, #tpu.memory_space<vmem>>
    %dma_start3A_78 = arith.constant 0 : i32
    %dma_start3A_79 = tpu.memref_slice %arg2[%add3A_67, %dma_start3A_78] : memref<50176x128xi32, #tpu.memory_space<hbm>> -> memref<16x128xi32, #tpu.memory_space<hbm>>
    tpu.enqueue_dma source(%dma_start3A_79 : memref<16x128xi32, #tpu.memory_space<hbm>>) target(%dma_start3A_77 : memref<16x128xi32, #tpu.memory_space<vmem>>) target_semaphore(%arg8 : memref<!tpu.dma_semaphore, #tpu.memory_space<semaphore_mem>>)
    %scan3A_80 = arith.constant 0 : i32
    %scan3A_81 = arith.constant 0 : i32
    %scan3A_82 = arith.constant 98 : i32
    %scan3A_83 = arith.addi %scan3A_81, %scan3A_82 : i32
    %scan3A_84 = arith.constant 1 : i32
    %scan3A_85 = scf.for %scan3A_91 = %scan3A_81 to %scan3A_83 step %scan3A_84 iter_args(%scan3A_92 = %scan3A_80) -> (i32)  : i32 {
      %rem3A = arith.constant 2 : i32
      %rem3A_93 = arith.remsi %scan3A_91, %rem3A : i32
      %gt3A = arith.constant 0 : i32
      %gt3A_94 = arith.cmpi sgt, %scan3A_91, %gt3A : i32
      %convert_element_type3A = arith.extui %gt3A_94 : i1 to i32
      %cond3A = arith.constant 0 : i32
      %cond3A_95 = arith.cmpi ne, %convert_element_type3A, %cond3A : i32
      scf.if %cond3A_95 {
        %mul3A_296 = arith.constant 16 : i32
        %mul3A_297 = arith.muli %scan3A_91, %mul3A_296 : i32
        %add3A_298 = arith.addi %mul3A_65, %mul3A_297 : i32
        %dma_wait3A_299 = arith.constant 0 : i32
        %dma_wait3A_300 = arith.constant 0 : i32
        %dma_wait3A_301 = tpu.memref_slice %arg4[%rem3A_93, %dma_wait3A_299, %dma_wait3A_300] : memref<2x16x128xi32, #tpu.memory_space<vmem>> -> memref<1x16x128xi32, #tpu.memory_space<vmem>>
        %dma_wait3A_302 = tpu.memref_squeeze %dma_wait3A_301 : memref<1x16x128xi32, #tpu.memory_space<vmem>> -> memref<16x128xi32, #tpu.memory_space<vmem>>
        %dma_wait3A_303 = arith.constant 0 : i32
        %dma_wait3A_304 = tpu.memref_slice %arg2[%add3A_298, %dma_wait3A_303] : memref<50176x128xi32, #tpu.memory_space<hbm>> -> memref<16x128xi32, #tpu.memory_space<hbm>>
        %dma_wait3A_305 = arith.constant 0 : i32
        %dma_wait3A_306 = arith.constant 0 : i32
        %dma_wait3A_307 = tpu.memref_slice %arg4[%rem3A_93, %dma_wait3A_305, %dma_wait3A_306] : memref<2x16x128xi32, #tpu.memory_space<vmem>> -> memref<1x16x128xi32, #tpu.memory_space<vmem>>
        %dma_wait3A_308 = tpu.memref_squeeze %dma_wait3A_307 : memref<1x16x128xi32, #tpu.memory_space<vmem>> -> memref<16x128xi32, #tpu.memory_space<vmem>>
        %dma_wait3A_309 = arith.constant 0 : i32
        %dma_wait3A_310 = tpu.memref_slice %arg2[%add3A_298, %dma_wait3A_309] : memref<50176x128xi32, #tpu.memory_space<hbm>> -> memref<16x128xi32, #tpu.memory_space<hbm>>
        tpu.wait_dma2 semaphore(%arg8 : memref<!tpu.dma_semaphore, #tpu.memory_space<semaphore_mem>>) src(%dma_wait3A_310 : memref<16x128xi32, #tpu.memory_space<hbm>>) dst(%dma_wait3A_308 : memref<16x128xi32, #tpu.memory_space<vmem>>)
      } else {
      }
      %add3A_96 = arith.constant 1 : i32
      %add3A_97 = arith.addi %scan3A_91, %add3A_96 : i32
      %lt3A = arith.constant 98 : i32
      %lt3A_98 = arith.cmpi slt, %add3A_97, %lt3A : i32
      %gt3A_99 = arith.constant 0 : i32
      %gt3A_100 = arith.cmpi sgt, %scan3A_91, %gt3A_99 : i32
      %and3A = arith.andi %lt3A_98, %gt3A_100 : i1
      %convert_element_type3A_101 = arith.extui %and3A : i1 to i32
      %cond3A_102 = arith.constant 0 : i32
      %cond3A_103 = arith.cmpi ne, %convert_element_type3A_101, %cond3A_102 : i32
      scf.if %cond3A_103 {
        %add3A_296 = arith.constant 1 : i32
        %add3A_297 = arith.addi %scan3A_91, %add3A_296 : i32
        %sub3A = arith.constant 1 : i32
        %sub3A_298 = arith.subi %sub3A, %rem3A_93 : i32
        %mul3A_299 = arith.constant 16 : i32
        %mul3A_300 = arith.muli %add3A_297, %mul3A_299 : i32
        %add3A_301 = arith.addi %mul3A_65, %mul3A_300 : i32
        %dma_start3A_302 = arith.constant 0 : i32
        %dma_start3A_303 = arith.constant 0 : i32
        %dma_start3A_304 = tpu.memref_slice %arg4[%sub3A_298, %dma_start3A_302, %dma_start3A_303] : memref<2x16x128xi32, #tpu.memory_space<vmem>> -> memref<1x16x128xi32, #tpu.memory_space<vmem>>
        %dma_start3A_305 = tpu.memref_squeeze %dma_start3A_304 : memref<1x16x128xi32, #tpu.memory_space<vmem>> -> memref<16x128xi32, #tpu.memory_space<vmem>>
        %dma_start3A_306 = arith.constant 0 : i32
        %dma_start3A_307 = tpu.memref_slice %arg2[%add3A_301, %dma_start3A_306] : memref<50176x128xi32, #tpu.memory_space<hbm>> -> memref<16x128xi32, #tpu.memory_space<hbm>>
        %dma_start3A_308 = arith.constant 0 : i32
        %dma_start3A_309 = arith.constant 0 : i32
        %dma_start3A_310 = tpu.memref_slice %arg4[%sub3A_298, %dma_start3A_308, %dma_start3A_309] : memref<2x16x128xi32, #tpu.memory_space<vmem>> -> memref<1x16x128xi32, #tpu.memory_space<vmem>>
        %dma_start3A_311 = tpu.memref_squeeze %dma_start3A_310 : memref<1x16x128xi32, #tpu.memory_space<vmem>> -> memref<16x128xi32, #tpu.memory_space<vmem>>
        %dma_start3A_312 = arith.constant 0 : i32
        %dma_start3A_313 = tpu.memref_slice %arg2[%add3A_301, %dma_start3A_312] : memref<50176x128xi32, #tpu.memory_space<hbm>> -> memref<16x128xi32, #tpu.memory_space<hbm>>
        tpu.enqueue_dma source(%dma_start3A_313 : memref<16x128xi32, #tpu.memory_space<hbm>>) target(%dma_start3A_311 : memref<16x128xi32, #tpu.memory_space<vmem>>) target_semaphore(%arg8 : memref<!tpu.dma_semaphore, #tpu.memory_space<semaphore_mem>>)
      } else {
      }
      %dma_start3A_104 = arith.constant 0 : i32
      %dma_start3A_105 = arith.constant 0 : i32
      %dma_start3A_106 = tpu.memref_slice %arg4[%rem3A_93, %dma_start3A_104, %dma_start3A_105] : memref<2x16x128xi32, #tpu.memory_space<vmem>> -> memref<1x1x128xi32, #tpu.memory_space<vmem>>
      %dma_start3A_107 = tpu.memref_squeeze %dma_start3A_106 : memref<1x1x128xi32, #tpu.memory_space<vmem>> -> memref<128xi32, #tpu.memory_space<vmem>>
      %dma_start3A_108 = arith.constant 0 : i32
      %dma_start3A_109 = tpu.memref_slice %arg7[%dma_start3A_108] : memref<100352xf32, #tpu.memory_space<vmem_shared>> -> memref<100352xf32, #tpu.memory_space<vmem_shared>>
      tpu.enqueue_indirect_dma source(%arg5 : memref<128xf32, #tpu.memory_space<vmem>>) target(%dma_start3A_109 : memref<100352xf32, #tpu.memory_space<vmem_shared>>) offsets(%dma_start3A_107 : memref<128xi32, #tpu.memory_space<vmem>>) semaphore(%arg9 : memref<!tpu.dma_semaphore, #tpu.memory_space<semaphore_mem>>) {add = true}
      %dma_start3A_110 = arith.constant 1 : i32
      %dma_start3A_111 = arith.constant 0 : i32
      %dma_start3A_112 = tpu.memref_slice %arg4[%rem3A_93, %dma_start3A_110, %dma_start3A_111] : memref<2x16x128xi32, #tpu.memory_space<vmem>> -> memref<1x1x128xi32, #tpu.memory_space<vmem>>
      %dma_start3A_113 = tpu.memref_squeeze %dma_start3A_112 : memref<1x1x128xi32, #tpu.memory_space<vmem>> -> memref<128xi32, #tpu.memory_space<vmem>>
      %dma_start3A_114 = arith.constant 0 : i32
      %dma_start3A_115 = tpu.memref_slice %arg7[%dma_start3A_114] : memref<100352xf32, #tpu.memory_space<vmem_shared>> -> memref<100352xf32, #tpu.memory_space<vmem_shared>>
      tpu.enqueue_indirect_dma source(%arg5 : memref<128xf32, #tpu.memory_space<vmem>>) target(%dma_start3A_115 : memref<100352xf32, #tpu.memory_space<vmem_shared>>) offsets(%dma_start3A_113 : memref<128xi32, #tpu.memory_space<vmem>>) semaphore(%arg9 : memref<!tpu.dma_semaphore, #tpu.memory_space<semaphore_mem>>) {add = true}
      %dma_start3A_116 = arith.constant 2 : i32
      %dma_start3A_117 = arith.constant 0 : i32
      %dma_start3A_118 = tpu.memref_slice %arg4[%rem3A_93, %dma_start3A_116, %dma_start3A_117] : memref<2x16x128xi32, #tpu.memory_space<vmem>> -> memref<1x1x128xi32, #tpu.memory_space<vmem>>
      %dma_start3A_119 = tpu.memref_squeeze %dma_start3A_118 : memref<1x1x128xi32, #tpu.memory_space<vmem>> -> memref<128xi32, #tpu.memory_space<vmem>>
      %dma_start3A_120 = arith.constant 0 : i32
      %dma_start3A_121 = tpu.memref_slice %arg7[%dma_start3A_120] : memref<100352xf32, #tpu.memory_space<vmem_shared>> -> memref<100352xf32, #tpu.memory_space<vmem_shared>>
      tpu.enqueue_indirect_dma source(%arg5 : memref<128xf32, #tpu.memory_space<vmem>>) target(%dma_start3A_121 : memref<100352xf32, #tpu.memory_space<vmem_shared>>) offsets(%dma_start3A_119 : memref<128xi32, #tpu.memory_space<vmem>>) semaphore(%arg9 : memref<!tpu.dma_semaphore, #tpu.memory_space<semaphore_mem>>) {add = true}
      %dma_start3A_122 = arith.constant 3 : i32
      %dma_start3A_123 = arith.constant 0 : i32
      %dma_start3A_124 = tpu.memref_slice %arg4[%rem3A_93, %dma_start3A_122, %dma_start3A_123] : memref<2x16x128xi32, #tpu.memory_space<vmem>> -> memref<1x1x128xi32, #tpu.memory_space<vmem>>
      %dma_start3A_125 = tpu.memref_squeeze %dma_start3A_124 : memref<1x1x128xi32, #tpu.memory_space<vmem>> -> memref<128xi32, #tpu.memory_space<vmem>>
      %dma_start3A_126 = arith.constant 0 : i32
      %dma_start3A_127 = tpu.memref_slice %arg7[%dma_start3A_126] : memref<100352xf32, #tpu.memory_space<vmem_shared>> -> memref<100352xf32, #tpu.memory_space<vmem_shared>>
      tpu.enqueue_indirect_dma source(%arg5 : memref<128xf32, #tpu.memory_space<vmem>>) target(%dma_start3A_127 : memref<100352xf32, #tpu.memory_space<vmem_shared>>) offsets(%dma_start3A_125 : memref<128xi32, #tpu.memory_space<vmem>>) semaphore(%arg9 : memref<!tpu.dma_semaphore, #tpu.memory_space<semaphore_mem>>) {add = true}
      %dma_start3A_128 = arith.constant 4 : i32
      %dma_start3A_129 = arith.constant 0 : i32
      %dma_start3A_130 = tpu.memref_slice %arg4[%rem3A_93, %dma_start3A_128, %dma_start3A_129] : memref<2x16x128xi32, #tpu.memory_space<vmem>> -> memref<1x1x128xi32, #tpu.memory_space<vmem>>
      %dma_start3A_131 = tpu.memref_squeeze %dma_start3A_130 : memref<1x1x128xi32, #tpu.memory_space<vmem>> -> memref<128xi32, #tpu.memory_space<vmem>>
      %dma_start3A_132 = arith.constant 0 : i32
      %dma_start3A_133 = tpu.memref_slice %arg7[%dma_start3A_132] : memref<100352xf32, #tpu.memory_space<vmem_shared>> -> memref<100352xf32, #tpu.memory_space<vmem_shared>>
      tpu.enqueue_indirect_dma source(%arg5 : memref<128xf32, #tpu.memory_space<vmem>>) target(%dma_start3A_133 : memref<100352xf32, #tpu.memory_space<vmem_shared>>) offsets(%dma_start3A_131 : memref<128xi32, #tpu.memory_space<vmem>>) semaphore(%arg9 : memref<!tpu.dma_semaphore, #tpu.memory_space<semaphore_mem>>) {add = true}
      %dma_start3A_134 = arith.constant 5 : i32
      %dma_start3A_135 = arith.constant 0 : i32
      %dma_start3A_136 = tpu.memref_slice %arg4[%rem3A_93, %dma_start3A_134, %dma_start3A_135] : memref<2x16x128xi32, #tpu.memory_space<vmem>> -> memref<1x1x128xi32, #tpu.memory_space<vmem>>
      %dma_start3A_137 = tpu.memref_squeeze %dma_start3A_136 : memref<1x1x128xi32, #tpu.memory_space<vmem>> -> memref<128xi32, #tpu.memory_space<vmem>>
      %dma_start3A_138 = arith.constant 0 : i32
      %dma_start3A_139 = tpu.memref_slice %arg7[%dma_start3A_138] : memref<100352xf32, #tpu.memory_space<vmem_shared>> -> memref<100352xf32, #tpu.memory_space<vmem_shared>>
      tpu.enqueue_indirect_dma source(%arg5 : memref<128xf32, #tpu.memory_space<vmem>>) target(%dma_start3A_139 : memref<100352xf32, #tpu.memory_space<vmem_shared>>) offsets(%dma_start3A_137 : memref<128xi32, #tpu.memory_space<vmem>>) semaphore(%arg9 : memref<!tpu.dma_semaphore, #tpu.memory_space<semaphore_mem>>) {add = true}
      %dma_start3A_140 = arith.constant 6 : i32
      %dma_start3A_141 = arith.constant 0 : i32
      %dma_start3A_142 = tpu.memref_slice %arg4[%rem3A_93, %dma_start3A_140, %dma_start3A_141] : memref<2x16x128xi32, #tpu.memory_space<vmem>> -> memref<1x1x128xi32, #tpu.memory_space<vmem>>
      %dma_start3A_143 = tpu.memref_squeeze %dma_start3A_142 : memref<1x1x128xi32, #tpu.memory_space<vmem>> -> memref<128xi32, #tpu.memory_space<vmem>>
      %dma_start3A_144 = arith.constant 0 : i32
      %dma_start3A_145 = tpu.memref_slice %arg7[%dma_start3A_144] : memref<100352xf32, #tpu.memory_space<vmem_shared>> -> memref<100352xf32, #tpu.memory_space<vmem_shared>>
      tpu.enqueue_indirect_dma source(%arg5 : memref<128xf32, #tpu.memory_space<vmem>>) target(%dma_start3A_145 : memref<100352xf32, #tpu.memory_space<vmem_shared>>) offsets(%dma_start3A_143 : memref<128xi32, #tpu.memory_space<vmem>>) semaphore(%arg9 : memref<!tpu.dma_semaphore, #tpu.memory_space<semaphore_mem>>) {add = true}
      %dma_start3A_146 = arith.constant 7 : i32
      %dma_start3A_147 = arith.constant 0 : i32
      %dma_start3A_148 = tpu.memref_slice %arg4[%rem3A_93, %dma_start3A_146, %dma_start3A_147] : memref<2x16x128xi32, #tpu.memory_space<vmem>> -> memref<1x1x128xi32, #tpu.memory_space<vmem>>
      %dma_start3A_149 = tpu.memref_squeeze %dma_start3A_148 : memref<1x1x128xi32, #tpu.memory_space<vmem>> -> memref<128xi32, #tpu.memory_space<vmem>>
      %dma_start3A_150 = arith.constant 0 : i32
      %dma_start3A_151 = tpu.memref_slice %arg7[%dma_start3A_150] : memref<100352xf32, #tpu.memory_space<vmem_shared>> -> memref<100352xf32, #tpu.memory_space<vmem_shared>>
      tpu.enqueue_indirect_dma source(%arg5 : memref<128xf32, #tpu.memory_space<vmem>>) target(%dma_start3A_151 : memref<100352xf32, #tpu.memory_space<vmem_shared>>) offsets(%dma_start3A_149 : memref<128xi32, #tpu.memory_space<vmem>>) semaphore(%arg9 : memref<!tpu.dma_semaphore, #tpu.memory_space<semaphore_mem>>) {add = true}
      %dma_start3A_152 = arith.constant 8 : i32
      %dma_start3A_153 = arith.constant 0 : i32
      %dma_start3A_154 = tpu.memref_slice %arg4[%rem3A_93, %dma_start3A_152, %dma_start3A_153] : memref<2x16x128xi32, #tpu.memory_space<vmem>> -> memref<1x1x128xi32, #tpu.memory_space<vmem>>
      %dma_start3A_155 = tpu.memref_squeeze %dma_start3A_154 : memref<1x1x128xi32, #tpu.memory_space<vmem>> -> memref<128xi32, #tpu.memory_space<vmem>>
      %dma_start3A_156 = arith.constant 0 : i32
      %dma_start3A_157 = tpu.memref_slice %arg7[%dma_start3A_156] : memref<100352xf32, #tpu.memory_space<vmem_shared>> -> memref<100352xf32, #tpu.memory_space<vmem_shared>>
      tpu.enqueue_indirect_dma source(%arg5 : memref<128xf32, #tpu.memory_space<vmem>>) target(%dma_start3A_157 : memref<100352xf32, #tpu.memory_space<vmem_shared>>) offsets(%dma_start3A_155 : memref<128xi32, #tpu.memory_space<vmem>>) semaphore(%arg9 : memref<!tpu.dma_semaphore, #tpu.memory_space<semaphore_mem>>) {add = true}
      %dma_start3A_158 = arith.constant 9 : i32
      %dma_start3A_159 = arith.constant 0 : i32
      %dma_start3A_160 = tpu.memref_slice %arg4[%rem3A_93, %dma_start3A_158, %dma_start3A_159] : memref<2x16x128xi32, #tpu.memory_space<vmem>> -> memref<1x1x128xi32, #tpu.memory_space<vmem>>
      %dma_start3A_161 = tpu.memref_squeeze %dma_start3A_160 : memref<1x1x128xi32, #tpu.memory_space<vmem>> -> memref<128xi32, #tpu.memory_space<vmem>>
      %dma_start3A_162 = arith.constant 0 : i32
      %dma_start3A_163 = tpu.memref_slice %arg7[%dma_start3A_162] : memref<100352xf32, #tpu.memory_space<vmem_shared>> -> memref<100352xf32, #tpu.memory_space<vmem_shared>>
      tpu.enqueue_indirect_dma source(%arg5 : memref<128xf32, #tpu.memory_space<vmem>>) target(%dma_start3A_163 : memref<100352xf32, #tpu.memory_space<vmem_shared>>) offsets(%dma_start3A_161 : memref<128xi32, #tpu.memory_space<vmem>>) semaphore(%arg9 : memref<!tpu.dma_semaphore, #tpu.memory_space<semaphore_mem>>) {add = true}
      %dma_start3A_164 = arith.constant 10 : i32
      %dma_start3A_165 = arith.constant 0 : i32
      %dma_start3A_166 = tpu.memref_slice %arg4[%rem3A_93, %dma_start3A_164, %dma_start3A_165] : memref<2x16x128xi32, #tpu.memory_space<vmem>> -> memref<1x1x128xi32, #tpu.memory_space<vmem>>
      %dma_start3A_167 = tpu.memref_squeeze %dma_start3A_166 : memref<1x1x128xi32, #tpu.memory_space<vmem>> -> memref<128xi32, #tpu.memory_space<vmem>>
      %dma_start3A_168 = arith.constant 0 : i32
      %dma_start3A_169 = tpu.memref_slice %arg7[%dma_start3A_168] : memref<100352xf32, #tpu.memory_space<vmem_shared>> -> memref<100352xf32, #tpu.memory_space<vmem_shared>>
      tpu.enqueue_indirect_dma source(%arg5 : memref<128xf32, #tpu.memory_space<vmem>>) target(%dma_start3A_169 : memref<100352xf32, #tpu.memory_space<vmem_shared>>) offsets(%dma_start3A_167 : memref<128xi32, #tpu.memory_space<vmem>>) semaphore(%arg9 : memref<!tpu.dma_semaphore, #tpu.memory_space<semaphore_mem>>) {add = true}
      %dma_start3A_170 = arith.constant 11 : i32
      %dma_start3A_171 = arith.constant 0 : i32
      %dma_start3A_172 = tpu.memref_slice %arg4[%rem3A_93, %dma_start3A_170, %dma_start3A_171] : memref<2x16x128xi32, #tpu.memory_space<vmem>> -> memref<1x1x128xi32, #tpu.memory_space<vmem>>
      %dma_start3A_173 = tpu.memref_squeeze %dma_start3A_172 : memref<1x1x128xi32, #tpu.memory_space<vmem>> -> memref<128xi32, #tpu.memory_space<vmem>>
      %dma_start3A_174 = arith.constant 0 : i32
      %dma_start3A_175 = tpu.memref_slice %arg7[%dma_start3A_174] : memref<100352xf32, #tpu.memory_space<vmem_shared>> -> memref<100352xf32, #tpu.memory_space<vmem_shared>>
      tpu.enqueue_indirect_dma source(%arg5 : memref<128xf32, #tpu.memory_space<vmem>>) target(%dma_start3A_175 : memref<100352xf32, #tpu.memory_space<vmem_shared>>) offsets(%dma_start3A_173 : memref<128xi32, #tpu.memory_space<vmem>>) semaphore(%arg9 : memref<!tpu.dma_semaphore, #tpu.memory_space<semaphore_mem>>) {add = true}
      %dma_start3A_176 = arith.constant 12 : i32
      %dma_start3A_177 = arith.constant 0 : i32
      %dma_start3A_178 = tpu.memref_slice %arg4[%rem3A_93, %dma_start3A_176, %dma_start3A_177] : memref<2x16x128xi32, #tpu.memory_space<vmem>> -> memref<1x1x128xi32, #tpu.memory_space<vmem>>
      %dma_start3A_179 = tpu.memref_squeeze %dma_start3A_178 : memref<1x1x128xi32, #tpu.memory_space<vmem>> -> memref<128xi32, #tpu.memory_space<vmem>>
      %dma_start3A_180 = arith.constant 0 : i32
      %dma_start3A_181 = tpu.memref_slice %arg7[%dma_start3A_180] : memref<100352xf32, #tpu.memory_space<vmem_shared>> -> memref<100352xf32, #tpu.memory_space<vmem_shared>>
      tpu.enqueue_indirect_dma source(%arg5 : memref<128xf32, #tpu.memory_space<vmem>>) target(%dma_start3A_181 : memref<100352xf32, #tpu.memory_space<vmem_shared>>) offsets(%dma_start3A_179 : memref<128xi32, #tpu.memory_space<vmem>>) semaphore(%arg9 : memref<!tpu.dma_semaphore, #tpu.memory_space<semaphore_mem>>) {add = true}
      %dma_start3A_182 = arith.constant 13 : i32
      %dma_start3A_183 = arith.constant 0 : i32
      %dma_start3A_184 = tpu.memref_slice %arg4[%rem3A_93, %dma_start3A_182, %dma_start3A_183] : memref<2x16x128xi32, #tpu.memory_space<vmem>> -> memref<1x1x128xi32, #tpu.memory_space<vmem>>
      %dma_start3A_185 = tpu.memref_squeeze %dma_start3A_184 : memref<1x1x128xi32, #tpu.memory_space<vmem>> -> memref<128xi32, #tpu.memory_space<vmem>>
      %dma_start3A_186 = arith.constant 0 : i32
      %dma_start3A_187 = tpu.memref_slice %arg7[%dma_start3A_186] : memref<100352xf32, #tpu.memory_space<vmem_shared>> -> memref<100352xf32, #tpu.memory_space<vmem_shared>>
      tpu.enqueue_indirect_dma source(%arg5 : memref<128xf32, #tpu.memory_space<vmem>>) target(%dma_start3A_187 : memref<100352xf32, #tpu.memory_space<vmem_shared>>) offsets(%dma_start3A_185 : memref<128xi32, #tpu.memory_space<vmem>>) semaphore(%arg9 : memref<!tpu.dma_semaphore, #tpu.memory_space<semaphore_mem>>) {add = true}
      %dma_start3A_188 = arith.constant 14 : i32
      %dma_start3A_189 = arith.constant 0 : i32
      %dma_start3A_190 = tpu.memref_slice %arg4[%rem3A_93, %dma_start3A_188, %dma_start3A_189] : memref<2x16x128xi32, #tpu.memory_space<vmem>> -> memref<1x1x128xi32, #tpu.memory_space<vmem>>
      %dma_start3A_191 = tpu.memref_squeeze %dma_start3A_190 : memref<1x1x128xi32, #tpu.memory_space<vmem>> -> memref<128xi32, #tpu.memory_space<vmem>>
      %dma_start3A_192 = arith.constant 0 : i32
      %dma_start3A_193 = tpu.memref_slice %arg7[%dma_start3A_192] : memref<100352xf32, #tpu.memory_space<vmem_shared>> -> memref<100352xf32, #tpu.memory_space<vmem_shared>>
      tpu.enqueue_indirect_dma source(%arg5 : memref<128xf32, #tpu.memory_space<vmem>>) target(%dma_start3A_193 : memref<100352xf32, #tpu.memory_space<vmem_shared>>) offsets(%dma_start3A_191 : memref<128xi32, #tpu.memory_space<vmem>>) semaphore(%arg9 : memref<!tpu.dma_semaphore, #tpu.memory_space<semaphore_mem>>) {add = true}
      %dma_start3A_194 = arith.constant 15 : i32
      %dma_start3A_195 = arith.constant 0 : i32
      %dma_start3A_196 = tpu.memref_slice %arg4[%rem3A_93, %dma_start3A_194, %dma_start3A_195] : memref<2x16x128xi32, #tpu.memory_space<vmem>> -> memref<1x1x128xi32, #tpu.memory_space<vmem>>
      %dma_start3A_197 = tpu.memref_squeeze %dma_start3A_196 : memref<1x1x128xi32, #tpu.memory_space<vmem>> -> memref<128xi32, #tpu.memory_space<vmem>>
      %dma_start3A_198 = arith.constant 0 : i32
      %dma_start3A_199 = tpu.memref_slice %arg7[%dma_start3A_198] : memref<100352xf32, #tpu.memory_space<vmem_shared>> -> memref<100352xf32, #tpu.memory_space<vmem_shared>>
      tpu.enqueue_indirect_dma source(%arg5 : memref<128xf32, #tpu.memory_space<vmem>>) target(%dma_start3A_199 : memref<100352xf32, #tpu.memory_space<vmem_shared>>) offsets(%dma_start3A_197 : memref<128xi32, #tpu.memory_space<vmem>>) semaphore(%arg9 : memref<!tpu.dma_semaphore, #tpu.memory_space<semaphore_mem>>) {add = true}
      %dma_wait3A = arith.constant 0 : i32
      %dma_wait3A_200 = arith.constant 0 : i32
      %dma_wait3A_201 = tpu.memref_slice %arg4[%rem3A_93, %dma_wait3A, %dma_wait3A_200] : memref<2x16x128xi32, #tpu.memory_space<vmem>> -> memref<1x1x128xi32, #tpu.memory_space<vmem>>
      %dma_wait3A_202 = tpu.memref_squeeze %dma_wait3A_201 : memref<1x1x128xi32, #tpu.memory_space<vmem>> -> memref<128xi32, #tpu.memory_space<vmem>>
      %dma_wait3A_203 = arith.constant 0 : i32
      %dma_wait3A_204 = tpu.memref_slice %arg7[%dma_wait3A_203] : memref<100352xf32, #tpu.memory_space<vmem_shared>> -> memref<100352xf32, #tpu.memory_space<vmem_shared>>
      tpu.wait_indirect_dma semaphore(%arg9 : memref<!tpu.dma_semaphore, #tpu.memory_space<semaphore_mem>>) src(%arg5 : memref<128xf32, #tpu.memory_space<vmem>>) dst(%dma_wait3A_204 : memref<100352xf32, #tpu.memory_space<vmem_shared>>)
      %dma_wait3A_205 = arith.constant 1 : i32
      %dma_wait3A_206 = arith.constant 0 : i32
      %dma_wait3A_207 = tpu.memref_slice %arg4[%rem3A_93, %dma_wait3A_205, %dma_wait3A_206] : memref<2x16x128xi32, #tpu.memory_space<vmem>> -> memref<1x1x128xi32, #tpu.memory_space<vmem>>
      %dma_wait3A_208 = tpu.memref_squeeze %dma_wait3A_207 : memref<1x1x128xi32, #tpu.memory_space<vmem>> -> memref<128xi32, #tpu.memory_space<vmem>>
      %dma_wait3A_209 = arith.constant 0 : i32
      %dma_wait3A_210 = tpu.memref_slice %arg7[%dma_wait3A_209] : memref<100352xf32, #tpu.memory_space<vmem_shared>> -> memref<100352xf32, #tpu.memory_space<vmem_shared>>
      tpu.wait_indirect_dma semaphore(%arg9 : memref<!tpu.dma_semaphore, #tpu.memory_space<semaphore_mem>>) src(%arg5 : memref<128xf32, #tpu.memory_space<vmem>>) dst(%dma_wait3A_210 : memref<100352xf32, #tpu.memory_space<vmem_shared>>)
      %dma_wait3A_211 = arith.constant 2 : i32
      %dma_wait3A_212 = arith.constant 0 : i32
      %dma_wait3A_213 = tpu.memref_slice %arg4[%rem3A_93, %dma_wait3A_211, %dma_wait3A_212] : memref<2x16x128xi32, #tpu.memory_space<vmem>> -> memref<1x1x128xi32, #tpu.memory_space<vmem>>
      %dma_wait3A_214 = tpu.memref_squeeze %dma_wait3A_213 : memref<1x1x128xi32, #tpu.memory_space<vmem>> -> memref<128xi32, #tpu.memory_space<vmem>>
      %dma_wait3A_215 = arith.constant 0 : i32
      %dma_wait3A_216 = tpu.memref_slice %arg7[%dma_wait3A_215] : memref<100352xf32, #tpu.memory_space<vmem_shared>> -> memref<100352xf32, #tpu.memory_space<vmem_shared>>
      tpu.wait_indirect_dma semaphore(%arg9 : memref<!tpu.dma_semaphore, #tpu.memory_space<semaphore_mem>>) src(%arg5 : memref<128xf32, #tpu.memory_space<vmem>>) dst(%dma_wait3A_216 : memref<100352xf32, #tpu.memory_space<vmem_shared>>)
      %dma_wait3A_217 = arith.constant 3 : i32
      %dma_wait3A_218 = arith.constant 0 : i32
      %dma_wait3A_219 = tpu.memref_slice %arg4[%rem3A_93, %dma_wait3A_217, %dma_wait3A_218] : memref<2x16x128xi32, #tpu.memory_space<vmem>> -> memref<1x1x128xi32, #tpu.memory_space<vmem>>
      %dma_wait3A_220 = tpu.memref_squeeze %dma_wait3A_219 : memref<1x1x128xi32, #tpu.memory_space<vmem>> -> memref<128xi32, #tpu.memory_space<vmem>>
      %dma_wait3A_221 = arith.constant 0 : i32
      %dma_wait3A_222 = tpu.memref_slice %arg7[%dma_wait3A_221] : memref<100352xf32, #tpu.memory_space<vmem_shared>> -> memref<100352xf32, #tpu.memory_space<vmem_shared>>
      tpu.wait_indirect_dma semaphore(%arg9 : memref<!tpu.dma_semaphore, #tpu.memory_space<semaphore_mem>>) src(%arg5 : memref<128xf32, #tpu.memory_space<vmem>>) dst(%dma_wait3A_222 : memref<100352xf32, #tpu.memory_space<vmem_shared>>)
      %dma_wait3A_223 = arith.constant 4 : i32
      %dma_wait3A_224 = arith.constant 0 : i32
      %dma_wait3A_225 = tpu.memref_slice %arg4[%rem3A_93, %dma_wait3A_223, %dma_wait3A_224] : memref<2x16x128xi32, #tpu.memory_space<vmem>> -> memref<1x1x128xi32, #tpu.memory_space<vmem>>
      %dma_wait3A_226 = tpu.memref_squeeze %dma_wait3A_225 : memref<1x1x128xi32, #tpu.memory_space<vmem>> -> memref<128xi32, #tpu.memory_space<vmem>>
      %dma_wait3A_227 = arith.constant 0 : i32
      %dma_wait3A_228 = tpu.memref_slice %arg7[%dma_wait3A_227] : memref<100352xf32, #tpu.memory_space<vmem_shared>> -> memref<100352xf32, #tpu.memory_space<vmem_shared>>
      tpu.wait_indirect_dma semaphore(%arg9 : memref<!tpu.dma_semaphore, #tpu.memory_space<semaphore_mem>>) src(%arg5 : memref<128xf32, #tpu.memory_space<vmem>>) dst(%dma_wait3A_228 : memref<100352xf32, #tpu.memory_space<vmem_shared>>)
      %dma_wait3A_229 = arith.constant 5 : i32
      %dma_wait3A_230 = arith.constant 0 : i32
      %dma_wait3A_231 = tpu.memref_slice %arg4[%rem3A_93, %dma_wait3A_229, %dma_wait3A_230] : memref<2x16x128xi32, #tpu.memory_space<vmem>> -> memref<1x1x128xi32, #tpu.memory_space<vmem>>
      %dma_wait3A_232 = tpu.memref_squeeze %dma_wait3A_231 : memref<1x1x128xi32, #tpu.memory_space<vmem>> -> memref<128xi32, #tpu.memory_space<vmem>>
      %dma_wait3A_233 = arith.constant 0 : i32
      %dma_wait3A_234 = tpu.memref_slice %arg7[%dma_wait3A_233] : memref<100352xf32, #tpu.memory_space<vmem_shared>> -> memref<100352xf32, #tpu.memory_space<vmem_shared>>
      tpu.wait_indirect_dma semaphore(%arg9 : memref<!tpu.dma_semaphore, #tpu.memory_space<semaphore_mem>>) src(%arg5 : memref<128xf32, #tpu.memory_space<vmem>>) dst(%dma_wait3A_234 : memref<100352xf32, #tpu.memory_space<vmem_shared>>)
      %dma_wait3A_235 = arith.constant 6 : i32
      %dma_wait3A_236 = arith.constant 0 : i32
      %dma_wait3A_237 = tpu.memref_slice %arg4[%rem3A_93, %dma_wait3A_235, %dma_wait3A_236] : memref<2x16x128xi32, #tpu.memory_space<vmem>> -> memref<1x1x128xi32, #tpu.memory_space<vmem>>
      %dma_wait3A_238 = tpu.memref_squeeze %dma_wait3A_237 : memref<1x1x128xi32, #tpu.memory_space<vmem>> -> memref<128xi32, #tpu.memory_space<vmem>>
      %dma_wait3A_239 = arith.constant 0 : i32
      %dma_wait3A_240 = tpu.memref_slice %arg7[%dma_wait3A_239] : memref<100352xf32, #tpu.memory_space<vmem_shared>> -> memref<100352xf32, #tpu.memory_space<vmem_shared>>
      tpu.wait_indirect_dma semaphore(%arg9 : memref<!tpu.dma_semaphore, #tpu.memory_space<semaphore_mem>>) src(%arg5 : memref<128xf32, #tpu.memory_space<vmem>>) dst(%dma_wait3A_240 : memref<100352xf32, #tpu.memory_space<vmem_shared>>)
      %dma_wait3A_241 = arith.constant 7 : i32
      %dma_wait3A_242 = arith.constant 0 : i32
      %dma_wait3A_243 = tpu.memref_slice %arg4[%rem3A_93, %dma_wait3A_241, %dma_wait3A_242] : memref<2x16x128xi32, #tpu.memory_space<vmem>> -> memref<1x1x128xi32, #tpu.memory_space<vmem>>
      %dma_wait3A_244 = tpu.memref_squeeze %dma_wait3A_243 : memref<1x1x128xi32, #tpu.memory_space<vmem>> -> memref<128xi32, #tpu.memory_space<vmem>>
      %dma_wait3A_245 = arith.constant 0 : i32
      %dma_wait3A_246 = tpu.memref_slice %arg7[%dma_wait3A_245] : memref<100352xf32, #tpu.memory_space<vmem_shared>> -> memref<100352xf32, #tpu.memory_space<vmem_shared>>
      tpu.wait_indirect_dma semaphore(%arg9 : memref<!tpu.dma_semaphore, #tpu.memory_space<semaphore_mem>>) src(%arg5 : memref<128xf32, #tpu.memory_space<vmem>>) dst(%dma_wait3A_246 : memref<100352xf32, #tpu.memory_space<vmem_shared>>)
      %dma_wait3A_247 = arith.constant 8 : i32
      %dma_wait3A_248 = arith.constant 0 : i32
      %dma_wait3A_249 = tpu.memref_slice %arg4[%rem3A_93, %dma_wait3A_247, %dma_wait3A_248] : memref<2x16x128xi32, #tpu.memory_space<vmem>> -> memref<1x1x128xi32, #tpu.memory_space<vmem>>
      %dma_wait3A_250 = tpu.memref_squeeze %dma_wait3A_249 : memref<1x1x128xi32, #tpu.memory_space<vmem>> -> memref<128xi32, #tpu.memory_space<vmem>>
      %dma_wait3A_251 = arith.constant 0 : i32
      %dma_wait3A_252 = tpu.memref_slice %arg7[%dma_wait3A_251] : memref<100352xf32, #tpu.memory_space<vmem_shared>> -> memref<100352xf32, #tpu.memory_space<vmem_shared>>
      tpu.wait_indirect_dma semaphore(%arg9 : memref<!tpu.dma_semaphore, #tpu.memory_space<semaphore_mem>>) src(%arg5 : memref<128xf32, #tpu.memory_space<vmem>>) dst(%dma_wait3A_252 : memref<100352xf32, #tpu.memory_space<vmem_shared>>)
      %dma_wait3A_253 = arith.constant 9 : i32
      %dma_wait3A_254 = arith.constant 0 : i32
      %dma_wait3A_255 = tpu.memref_slice %arg4[%rem3A_93, %dma_wait3A_253, %dma_wait3A_254] : memref<2x16x128xi32, #tpu.memory_space<vmem>> -> memref<1x1x128xi32, #tpu.memory_space<vmem>>
      %dma_wait3A_256 = tpu.memref_squeeze %dma_wait3A_255 : memref<1x1x128xi32, #tpu.memory_space<vmem>> -> memref<128xi32, #tpu.memory_space<vmem>>
      %dma_wait3A_257 = arith.constant 0 : i32
      %dma_wait3A_258 = tpu.memref_slice %arg7[%dma_wait3A_257] : memref<100352xf32, #tpu.memory_space<vmem_shared>> -> memref<100352xf32, #tpu.memory_space<vmem_shared>>
      tpu.wait_indirect_dma semaphore(%arg9 : memref<!tpu.dma_semaphore, #tpu.memory_space<semaphore_mem>>) src(%arg5 : memref<128xf32, #tpu.memory_space<vmem>>) dst(%dma_wait3A_258 : memref<100352xf32, #tpu.memory_space<vmem_shared>>)
      %dma_wait3A_259 = arith.constant 10 : i32
      %dma_wait3A_260 = arith.constant 0 : i32
      %dma_wait3A_261 = tpu.memref_slice %arg4[%rem3A_93, %dma_wait3A_259, %dma_wait3A_260] : memref<2x16x128xi32, #tpu.memory_space<vmem>> -> memref<1x1x128xi32, #tpu.memory_space<vmem>>
      %dma_wait3A_262 = tpu.memref_squeeze %dma_wait3A_261 : memref<1x1x128xi32, #tpu.memory_space<vmem>> -> memref<128xi32, #tpu.memory_space<vmem>>
      %dma_wait3A_263 = arith.constant 0 : i32
      %dma_wait3A_264 = tpu.memref_slice %arg7[%dma_wait3A_263] : memref<100352xf32, #tpu.memory_space<vmem_shared>> -> memref<100352xf32, #tpu.memory_space<vmem_shared>>
      tpu.wait_indirect_dma semaphore(%arg9 : memref<!tpu.dma_semaphore, #tpu.memory_space<semaphore_mem>>) src(%arg5 : memref<128xf32, #tpu.memory_space<vmem>>) dst(%dma_wait3A_264 : memref<100352xf32, #tpu.memory_space<vmem_shared>>)
      %dma_wait3A_265 = arith.constant 11 : i32
      %dma_wait3A_266 = arith.constant 0 : i32
      %dma_wait3A_267 = tpu.memref_slice %arg4[%rem3A_93, %dma_wait3A_265, %dma_wait3A_266] : memref<2x16x128xi32, #tpu.memory_space<vmem>> -> memref<1x1x128xi32, #tpu.memory_space<vmem>>
      %dma_wait3A_268 = tpu.memref_squeeze %dma_wait3A_267 : memref<1x1x128xi32, #tpu.memory_space<vmem>> -> memref<128xi32, #tpu.memory_space<vmem>>
      %dma_wait3A_269 = arith.constant 0 : i32
      %dma_wait3A_270 = tpu.memref_slice %arg7[%dma_wait3A_269] : memref<100352xf32, #tpu.memory_space<vmem_shared>> -> memref<100352xf32, #tpu.memory_space<vmem_shared>>
      tpu.wait_indirect_dma semaphore(%arg9 : memref<!tpu.dma_semaphore, #tpu.memory_space<semaphore_mem>>) src(%arg5 : memref<128xf32, #tpu.memory_space<vmem>>) dst(%dma_wait3A_270 : memref<100352xf32, #tpu.memory_space<vmem_shared>>)
      %dma_wait3A_271 = arith.constant 12 : i32
      %dma_wait3A_272 = arith.constant 0 : i32
      %dma_wait3A_273 = tpu.memref_slice %arg4[%rem3A_93, %dma_wait3A_271, %dma_wait3A_272] : memref<2x16x128xi32, #tpu.memory_space<vmem>> -> memref<1x1x128xi32, #tpu.memory_space<vmem>>
      %dma_wait3A_274 = tpu.memref_squeeze %dma_wait3A_273 : memref<1x1x128xi32, #tpu.memory_space<vmem>> -> memref<128xi32, #tpu.memory_space<vmem>>
      %dma_wait3A_275 = arith.constant 0 : i32
      %dma_wait3A_276 = tpu.memref_slice %arg7[%dma_wait3A_275] : memref<100352xf32, #tpu.memory_space<vmem_shared>> -> memref<100352xf32, #tpu.memory_space<vmem_shared>>
      tpu.wait_indirect_dma semaphore(%arg9 : memref<!tpu.dma_semaphore, #tpu.memory_space<semaphore_mem>>) src(%arg5 : memref<128xf32, #tpu.memory_space<vmem>>) dst(%dma_wait3A_276 : memref<100352xf32, #tpu.memory_space<vmem_shared>>)
      %dma_wait3A_277 = arith.constant 13 : i32
      %dma_wait3A_278 = arith.constant 0 : i32
      %dma_wait3A_279 = tpu.memref_slice %arg4[%rem3A_93, %dma_wait3A_277, %dma_wait3A_278] : memref<2x16x128xi32, #tpu.memory_space<vmem>> -> memref<1x1x128xi32, #tpu.memory_space<vmem>>
      %dma_wait3A_280 = tpu.memref_squeeze %dma_wait3A_279 : memref<1x1x128xi32, #tpu.memory_space<vmem>> -> memref<128xi32, #tpu.memory_space<vmem>>
      %dma_wait3A_281 = arith.constant 0 : i32
      %dma_wait3A_282 = tpu.memref_slice %arg7[%dma_wait3A_281] : memref<100352xf32, #tpu.memory_space<vmem_shared>> -> memref<100352xf32, #tpu.memory_space<vmem_shared>>
      tpu.wait_indirect_dma semaphore(%arg9 : memref<!tpu.dma_semaphore, #tpu.memory_space<semaphore_mem>>) src(%arg5 : memref<128xf32, #tpu.memory_space<vmem>>) dst(%dma_wait3A_282 : memref<100352xf32, #tpu.memory_space<vmem_shared>>)
      %dma_wait3A_283 = arith.constant 14 : i32
      %dma_wait3A_284 = arith.constant 0 : i32
      %dma_wait3A_285 = tpu.memref_slice %arg4[%rem3A_93, %dma_wait3A_283, %dma_wait3A_284] : memref<2x16x128xi32, #tpu.memory_space<vmem>> -> memref<1x1x128xi32, #tpu.memory_space<vmem>>
      %dma_wait3A_286 = tpu.memref_squeeze %dma_wait3A_285 : memref<1x1x128xi32, #tpu.memory_space<vmem>> -> memref<128xi32, #tpu.memory_space<vmem>>
      %dma_wait3A_287 = arith.constant 0 : i32
      %dma_wait3A_288 = tpu.memref_slice %arg7[%dma_wait3A_287] : memref<100352xf32, #tpu.memory_space<vmem_shared>> -> memref<100352xf32, #tpu.memory_space<vmem_shared>>
      tpu.wait_indirect_dma semaphore(%arg9 : memref<!tpu.dma_semaphore, #tpu.memory_space<semaphore_mem>>) src(%arg5 : memref<128xf32, #tpu.memory_space<vmem>>) dst(%dma_wait3A_288 : memref<100352xf32, #tpu.memory_space<vmem_shared>>)
      %dma_wait3A_289 = arith.constant 15 : i32
      %dma_wait3A_290 = arith.constant 0 : i32
      %dma_wait3A_291 = tpu.memref_slice %arg4[%rem3A_93, %dma_wait3A_289, %dma_wait3A_290] : memref<2x16x128xi32, #tpu.memory_space<vmem>> -> memref<1x1x128xi32, #tpu.memory_space<vmem>>
      %dma_wait3A_292 = tpu.memref_squeeze %dma_wait3A_291 : memref<1x1x128xi32, #tpu.memory_space<vmem>> -> memref<128xi32, #tpu.memory_space<vmem>>
      %dma_wait3A_293 = arith.constant 0 : i32
      %dma_wait3A_294 = tpu.memref_slice %arg7[%dma_wait3A_293] : memref<100352xf32, #tpu.memory_space<vmem_shared>> -> memref<100352xf32, #tpu.memory_space<vmem_shared>>
      tpu.wait_indirect_dma semaphore(%arg9 : memref<!tpu.dma_semaphore, #tpu.memory_space<semaphore_mem>>) src(%arg5 : memref<128xf32, #tpu.memory_space<vmem>>) dst(%dma_wait3A_294 : memref<100352xf32, #tpu.memory_space<vmem_shared>>)
      %scan3A_295 = arith.constant 0 : i32
      scf.yield %scan3A_295 : i32
    }
    %scan3A_86 = arith.constant 98 : i32
    %barrier3A_87 = arith.constant 0 : index
    tpu.barrier barrier_id(%barrier3A_87)
    %mul3A_88 = arith.constant 100352 : i32
    %mul3A_89 = arith.muli %arg0, %mul3A_88 : i32
    %add3A_90 = arith.addi %mul3A_89, %mul3A_48 : i32
    "tpu.region"() ({
      %run_scoped3A_91 = tpu.sem_alloc : memref<!tpu.dma_semaphore, #tpu.memory_space<semaphore_mem>>
      %dma_start3A_92 = tpu.memref_slice %arg3[%add3A_90] : memref<200704xf32, #tpu.memory_space<hbm>> -> memref<6272xf32, #tpu.memory_space<hbm>>
      %dma_start3A_93 = tpu.memref_slice %arg7[%mul3A_48] : memref<100352xf32, #tpu.memory_space<vmem_shared>> -> memref<6272xf32, #tpu.memory_space<vmem_shared>>
      tpu.enqueue_dma source(%dma_start3A_93 : memref<6272xf32, #tpu.memory_space<vmem_shared>>) target(%dma_start3A_92 : memref<6272xf32, #tpu.memory_space<hbm>>) target_semaphore(%run_scoped3A_91 : memref<!tpu.dma_semaphore, #tpu.memory_space<semaphore_mem>>)
      %dma_wait3A = tpu.memref_slice %arg3[%add3A_90] : memref<200704xf32, #tpu.memory_space<hbm>> -> memref<6272xf32, #tpu.memory_space<hbm>>
      %dma_wait3A_94 = tpu.memref_slice %arg7[%mul3A_48] : memref<100352xf32, #tpu.memory_space<vmem_shared>> -> memref<6272xf32, #tpu.memory_space<vmem_shared>>
      tpu.wait_dma2 semaphore(%run_scoped3A_91 : memref<!tpu.dma_semaphore, #tpu.memory_space<semaphore_mem>>) src(%dma_wait3A_94 : memref<6272xf32, #tpu.memory_space<vmem_shared>>) dst(%dma_wait3A : memref<6272xf32, #tpu.memory_space<hbm>>)
      tpu.yield
    }) : () -> ()
    return
  }
}

#map = affine_map<(d0, d1) -> (0, 0)>
module attributes {stable_mosaic.version = 14 : i64} {
  func.func @_spmm16_kernel(%arg0: i32, %arg1: i32, %arg2: memref<100352x16xf32, #tpu.memory_space<hbm>>, %arg3: memref<50176x128xi32, #tpu.memory_space<hbm>>, %arg4: memref<50176x128xi32, #tpu.memory_space<hbm>>, %arg5: memref<200704x16xf32, #tpu.memory_space<hbm>>, %arg6: memref<2x8x128xi32, #tpu.memory_space<vmem>>, %arg7: memref<2x8x128xi32, #tpu.memory_space<vmem>>, %arg8: memref<8x128x16xf32, #tpu.memory_space<vmem>>, %arg9: memref<64x16xf32, #tpu.memory_space<vmem>>, %arg10: memref<100352x16xf32, #tpu.memory_space<vmem_shared>>, %arg11: memref<!tpu.dma_semaphore, #tpu.memory_space<semaphore_mem>>, %arg12: memref<!tpu.dma_semaphore, #tpu.memory_space<semaphore_mem>>, %arg13: memref<!tpu.dma_semaphore, #tpu.memory_space<semaphore_mem>>) attributes {dimension_semantics = [#tpu.dimension_semantics<core_parallel>, #tpu.dimension_semantics<subcore_parallel>], iteration_bounds = array<i64: 2, 16>, scalar_prefetch = 0 : i64, scratch_operands = 8 : i64, tpu.core_type = #tpu.core_type<sc_vector_subcore>, window_params = [{transform_indices = #map}, {transform_indices = #map}, {transform_indices = #map}, {transform_indices = #map}]} {
    %mul3A = arith.constant 16 : i32
    %mul3A_0 = arith.muli %arg0, %mul3A : i32
    %add3A = arith.addi %mul3A_0, %arg1 : i32
    %mul3A_1 = arith.constant 6272 : i32
    %mul3A_2 = arith.muli %arg1, %mul3A_1 : i32
    %scan3A = arith.constant 0 : i32
    %scan3A_3 = arith.constant 0 : i32
    %scan3A_4 = arith.constant 64 : i32
    %scan3A_5 = arith.addi %scan3A_3, %scan3A_4 : i32
    %scan3A_6 = arith.constant 1 : i32
    %scan3A_7 = scf.for %scan3A_59 = %scan3A_3 to %scan3A_5 step %scan3A_6 iter_args(%scan3A_60 = %scan3A) -> (i32)  : i32 {
      %broadcast_in_dim3A = arith.constant 0.000000e+00 : f32
      %broadcast_in_dim3A_61 = vector.broadcast %broadcast_in_dim3A : f32 to vector<16xf32>
      %swap3A = arith.index_cast %scan3A_59 : i32 to index
      %swap3A_62 = arith.constant 0 : index
      %swap3A_63 = tpu.vector_load %arg9[%swap3A, %swap3A_62] {strides = array<i32>} : memref<64x16xf32, #tpu.memory_space<vmem>>, vector<1x16xf32>,
      %swap3A_64 = vector.shape_cast %swap3A_63 : vector<1x16xf32> to vector<16xf32>
      %swap3A_65 = vector.shape_cast %broadcast_in_dim3A_61 : vector<16xf32> to vector<1x16xf32>
      tpu.vector_store %arg9[%swap3A, %swap3A_62], %swap3A_65 {strides = array<i32>} : memref<64x16xf32, #tpu.memory_space<vmem>>, vector<1x16xf32>,
      %scan3A_66 = arith.constant 0 : i32
      scf.yield %scan3A_66 : i32
    }
    %scan3A_8 = arith.constant 64 : i32
    %mul3A_9 = arith.constant 6272 : i32
    %mul3A_10 = arith.muli %arg1, %mul3A_9 : i32
    %scan3A_11 = arith.constant 0 : i32
    %scan3A_12 = arith.constant 0 : i32
    %scan3A_13 = arith.constant 98 : i32
    %scan3A_14 = arith.addi %scan3A_12, %scan3A_13 : i32
    %scan3A_15 = arith.constant 1 : i32
    %scan3A_16 = scf.for %scan3A_59 = %scan3A_12 to %scan3A_14 step %scan3A_15 iter_args(%scan3A_60 = %scan3A_11) -> (i32)  : i32 {
      %mul3A_61 = arith.constant 64 : i32
      %mul3A_62 = arith.muli %scan3A_59, %mul3A_61 : i32
      %add3A_63 = arith.addi %mul3A_10, %mul3A_62 : i32
      "tpu.region"() ({
        %run_scoped3A_65 = tpu.sem_alloc : memref<!tpu.dma_semaphore, #tpu.memory_space<semaphore_mem>>
        %dma_start3A_66 = arith.constant 0 : i32
        %dma_start3A_67 = tpu.memref_slice %arg10[%add3A_63, %dma_start3A_66] : memref<100352x16xf32, #tpu.memory_space<vmem_shared>> -> memref<64x16xf32, #tpu.memory_space<vmem_shared>>
        %dma_start3A_68 = arith.constant 0 : i32
        %dma_start3A_69 = tpu.memref_slice %arg10[%add3A_63, %dma_start3A_68] : memref<100352x16xf32, #tpu.memory_space<vmem_shared>> -> memref<64x16xf32, #tpu.memory_space<vmem_shared>>
        tpu.enqueue_dma source(%arg9 : memref<64x16xf32, #tpu.memory_space<vmem>>) target(%dma_start3A_69 : memref<64x16xf32, #tpu.memory_space<vmem_shared>>) target_semaphore(%run_scoped3A_65 : memref<!tpu.dma_semaphore, #tpu.memory_space<semaphore_mem>>)
        %dma_wait3A = arith.constant 0 : i32
        %dma_wait3A_70 = tpu.memref_slice %arg10[%add3A_63, %dma_wait3A] : memref<100352x16xf32, #tpu.memory_space<vmem_shared>> -> memref<64x16xf32, #tpu.memory_space<vmem_shared>>
        %dma_wait3A_71 = arith.constant 0 : i32
        %dma_wait3A_72 = tpu.memref_slice %arg10[%add3A_63, %dma_wait3A_71] : memref<100352x16xf32, #tpu.memory_space<vmem_shared>> -> memref<64x16xf32, #tpu.memory_space<vmem_shared>>
        tpu.wait_dma2 semaphore(%run_scoped3A_65 : memref<!tpu.dma_semaphore, #tpu.memory_space<semaphore_mem>>) src(%arg9 : memref<64x16xf32, #tpu.memory_space<vmem>>) dst(%dma_wait3A_72 : memref<64x16xf32, #tpu.memory_space<vmem_shared>>)
        tpu.yield
      }) : () -> ()
      %scan3A_64 = arith.constant 0 : i32
      scf.yield %scan3A_64 : i32
    }
    %scan3A_17 = arith.constant 98 : i32
    %barrier3A = arith.constant 0 : index
    tpu.barrier barrier_id(%barrier3A)
    %mul3A_18 = arith.constant 1568 : i32
    %mul3A_19 = arith.muli %add3A, %mul3A_18 : i32
    %run_scoped3A = arith.constant 0 : i32
    "tpu.region"() ({
      %run_scoped3A_59 = tpu.sem_alloc : memref<!tpu.dma_semaphore, #tpu.memory_space<semaphore_mem>>
      %dma_start3A_60 = arith.constant 0 : i32
      %dma_start3A_61 = arith.constant 0 : i32
      %dma_start3A_62 = tpu.memref_slice %arg6[%run_scoped3A, %dma_start3A_60, %dma_start3A_61] : memref<2x8x128xi32, #tpu.memory_space<vmem>> -> memref<1x8x128xi32, #tpu.memory_space<vmem>>
      %dma_start3A_63 = tpu.memref_squeeze %dma_start3A_62 : memref<1x8x128xi32, #tpu.memory_space<vmem>> -> memref<8x128xi32, #tpu.memory_space<vmem>>
      %dma_start3A_64 = arith.constant 0 : i32
      %dma_start3A_65 = tpu.memref_slice %arg3[%mul3A_19, %dma_start3A_64] : memref<50176x128xi32, #tpu.memory_space<hbm>> -> memref<8x128xi32, #tpu.memory_space<hbm>>
      %dma_start3A_66 = arith.constant 0 : i32
      %dma_start3A_67 = arith.constant 0 : i32
      %dma_start3A_68 = tpu.memref_slice %arg6[%run_scoped3A, %dma_start3A_66, %dma_start3A_67] : memref<2x8x128xi32, #tpu.memory_space<vmem>> -> memref<1x8x128xi32, #tpu.memory_space<vmem>>
      %dma_start3A_69 = tpu.memref_squeeze %dma_start3A_68 : memref<1x8x128xi32, #tpu.memory_space<vmem>> -> memref<8x128xi32, #tpu.memory_space<vmem>>
      %dma_start3A_70 = arith.constant 0 : i32
      %dma_start3A_71 = tpu.memref_slice %arg3[%mul3A_19, %dma_start3A_70] : memref<50176x128xi32, #tpu.memory_space<hbm>> -> memref<8x128xi32, #tpu.memory_space<hbm>>
      tpu.enqueue_dma source(%dma_start3A_71 : memref<8x128xi32, #tpu.memory_space<hbm>>) target(%dma_start3A_69 : memref<8x128xi32, #tpu.memory_space<vmem>>) target_semaphore(%run_scoped3A_59 : memref<!tpu.dma_semaphore, #tpu.memory_space<semaphore_mem>>)
      %dma_wait3A = arith.constant 0 : i32
      %dma_wait3A_72 = arith.constant 0 : i32
      %dma_wait3A_73 = tpu.memref_slice %arg6[%run_scoped3A, %dma_wait3A, %dma_wait3A_72] : memref<2x8x128xi32, #tpu.memory_space<vmem>> -> memref<1x8x128xi32, #tpu.memory_space<vmem>>
      %dma_wait3A_74 = tpu.memref_squeeze %dma_wait3A_73 : memref<1x8x128xi32, #tpu.memory_space<vmem>> -> memref<8x128xi32, #tpu.memory_space<vmem>>
      %dma_wait3A_75 = arith.constant 0 : i32
      %dma_wait3A_76 = tpu.memref_slice %arg3[%mul3A_19, %dma_wait3A_75] : memref<50176x128xi32, #tpu.memory_space<hbm>> -> memref<8x128xi32, #tpu.memory_space<hbm>>
      %dma_wait3A_77 = arith.constant 0 : i32
      %dma_wait3A_78 = arith.constant 0 : i32
      %dma_wait3A_79 = tpu.memref_slice %arg6[%run_scoped3A, %dma_wait3A_77, %dma_wait3A_78] : memref<2x8x128xi32, #tpu.memory_space<vmem>> -> memref<1x8x128xi32, #tpu.memory_space<vmem>>
      %dma_wait3A_80 = tpu.memref_squeeze %dma_wait3A_79 : memref<1x8x128xi32, #tpu.memory_space<vmem>> -> memref<8x128xi32, #tpu.memory_space<vmem>>
      %dma_wait3A_81 = arith.constant 0 : i32
      %dma_wait3A_82 = tpu.memref_slice %arg3[%mul3A_19, %dma_wait3A_81] : memref<50176x128xi32, #tpu.memory_space<hbm>> -> memref<8x128xi32, #tpu.memory_space<hbm>>
      tpu.wait_dma2 semaphore(%run_scoped3A_59 : memref<!tpu.dma_semaphore, #tpu.memory_space<semaphore_mem>>) src(%dma_wait3A_82 : memref<8x128xi32, #tpu.memory_space<hbm>>) dst(%dma_wait3A_80 : memref<8x128xi32, #tpu.memory_space<vmem>>)
      tpu.yield
    }) : () -> ()
    %run_scoped3A_20 = arith.constant 0 : i32
    "tpu.region"() ({
      %run_scoped3A_59 = tpu.sem_alloc : memref<!tpu.dma_semaphore, #tpu.memory_space<semaphore_mem>>
      %dma_start3A_60 = arith.constant 0 : i32
      %dma_start3A_61 = arith.constant 0 : i32
      %dma_start3A_62 = tpu.memref_slice %arg7[%run_scoped3A_20, %dma_start3A_60, %dma_start3A_61] : memref<2x8x128xi32, #tpu.memory_space<vmem>> -> memref<1x8x128xi32, #tpu.memory_space<vmem>>
      %dma_start3A_63 = tpu.memref_squeeze %dma_start3A_62 : memref<1x8x128xi32, #tpu.memory_space<vmem>> -> memref<8x128xi32, #tpu.memory_space<vmem>>
      %dma_start3A_64 = arith.constant 0 : i32
      %dma_start3A_65 = tpu.memref_slice %arg4[%mul3A_19, %dma_start3A_64] : memref<50176x128xi32, #tpu.memory_space<hbm>> -> memref<8x128xi32, #tpu.memory_space<hbm>>
      %dma_start3A_66 = arith.constant 0 : i32
      %dma_start3A_67 = arith.constant 0 : i32
      %dma_start3A_68 = tpu.memref_slice %arg7[%run_scoped3A_20, %dma_start3A_66, %dma_start3A_67] : memref<2x8x128xi32, #tpu.memory_space<vmem>> -> memref<1x8x128xi32, #tpu.memory_space<vmem>>
      %dma_start3A_69 = tpu.memref_squeeze %dma_start3A_68 : memref<1x8x128xi32, #tpu.memory_space<vmem>> -> memref<8x128xi32, #tpu.memory_space<vmem>>
      %dma_start3A_70 = arith.constant 0 : i32
      %dma_start3A_71 = tpu.memref_slice %arg4[%mul3A_19, %dma_start3A_70] : memref<50176x128xi32, #tpu.memory_space<hbm>> -> memref<8x128xi32, #tpu.memory_space<hbm>>
      tpu.enqueue_dma source(%dma_start3A_71 : memref<8x128xi32, #tpu.memory_space<hbm>>) target(%dma_start3A_69 : memref<8x128xi32, #tpu.memory_space<vmem>>) target_semaphore(%run_scoped3A_59 : memref<!tpu.dma_semaphore, #tpu.memory_space<semaphore_mem>>)
      %dma_wait3A = arith.constant 0 : i32
      %dma_wait3A_72 = arith.constant 0 : i32
      %dma_wait3A_73 = tpu.memref_slice %arg7[%run_scoped3A_20, %dma_wait3A, %dma_wait3A_72] : memref<2x8x128xi32, #tpu.memory_space<vmem>> -> memref<1x8x128xi32, #tpu.memory_space<vmem>>
      %dma_wait3A_74 = tpu.memref_squeeze %dma_wait3A_73 : memref<1x8x128xi32, #tpu.memory_space<vmem>> -> memref<8x128xi32, #tpu.memory_space<vmem>>
      %dma_wait3A_75 = arith.constant 0 : i32
      %dma_wait3A_76 = tpu.memref_slice %arg4[%mul3A_19, %dma_wait3A_75] : memref<50176x128xi32, #tpu.memory_space<hbm>> -> memref<8x128xi32, #tpu.memory_space<hbm>>
      %dma_wait3A_77 = arith.constant 0 : i32
      %dma_wait3A_78 = arith.constant 0 : i32
      %dma_wait3A_79 = tpu.memref_slice %arg7[%run_scoped3A_20, %dma_wait3A_77, %dma_wait3A_78] : memref<2x8x128xi32, #tpu.memory_space<vmem>> -> memref<1x8x128xi32, #tpu.memory_space<vmem>>
      %dma_wait3A_80 = tpu.memref_squeeze %dma_wait3A_79 : memref<1x8x128xi32, #tpu.memory_space<vmem>> -> memref<8x128xi32, #tpu.memory_space<vmem>>
      %dma_wait3A_81 = arith.constant 0 : i32
      %dma_wait3A_82 = tpu.memref_slice %arg4[%mul3A_19, %dma_wait3A_81] : memref<50176x128xi32, #tpu.memory_space<hbm>> -> memref<8x128xi32, #tpu.memory_space<hbm>>
      tpu.wait_dma2 semaphore(%run_scoped3A_59 : memref<!tpu.dma_semaphore, #tpu.memory_space<semaphore_mem>>) src(%dma_wait3A_82 : memref<8x128xi32, #tpu.memory_space<hbm>>) dst(%dma_wait3A_80 : memref<8x128xi32, #tpu.memory_space<vmem>>)
      tpu.yield
    }) : () -> ()
    %add3A_21 = arith.constant 8 : i32
    %add3A_22 = arith.addi %mul3A_19, %add3A_21 : i32
    %dma_start3A = arith.constant 1 : i32
    %dma_start3A_23 = arith.constant 0 : i32
    %dma_start3A_24 = arith.constant 0 : i32
    %dma_start3A_25 = tpu.memref_slice %arg6[%dma_start3A, %dma_start3A_23, %dma_start3A_24] : memref<2x8x128xi32, #tpu.memory_space<vmem>> -> memref<1x8x128xi32, #tpu.memory_space<vmem>>
    %dma_start3A_26 = tpu.memref_squeeze %dma_start3A_25 : memref<1x8x128xi32, #tpu.memory_space<vmem>> -> memref<8x128xi32, #tpu.memory_space<vmem>>
    %dma_start3A_27 = arith.constant 0 : i32
    %dma_start3A_28 = tpu.memref_slice %arg3[%add3A_22, %dma_start3A_27] : memref<50176x128xi32, #tpu.memory_space<hbm>> -> memref<8x128xi32, #tpu.memory_space<hbm>>
    %dma_start3A_29 = arith.constant 0 : i32
    %dma_start3A_30 = arith.constant 0 : i32
    %dma_start3A_31 = tpu.memref_slice %arg6[%dma_start3A, %dma_start3A_29, %dma_start3A_30] : memref<2x8x128xi32, #tpu.memory_space<vmem>> -> memref<1x8x128xi32, #tpu.memory_space<vmem>>
    %dma_start3A_32 = tpu.memref_squeeze %dma_start3A_31 : memref<1x8x128xi32, #tpu.memory_space<vmem>> -> memref<8x128xi32, #tpu.memory_space<vmem>>
    %dma_start3A_33 = arith.constant 0 : i32
    %dma_start3A_34 = tpu.memref_slice %arg3[%add3A_22, %dma_start3A_33] : memref<50176x128xi32, #tpu.memory_space<hbm>> -> memref<8x128xi32, #tpu.memory_space<hbm>>
    tpu.enqueue_dma source(%dma_start3A_34 : memref<8x128xi32, #tpu.memory_space<hbm>>) target(%dma_start3A_32 : memref<8x128xi32, #tpu.memory_space<vmem>>) target_semaphore(%arg11 : memref<!tpu.dma_semaphore, #tpu.memory_space<semaphore_mem>>)
    %dma_start3A_35 = arith.constant 1 : i32
    %dma_start3A_36 = arith.constant 0 : i32
    %dma_start3A_37 = arith.constant 0 : i32
    %dma_start3A_38 = tpu.memref_slice %arg7[%dma_start3A_35, %dma_start3A_36, %dma_start3A_37] : memref<2x8x128xi32, #tpu.memory_space<vmem>> -> memref<1x8x128xi32, #tpu.memory_space<vmem>>
    %dma_start3A_39 = tpu.memref_squeeze %dma_start3A_38 : memref<1x8x128xi32, #tpu.memory_space<vmem>> -> memref<8x128xi32, #tpu.memory_space<vmem>>
    %dma_start3A_40 = arith.constant 0 : i32
    %dma_start3A_41 = tpu.memref_slice %arg4[%add3A_22, %dma_start3A_40] : memref<50176x128xi32, #tpu.memory_space<hbm>> -> memref<8x128xi32, #tpu.memory_space<hbm>>
    %dma_start3A_42 = arith.constant 0 : i32
    %dma_start3A_43 = arith.constant 0 : i32
    %dma_start3A_44 = tpu.memref_slice %arg7[%dma_start3A_35, %dma_start3A_42, %dma_start3A_43] : memref<2x8x128xi32, #tpu.memory_space<vmem>> -> memref<1x8x128xi32, #tpu.memory_space<vmem>>
    %dma_start3A_45 = tpu.memref_squeeze %dma_start3A_44 : memref<1x8x128xi32, #tpu.memory_space<vmem>> -> memref<8x128xi32, #tpu.memory_space<vmem>>
    %dma_start3A_46 = arith.constant 0 : i32
    %dma_start3A_47 = tpu.memref_slice %arg4[%add3A_22, %dma_start3A_46] : memref<50176x128xi32, #tpu.memory_space<hbm>> -> memref<8x128xi32, #tpu.memory_space<hbm>>
    tpu.enqueue_dma source(%dma_start3A_47 : memref<8x128xi32, #tpu.memory_space<hbm>>) target(%dma_start3A_45 : memref<8x128xi32, #tpu.memory_space<vmem>>) target_semaphore(%arg11 : memref<!tpu.dma_semaphore, #tpu.memory_space<semaphore_mem>>)
    %scan3A_48 = arith.constant 0 : i32
    %scan3A_49 = arith.constant 0 : i32
    %scan3A_50 = arith.constant 196 : i32
    %scan3A_51 = arith.addi %scan3A_49, %scan3A_50 : i32
    %scan3A_52 = arith.constant 1 : i32
    %scan3A_53 = scf.for %scan3A_59 = %scan3A_49 to %scan3A_51 step %scan3A_52 iter_args(%scan3A_60 = %scan3A_48) -> (i32)  : i32 {
      %rem3A = arith.constant 2 : i32
      %rem3A_61 = arith.remsi %scan3A_59, %rem3A : i32
      %gt3A = arith.constant 0 : i32
      %gt3A_62 = arith.cmpi sgt, %scan3A_59, %gt3A : i32
      %convert_element_type3A = arith.extui %gt3A_62 : i1 to i32
      %cond3A = arith.constant 0 : i32
      %cond3A_63 = arith.cmpi ne, %convert_element_type3A, %cond3A : i32
      scf.if %cond3A_63 {
        %mul3A_454 = arith.constant 8 : i32
        %mul3A_455 = arith.muli %scan3A_59, %mul3A_454 : i32
        %add3A_456 = arith.addi %mul3A_19, %mul3A_455 : i32
        %dma_wait3A_457 = arith.constant 0 : i32
        %dma_wait3A_458 = arith.constant 0 : i32
        %dma_wait3A_459 = tpu.memref_slice %arg6[%rem3A_61, %dma_wait3A_457, %dma_wait3A_458] : memref<2x8x128xi32, #tpu.memory_space<vmem>> -> memref<1x8x128xi32, #tpu.memory_space<vmem>>
        %dma_wait3A_460 = tpu.memref_squeeze %dma_wait3A_459 : memref<1x8x128xi32, #tpu.memory_space<vmem>> -> memref<8x128xi32, #tpu.memory_space<vmem>>
        %dma_wait3A_461 = arith.constant 0 : i32
        %dma_wait3A_462 = tpu.memref_slice %arg3[%add3A_456, %dma_wait3A_461] : memref<50176x128xi32, #tpu.memory_space<hbm>> -> memref<8x128xi32, #tpu.memory_space<hbm>>
        %dma_wait3A_463 = arith.constant 0 : i32
        %dma_wait3A_464 = arith.constant 0 : i32
        %dma_wait3A_465 = tpu.memref_slice %arg6[%rem3A_61, %dma_wait3A_463, %dma_wait3A_464] : memref<2x8x128xi32, #tpu.memory_space<vmem>> -> memref<1x8x128xi32, #tpu.memory_space<vmem>>
        %dma_wait3A_466 = tpu.memref_squeeze %dma_wait3A_465 : memref<1x8x128xi32, #tpu.memory_space<vmem>> -> memref<8x128xi32, #tpu.memory_space<vmem>>
        %dma_wait3A_467 = arith.constant 0 : i32
        %dma_wait3A_468 = tpu.memref_slice %arg3[%add3A_456, %dma_wait3A_467] : memref<50176x128xi32, #tpu.memory_space<hbm>> -> memref<8x128xi32, #tpu.memory_space<hbm>>
        tpu.wait_dma2 semaphore(%arg11 : memref<!tpu.dma_semaphore, #tpu.memory_space<semaphore_mem>>) src(%dma_wait3A_468 : memref<8x128xi32, #tpu.memory_space<hbm>>) dst(%dma_wait3A_466 : memref<8x128xi32, #tpu.memory_space<vmem>>)
        %dma_wait3A_469 = arith.constant 0 : i32
        %dma_wait3A_470 = arith.constant 0 : i32
        %dma_wait3A_471 = tpu.memref_slice %arg7[%rem3A_61, %dma_wait3A_469, %dma_wait3A_470] : memref<2x8x128xi32, #tpu.memory_space<vmem>> -> memref<1x8x128xi32, #tpu.memory_space<vmem>>
        %dma_wait3A_472 = tpu.memref_squeeze %dma_wait3A_471 : memref<1x8x128xi32, #tpu.memory_space<vmem>> -> memref<8x128xi32, #tpu.memory_space<vmem>>
        %dma_wait3A_473 = arith.constant 0 : i32
        %dma_wait3A_474 = tpu.memref_slice %arg4[%add3A_456, %dma_wait3A_473] : memref<50176x128xi32, #tpu.memory_space<hbm>> -> memref<8x128xi32, #tpu.memory_space<hbm>>
        %dma_wait3A_475 = arith.constant 0 : i32
        %dma_wait3A_476 = arith.constant 0 : i32
        %dma_wait3A_477 = tpu.memref_slice %arg7[%rem3A_61, %dma_wait3A_475, %dma_wait3A_476] : memref<2x8x128xi32, #tpu.memory_space<vmem>> -> memref<1x8x128xi32, #tpu.memory_space<vmem>>
        %dma_wait3A_478 = tpu.memref_squeeze %dma_wait3A_477 : memref<1x8x128xi32, #tpu.memory_space<vmem>> -> memref<8x128xi32, #tpu.memory_space<vmem>>
        %dma_wait3A_479 = arith.constant 0 : i32
        %dma_wait3A_480 = tpu.memref_slice %arg4[%add3A_456, %dma_wait3A_479] : memref<50176x128xi32, #tpu.memory_space<hbm>> -> memref<8x128xi32, #tpu.memory_space<hbm>>
        tpu.wait_dma2 semaphore(%arg11 : memref<!tpu.dma_semaphore, #tpu.memory_space<semaphore_mem>>) src(%dma_wait3A_480 : memref<8x128xi32, #tpu.memory_space<hbm>>) dst(%dma_wait3A_478 : memref<8x128xi32, #tpu.memory_space<vmem>>)
      } else {
      }
      %add3A_64 = arith.constant 1 : i32
      %add3A_65 = arith.addi %scan3A_59, %add3A_64 : i32
      %lt3A = arith.constant 196 : i32
      %lt3A_66 = arith.cmpi slt, %add3A_65, %lt3A : i32
      %convert_element_type3A_67 = arith.extui %lt3A_66 : i1 to i32
      %cond3A_68 = arith.constant 0 : i32
      %cond3A_69 = arith.cmpi ne, %convert_element_type3A_67, %cond3A_68 : i32
      scf.if %cond3A_69 {
        %gt3A_454 = arith.constant 0 : i32
        %gt3A_455 = arith.cmpi sgt, %scan3A_59, %gt3A_454 : i32
        %convert_element_type3A_456 = arith.extui %gt3A_455 : i1 to i32
        %cond3A_457 = arith.constant 0 : i32
        %cond3A_458 = arith.cmpi ne, %convert_element_type3A_456, %cond3A_457 : i32
        scf.if %cond3A_458 {
          %add3A_459 = arith.constant 1 : i32
          %add3A_460 = arith.addi %scan3A_59, %add3A_459 : i32
          %sub3A = arith.constant 1 : i32
          %sub3A_461 = arith.subi %sub3A, %rem3A_61 : i32
          %mul3A_462 = arith.constant 8 : i32
          %mul3A_463 = arith.muli %add3A_460, %mul3A_462 : i32
          %add3A_464 = arith.addi %mul3A_19, %mul3A_463 : i32
          %dma_start3A_465 = arith.constant 0 : i32
          %dma_start3A_466 = arith.constant 0 : i32
          %dma_start3A_467 = tpu.memref_slice %arg6[%sub3A_461, %dma_start3A_465, %dma_start3A_466] : memref<2x8x128xi32, #tpu.memory_space<vmem>> -> memref<1x8x128xi32, #tpu.memory_space<vmem>>
          %dma_start3A_468 = tpu.memref_squeeze %dma_start3A_467 : memref<1x8x128xi32, #tpu.memory_space<vmem>> -> memref<8x128xi32, #tpu.memory_space<vmem>>
          %dma_start3A_469 = arith.constant 0 : i32
          %dma_start3A_470 = tpu.memref_slice %arg3[%add3A_464, %dma_start3A_469] : memref<50176x128xi32, #tpu.memory_space<hbm>> -> memref<8x128xi32, #tpu.memory_space<hbm>>
          %dma_start3A_471 = arith.constant 0 : i32
          %dma_start3A_472 = arith.constant 0 : i32
          %dma_start3A_473 = tpu.memref_slice %arg6[%sub3A_461, %dma_start3A_471, %dma_start3A_472] : memref<2x8x128xi32, #tpu.memory_space<vmem>> -> memref<1x8x128xi32, #tpu.memory_space<vmem>>
          %dma_start3A_474 = tpu.memref_squeeze %dma_start3A_473 : memref<1x8x128xi32, #tpu.memory_space<vmem>> -> memref<8x128xi32, #tpu.memory_space<vmem>>
          %dma_start3A_475 = arith.constant 0 : i32
          %dma_start3A_476 = tpu.memref_slice %arg3[%add3A_464, %dma_start3A_475] : memref<50176x128xi32, #tpu.memory_space<hbm>> -> memref<8x128xi32, #tpu.memory_space<hbm>>
          tpu.enqueue_dma source(%dma_start3A_476 : memref<8x128xi32, #tpu.memory_space<hbm>>) target(%dma_start3A_474 : memref<8x128xi32, #tpu.memory_space<vmem>>) target_semaphore(%arg11 : memref<!tpu.dma_semaphore, #tpu.memory_space<semaphore_mem>>)
          %dma_start3A_477 = arith.constant 0 : i32
          %dma_start3A_478 = arith.constant 0 : i32
          %dma_start3A_479 = tpu.memref_slice %arg7[%sub3A_461, %dma_start3A_477, %dma_start3A_478] : memref<2x8x128xi32, #tpu.memory_space<vmem>> -> memref<1x8x128xi32, #tpu.memory_space<vmem>>
          %dma_start3A_480 = tpu.memref_squeeze %dma_start3A_479 : memref<1x8x128xi32, #tpu.memory_space<vmem>> -> memref<8x128xi32, #tpu.memory_space<vmem>>
          %dma_start3A_481 = arith.constant 0 : i32
          %dma_start3A_482 = tpu.memref_slice %arg4[%add3A_464, %dma_start3A_481] : memref<50176x128xi32, #tpu.memory_space<hbm>> -> memref<8x128xi32, #tpu.memory_space<hbm>>
          %dma_start3A_483 = arith.constant 0 : i32
          %dma_start3A_484 = arith.constant 0 : i32
          %dma_start3A_485 = tpu.memref_slice %arg7[%sub3A_461, %dma_start3A_483, %dma_start3A_484] : memref<2x8x128xi32, #tpu.memory_space<vmem>> -> memref<1x8x128xi32, #tpu.memory_space<vmem>>
          %dma_start3A_486 = tpu.memref_squeeze %dma_start3A_485 : memref<1x8x128xi32, #tpu.memory_space<vmem>> -> memref<8x128xi32, #tpu.memory_space<vmem>>
          %dma_start3A_487 = arith.constant 0 : i32
          %dma_start3A_488 = tpu.memref_slice %arg4[%add3A_464, %dma_start3A_487] : memref<50176x128xi32, #tpu.memory_space<hbm>> -> memref<8x128xi32, #tpu.memory_space<hbm>>
          tpu.enqueue_dma source(%dma_start3A_488 : memref<8x128xi32, #tpu.memory_space<hbm>>) target(%dma_start3A_486 : memref<8x128xi32, #tpu.memory_space<vmem>>) target_semaphore(%arg11 : memref<!tpu.dma_semaphore, #tpu.memory_space<semaphore_mem>>)
        } else {
        }
      } else {
      }
      %dma_start3A_70 = arith.constant 0 : i32
      %dma_start3A_71 = arith.constant 0 : i32
      %dma_start3A_72 = arith.constant 0 : i32
      %dma_start3A_73 = arith.constant 0 : i32
      %dma_start3A_74 = tpu.memref_slice %arg8[%dma_start3A_71, %dma_start3A_72, %dma_start3A_73] : memref<8x128x16xf32, #tpu.memory_space<vmem>> -> memref<1x128x16xf32, #tpu.memory_space<vmem>>
      %dma_start3A_75 = tpu.memref_squeeze %dma_start3A_74 : memref<1x128x16xf32, #tpu.memory_space<vmem>> -> memref<128x16xf32, #tpu.memory_space<vmem>>
      %dma_start3A_76 = arith.constant 0 : i32
      %dma_start3A_77 = tpu.memref_slice %arg6[%rem3A_61, %dma_start3A_70, %dma_start3A_76] : memref<2x8x128xi32, #tpu.memory_space<vmem>> -> memref<1x1x128xi32, #tpu.memory_space<vmem>>
      %dma_start3A_78 = tpu.memref_squeeze %dma_start3A_77 : memref<1x1x128xi32, #tpu.memory_space<vmem>> -> memref<128xi32, #tpu.memory_space<vmem>>
      %dma_start3A_79 = arith.constant 0 : i32
      %dma_start3A_80 = arith.constant 0 : i32
      %dma_start3A_81 = tpu.memref_slice %arg2[%dma_start3A_79, %dma_start3A_80] : memref<100352x16xf32, #tpu.memory_space<hbm>> -> memref<100352x16xf32, #tpu.memory_space<hbm>>
      tpu.enqueue_indirect_dma source(%dma_start3A_81 : memref<100352x16xf32, #tpu.memory_space<hbm>>) target(%dma_start3A_75 : memref<128x16xf32, #tpu.memory_space<vmem>>) offsets(%dma_start3A_78 : memref<128xi32, #tpu.memory_space<vmem>>) semaphore(%arg12 : memref<!tpu.dma_semaphore, #tpu.memory_space<semaphore_mem>>)
      %dma_start3A_82 = arith.constant 1 : i32
      %dma_start3A_83 = arith.constant 1 : i32
      %dma_start3A_84 = arith.constant 0 : i32
      %dma_start3A_85 = arith.constant 0 : i32
      %dma_start3A_86 = tpu.memref_slice %arg8[%dma_start3A_83, %dma_start3A_84, %dma_start3A_85] : memref<8x128x16xf32, #tpu.memory_space<vmem>> -> memref<1x128x16xf32, #tpu.memory_space<vmem>>
      %dma_start3A_87 = tpu.memref_squeeze %dma_start3A_86 : memref<1x128x16xf32, #tpu.memory_space<vmem>> -> memref<128x16xf32, #tpu.memory_space<vmem>>
      %dma_start3A_88 = arith.constant 0 : i32
      %dma_start3A_89 = tpu.memref_slice %arg6[%rem3A_61, %dma_start3A_82, %dma_start3A_88] : memref<2x8x128xi32, #tpu.memory_space<vmem>> -> memref<1x1x128xi32, #tpu.memory_space<vmem>>
      %dma_start3A_90 = tpu.memref_squeeze %dma_start3A_89 : memref<1x1x128xi32, #tpu.memory_space<vmem>> -> memref<128xi32, #tpu.memory_space<vmem>>
      %dma_start3A_91 = arith.constant 0 : i32
      %dma_start3A_92 = arith.constant 0 : i32
      %dma_start3A_93 = tpu.memref_slice %arg2[%dma_start3A_91, %dma_start3A_92] : memref<100352x16xf32, #tpu.memory_space<hbm>> -> memref<100352x16xf32, #tpu.memory_space<hbm>>
      tpu.enqueue_indirect_dma source(%dma_start3A_93 : memref<100352x16xf32, #tpu.memory_space<hbm>>) target(%dma_start3A_87 : memref<128x16xf32, #tpu.memory_space<vmem>>) offsets(%dma_start3A_90 : memref<128xi32, #tpu.memory_space<vmem>>) semaphore(%arg12 : memref<!tpu.dma_semaphore, #tpu.memory_space<semaphore_mem>>)
      %dma_start3A_94 = arith.constant 2 : i32
      %dma_start3A_95 = arith.constant 2 : i32
      %dma_start3A_96 = arith.constant 0 : i32
      %dma_start3A_97 = arith.constant 0 : i32
      %dma_start3A_98 = tpu.memref_slice %arg8[%dma_start3A_95, %dma_start3A_96, %dma_start3A_97] : memref<8x128x16xf32, #tpu.memory_space<vmem>> -> memref<1x128x16xf32, #tpu.memory_space<vmem>>
      %dma_start3A_99 = tpu.memref_squeeze %dma_start3A_98 : memref<1x128x16xf32, #tpu.memory_space<vmem>> -> memref<128x16xf32, #tpu.memory_space<vmem>>
      %dma_start3A_100 = arith.constant 0 : i32
      %dma_start3A_101 = tpu.memref_slice %arg6[%rem3A_61, %dma_start3A_94, %dma_start3A_100] : memref<2x8x128xi32, #tpu.memory_space<vmem>> -> memref<1x1x128xi32, #tpu.memory_space<vmem>>
      %dma_start3A_102 = tpu.memref_squeeze %dma_start3A_101 : memref<1x1x128xi32, #tpu.memory_space<vmem>> -> memref<128xi32, #tpu.memory_space<vmem>>
      %dma_start3A_103 = arith.constant 0 : i32
      %dma_start3A_104 = arith.constant 0 : i32
      %dma_start3A_105 = tpu.memref_slice %arg2[%dma_start3A_103, %dma_start3A_104] : memref<100352x16xf32, #tpu.memory_space<hbm>> -> memref<100352x16xf32, #tpu.memory_space<hbm>>
      tpu.enqueue_indirect_dma source(%dma_start3A_105 : memref<100352x16xf32, #tpu.memory_space<hbm>>) target(%dma_start3A_99 : memref<128x16xf32, #tpu.memory_space<vmem>>) offsets(%dma_start3A_102 : memref<128xi32, #tpu.memory_space<vmem>>) semaphore(%arg12 : memref<!tpu.dma_semaphore, #tpu.memory_space<semaphore_mem>>)
      %dma_start3A_106 = arith.constant 3 : i32
      %dma_start3A_107 = arith.constant 3 : i32
      %dma_start3A_108 = arith.constant 0 : i32
      %dma_start3A_109 = arith.constant 0 : i32
      %dma_start3A_110 = tpu.memref_slice %arg8[%dma_start3A_107, %dma_start3A_108, %dma_start3A_109] : memref<8x128x16xf32, #tpu.memory_space<vmem>> -> memref<1x128x16xf32, #tpu.memory_space<vmem>>
      %dma_start3A_111 = tpu.memref_squeeze %dma_start3A_110 : memref<1x128x16xf32, #tpu.memory_space<vmem>> -> memref<128x16xf32, #tpu.memory_space<vmem>>
      %dma_start3A_112 = arith.constant 0 : i32
      %dma_start3A_113 = tpu.memref_slice %arg6[%rem3A_61, %dma_start3A_106, %dma_start3A_112] : memref<2x8x128xi32, #tpu.memory_space<vmem>> -> memref<1x1x128xi32, #tpu.memory_space<vmem>>
      %dma_start3A_114 = tpu.memref_squeeze %dma_start3A_113 : memref<1x1x128xi32, #tpu.memory_space<vmem>> -> memref<128xi32, #tpu.memory_space<vmem>>
      %dma_start3A_115 = arith.constant 0 : i32
      %dma_start3A_116 = arith.constant 0 : i32
      %dma_start3A_117 = tpu.memref_slice %arg2[%dma_start3A_115, %dma_start3A_116] : memref<100352x16xf32, #tpu.memory_space<hbm>> -> memref<100352x16xf32, #tpu.memory_space<hbm>>
      tpu.enqueue_indirect_dma source(%dma_start3A_117 : memref<100352x16xf32, #tpu.memory_space<hbm>>) target(%dma_start3A_111 : memref<128x16xf32, #tpu.memory_space<vmem>>) offsets(%dma_start3A_114 : memref<128xi32, #tpu.memory_space<vmem>>) semaphore(%arg12 : memref<!tpu.dma_semaphore, #tpu.memory_space<semaphore_mem>>)
      %dma_start3A_118 = arith.constant 4 : i32
      %dma_start3A_119 = arith.constant 4 : i32
      %dma_start3A_120 = arith.constant 0 : i32
      %dma_start3A_121 = arith.constant 0 : i32
      %dma_start3A_122 = tpu.memref_slice %arg8[%dma_start3A_119, %dma_start3A_120, %dma_start3A_121] : memref<8x128x16xf32, #tpu.memory_space<vmem>> -> memref<1x128x16xf32, #tpu.memory_space<vmem>>
      %dma_start3A_123 = tpu.memref_squeeze %dma_start3A_122 : memref<1x128x16xf32, #tpu.memory_space<vmem>> -> memref<128x16xf32, #tpu.memory_space<vmem>>
      %dma_start3A_124 = arith.constant 0 : i32
      %dma_start3A_125 = tpu.memref_slice %arg6[%rem3A_61, %dma_start3A_118, %dma_start3A_124] : memref<2x8x128xi32, #tpu.memory_space<vmem>> -> memref<1x1x128xi32, #tpu.memory_space<vmem>>
      %dma_start3A_126 = tpu.memref_squeeze %dma_start3A_125 : memref<1x1x128xi32, #tpu.memory_space<vmem>> -> memref<128xi32, #tpu.memory_space<vmem>>
      %dma_start3A_127 = arith.constant 0 : i32
      %dma_start3A_128 = arith.constant 0 : i32
      %dma_start3A_129 = tpu.memref_slice %arg2[%dma_start3A_127, %dma_start3A_128] : memref<100352x16xf32, #tpu.memory_space<hbm>> -> memref<100352x16xf32, #tpu.memory_space<hbm>>
      tpu.enqueue_indirect_dma source(%dma_start3A_129 : memref<100352x16xf32, #tpu.memory_space<hbm>>) target(%dma_start3A_123 : memref<128x16xf32, #tpu.memory_space<vmem>>) offsets(%dma_start3A_126 : memref<128xi32, #tpu.memory_space<vmem>>) semaphore(%arg12 : memref<!tpu.dma_semaphore, #tpu.memory_space<semaphore_mem>>)
      %dma_start3A_130 = arith.constant 5 : i32
      %dma_start3A_131 = arith.constant 5 : i32
      %dma_start3A_132 = arith.constant 0 : i32
      %dma_start3A_133 = arith.constant 0 : i32
      %dma_start3A_134 = tpu.memref_slice %arg8[%dma_start3A_131, %dma_start3A_132, %dma_start3A_133] : memref<8x128x16xf32, #tpu.memory_space<vmem>> -> memref<1x128x16xf32, #tpu.memory_space<vmem>>
      %dma_start3A_135 = tpu.memref_squeeze %dma_start3A_134 : memref<1x128x16xf32, #tpu.memory_space<vmem>> -> memref<128x16xf32, #tpu.memory_space<vmem>>
      %dma_start3A_136 = arith.constant 0 : i32
      %dma_start3A_137 = tpu.memref_slice %arg6[%rem3A_61, %dma_start3A_130, %dma_start3A_136] : memref<2x8x128xi32, #tpu.memory_space<vmem>> -> memref<1x1x128xi32, #tpu.memory_space<vmem>>
      %dma_start3A_138 = tpu.memref_squeeze %dma_start3A_137 : memref<1x1x128xi32, #tpu.memory_space<vmem>> -> memref<128xi32, #tpu.memory_space<vmem>>
      %dma_start3A_139 = arith.constant 0 : i32
      %dma_start3A_140 = arith.constant 0 : i32
      %dma_start3A_141 = tpu.memref_slice %arg2[%dma_start3A_139, %dma_start3A_140] : memref<100352x16xf32, #tpu.memory_space<hbm>> -> memref<100352x16xf32, #tpu.memory_space<hbm>>
      tpu.enqueue_indirect_dma source(%dma_start3A_141 : memref<100352x16xf32, #tpu.memory_space<hbm>>) target(%dma_start3A_135 : memref<128x16xf32, #tpu.memory_space<vmem>>) offsets(%dma_start3A_138 : memref<128xi32, #tpu.memory_space<vmem>>) semaphore(%arg12 : memref<!tpu.dma_semaphore, #tpu.memory_space<semaphore_mem>>)
      %dma_start3A_142 = arith.constant 6 : i32
      %dma_start3A_143 = arith.constant 6 : i32
      %dma_start3A_144 = arith.constant 0 : i32
      %dma_start3A_145 = arith.constant 0 : i32
      %dma_start3A_146 = tpu.memref_slice %arg8[%dma_start3A_143, %dma_start3A_144, %dma_start3A_145] : memref<8x128x16xf32, #tpu.memory_space<vmem>> -> memref<1x128x16xf32, #tpu.memory_space<vmem>>
      %dma_start3A_147 = tpu.memref_squeeze %dma_start3A_146 : memref<1x128x16xf32, #tpu.memory_space<vmem>> -> memref<128x16xf32, #tpu.memory_space<vmem>>
      %dma_start3A_148 = arith.constant 0 : i32
      %dma_start3A_149 = tpu.memref_slice %arg6[%rem3A_61, %dma_start3A_142, %dma_start3A_148] : memref<2x8x128xi32, #tpu.memory_space<vmem>> -> memref<1x1x128xi32, #tpu.memory_space<vmem>>
      %dma_start3A_150 = tpu.memref_squeeze %dma_start3A_149 : memref<1x1x128xi32, #tpu.memory_space<vmem>> -> memref<128xi32, #tpu.memory_space<vmem>>
      %dma_start3A_151 = arith.constant 0 : i32
      %dma_start3A_152 = arith.constant 0 : i32
      %dma_start3A_153 = tpu.memref_slice %arg2[%dma_start3A_151, %dma_start3A_152] : memref<100352x16xf32, #tpu.memory_space<hbm>> -> memref<100352x16xf32, #tpu.memory_space<hbm>>
      tpu.enqueue_indirect_dma source(%dma_start3A_153 : memref<100352x16xf32, #tpu.memory_space<hbm>>) target(%dma_start3A_147 : memref<128x16xf32, #tpu.memory_space<vmem>>) offsets(%dma_start3A_150 : memref<128xi32, #tpu.memory_space<vmem>>) semaphore(%arg12 : memref<!tpu.dma_semaphore, #tpu.memory_space<semaphore_mem>>)
      %dma_start3A_154 = arith.constant 7 : i32
      %dma_start3A_155 = arith.constant 7 : i32
      %dma_start3A_156 = arith.constant 0 : i32
      %dma_start3A_157 = arith.constant 0 : i32
      %dma_start3A_158 = tpu.memref_slice %arg8[%dma_start3A_155, %dma_start3A_156, %dma_start3A_157] : memref<8x128x16xf32, #tpu.memory_space<vmem>> -> memref<1x128x16xf32, #tpu.memory_space<vmem>>
      %dma_start3A_159 = tpu.memref_squeeze %dma_start3A_158 : memref<1x128x16xf32, #tpu.memory_space<vmem>> -> memref<128x16xf32, #tpu.memory_space<vmem>>
      %dma_start3A_160 = arith.constant 0 : i32
      %dma_start3A_161 = tpu.memref_slice %arg6[%rem3A_61, %dma_start3A_154, %dma_start3A_160] : memref<2x8x128xi32, #tpu.memory_space<vmem>> -> memref<1x1x128xi32, #tpu.memory_space<vmem>>
      %dma_start3A_162 = tpu.memref_squeeze %dma_start3A_161 : memref<1x1x128xi32, #tpu.memory_space<vmem>> -> memref<128xi32, #tpu.memory_space<vmem>>
      %dma_start3A_163 = arith.constant 0 : i32
      %dma_start3A_164 = arith.constant 0 : i32
      %dma_start3A_165 = tpu.memref_slice %arg2[%dma_start3A_163, %dma_start3A_164] : memref<100352x16xf32, #tpu.memory_space<hbm>> -> memref<100352x16xf32, #tpu.memory_space<hbm>>
      tpu.enqueue_indirect_dma source(%dma_start3A_165 : memref<100352x16xf32, #tpu.memory_space<hbm>>) target(%dma_start3A_159 : memref<128x16xf32, #tpu.memory_space<vmem>>) offsets(%dma_start3A_162 : memref<128xi32, #tpu.memory_space<vmem>>) semaphore(%arg12 : memref<!tpu.dma_semaphore, #tpu.memory_space<semaphore_mem>>)
      %dma_wait3A = arith.constant 0 : i32
      %dma_wait3A_166 = arith.constant 0 : i32
      %dma_wait3A_167 = arith.constant 0 : i32
      %dma_wait3A_168 = arith.constant 0 : i32
      %dma_wait3A_169 = tpu.memref_slice %arg8[%dma_wait3A_166, %dma_wait3A_167, %dma_wait3A_168] : memref<8x128x16xf32, #tpu.memory_space<vmem>> -> memref<1x128x16xf32, #tpu.memory_space<vmem>>
      %dma_wait3A_170 = tpu.memref_squeeze %dma_wait3A_169 : memref<1x128x16xf32, #tpu.memory_space<vmem>> -> memref<128x16xf32, #tpu.memory_space<vmem>>
      %dma_wait3A_171 = arith.constant 0 : i32
      %dma_wait3A_172 = tpu.memref_slice %arg6[%rem3A_61, %dma_wait3A, %dma_wait3A_171] : memref<2x8x128xi32, #tpu.memory_space<vmem>> -> memref<1x1x128xi32, #tpu.memory_space<vmem>>
      %dma_wait3A_173 = tpu.memref_squeeze %dma_wait3A_172 : memref<1x1x128xi32, #tpu.memory_space<vmem>> -> memref<128xi32, #tpu.memory_space<vmem>>
      %dma_wait3A_174 = arith.constant 0 : i32
      %dma_wait3A_175 = arith.constant 0 : i32
      %dma_wait3A_176 = tpu.memref_slice %arg2[%dma_wait3A_174, %dma_wait3A_175] : memref<100352x16xf32, #tpu.memory_space<hbm>> -> memref<100352x16xf32, #tpu.memory_space<hbm>>
      tpu.wait_indirect_dma semaphore(%arg12 : memref<!tpu.dma_semaphore, #tpu.memory_space<semaphore_mem>>) src(%dma_wait3A_176 : memref<100352x16xf32, #tpu.memory_space<hbm>>) dst(%dma_wait3A_170 : memref<128x16xf32, #tpu.memory_space<vmem>>)
      %dma_start3A_177 = arith.constant 0 : i32
      %dma_start3A_178 = arith.constant 0 : i32
      %dma_start3A_179 = arith.constant 0 : i32
      %dma_start3A_180 = arith.constant 0 : i32
      %dma_start3A_181 = tpu.memref_slice %arg8[%dma_start3A_177, %dma_start3A_179, %dma_start3A_180] : memref<8x128x16xf32, #tpu.memory_space<vmem>> -> memref<1x128x16xf32, #tpu.memory_space<vmem>>
      %dma_start3A_182 = tpu.memref_squeeze %dma_start3A_181 : memref<1x128x16xf32, #tpu.memory_space<vmem>> -> memref<128x16xf32, #tpu.memory_space<vmem>>
      %dma_start3A_183 = arith.constant 0 : i32
      %dma_start3A_184 = tpu.memref_slice %arg7[%rem3A_61, %dma_start3A_178, %dma_start3A_183] : memref<2x8x128xi32, #tpu.memory_space<vmem>> -> memref<1x1x128xi32, #tpu.memory_space<vmem>>
      %dma_start3A_185 = tpu.memref_squeeze %dma_start3A_184 : memref<1x1x128xi32, #tpu.memory_space<vmem>> -> memref<128xi32, #tpu.memory_space<vmem>>
      %dma_start3A_186 = arith.constant 0 : i32
      %dma_start3A_187 = arith.constant 0 : i32
      %dma_start3A_188 = tpu.memref_slice %arg10[%dma_start3A_186, %dma_start3A_187] : memref<100352x16xf32, #tpu.memory_space<vmem_shared>> -> memref<100352x16xf32, #tpu.memory_space<vmem_shared>>
      tpu.enqueue_indirect_dma source(%dma_start3A_182 : memref<128x16xf32, #tpu.memory_space<vmem>>) target(%dma_start3A_188 : memref<100352x16xf32, #tpu.memory_space<vmem_shared>>) offsets(%dma_start3A_185 : memref<128xi32, #tpu.memory_space<vmem>>) semaphore(%arg13 : memref<!tpu.dma_semaphore, #tpu.memory_space<semaphore_mem>>) {add = true}
      %dma_wait3A_189 = arith.constant 1 : i32
      %dma_wait3A_190 = arith.constant 1 : i32
      %dma_wait3A_191 = arith.constant 0 : i32
      %dma_wait3A_192 = arith.constant 0 : i32
      %dma_wait3A_193 = tpu.memref_slice %arg8[%dma_wait3A_190, %dma_wait3A_191, %dma_wait3A_192] : memref<8x128x16xf32, #tpu.memory_space<vmem>> -> memref<1x128x16xf32, #tpu.memory_space<vmem>>
      %dma_wait3A_194 = tpu.memref_squeeze %dma_wait3A_193 : memref<1x128x16xf32, #tpu.memory_space<vmem>> -> memref<128x16xf32, #tpu.memory_space<vmem>>
      %dma_wait3A_195 = arith.constant 0 : i32
      %dma_wait3A_196 = tpu.memref_slice %arg6[%rem3A_61, %dma_wait3A_189, %dma_wait3A_195] : memref<2x8x128xi32, #tpu.memory_space<vmem>> -> memref<1x1x128xi32, #tpu.memory_space<vmem>>
      %dma_wait3A_197 = tpu.memref_squeeze %dma_wait3A_196 : memref<1x1x128xi32, #tpu.memory_space<vmem>> -> memref<128xi32, #tpu.memory_space<vmem>>
      %dma_wait3A_198 = arith.constant 0 : i32
      %dma_wait3A_199 = arith.constant 0 : i32
      %dma_wait3A_200 = tpu.memref_slice %arg2[%dma_wait3A_198, %dma_wait3A_199] : memref<100352x16xf32, #tpu.memory_space<hbm>> -> memref<100352x16xf32, #tpu.memory_space<hbm>>
      tpu.wait_indirect_dma semaphore(%arg12 : memref<!tpu.dma_semaphore, #tpu.memory_space<semaphore_mem>>) src(%dma_wait3A_200 : memref<100352x16xf32, #tpu.memory_space<hbm>>) dst(%dma_wait3A_194 : memref<128x16xf32, #tpu.memory_space<vmem>>)
      %dma_start3A_201 = arith.constant 1 : i32
      %dma_start3A_202 = arith.constant 1 : i32
      %dma_start3A_203 = arith.constant 0 : i32
      %dma_start3A_204 = arith.constant 0 : i32
      %dma_start3A_205 = tpu.memref_slice %arg8[%dma_start3A_201, %dma_start3A_203, %dma_start3A_204] : memref<8x128x16xf32, #tpu.memory_space<vmem>> -> memref<1x128x16xf32, #tpu.memory_space<vmem>>
      %dma_start3A_206 = tpu.memref_squeeze %dma_start3A_205 : memref<1x128x16xf32, #tpu.memory_space<vmem>> -> memref<128x16xf32, #tpu.memory_space<vmem>>
      %dma_start3A_207 = arith.constant 0 : i32
      %dma_start3A_208 = tpu.memref_slice %arg7[%rem3A_61, %dma_start3A_202, %dma_start3A_207] : memref<2x8x128xi32, #tpu.memory_space<vmem>> -> memref<1x1x128xi32, #tpu.memory_space<vmem>>
      %dma_start3A_209 = tpu.memref_squeeze %dma_start3A_208 : memref<1x1x128xi32, #tpu.memory_space<vmem>> -> memref<128xi32, #tpu.memory_space<vmem>>
      %dma_start3A_210 = arith.constant 0 : i32
      %dma_start3A_211 = arith.constant 0 : i32
      %dma_start3A_212 = tpu.memref_slice %arg10[%dma_start3A_210, %dma_start3A_211] : memref<100352x16xf32, #tpu.memory_space<vmem_shared>> -> memref<100352x16xf32, #tpu.memory_space<vmem_shared>>
      tpu.enqueue_indirect_dma source(%dma_start3A_206 : memref<128x16xf32, #tpu.memory_space<vmem>>) target(%dma_start3A_212 : memref<100352x16xf32, #tpu.memory_space<vmem_shared>>) offsets(%dma_start3A_209 : memref<128xi32, #tpu.memory_space<vmem>>) semaphore(%arg13 : memref<!tpu.dma_semaphore, #tpu.memory_space<semaphore_mem>>) {add = true}
      %dma_wait3A_213 = arith.constant 2 : i32
      %dma_wait3A_214 = arith.constant 2 : i32
      %dma_wait3A_215 = arith.constant 0 : i32
      %dma_wait3A_216 = arith.constant 0 : i32
      %dma_wait3A_217 = tpu.memref_slice %arg8[%dma_wait3A_214, %dma_wait3A_215, %dma_wait3A_216] : memref<8x128x16xf32, #tpu.memory_space<vmem>> -> memref<1x128x16xf32, #tpu.memory_space<vmem>>
      %dma_wait3A_218 = tpu.memref_squeeze %dma_wait3A_217 : memref<1x128x16xf32, #tpu.memory_space<vmem>> -> memref<128x16xf32, #tpu.memory_space<vmem>>
      %dma_wait3A_219 = arith.constant 0 : i32
      %dma_wait3A_220 = tpu.memref_slice %arg6[%rem3A_61, %dma_wait3A_213, %dma_wait3A_219] : memref<2x8x128xi32, #tpu.memory_space<vmem>> -> memref<1x1x128xi32, #tpu.memory_space<vmem>>
      %dma_wait3A_221 = tpu.memref_squeeze %dma_wait3A_220 : memref<1x1x128xi32, #tpu.memory_space<vmem>> -> memref<128xi32, #tpu.memory_space<vmem>>
      %dma_wait3A_222 = arith.constant 0 : i32
      %dma_wait3A_223 = arith.constant 0 : i32
      %dma_wait3A_224 = tpu.memref_slice %arg2[%dma_wait3A_222, %dma_wait3A_223] : memref<100352x16xf32, #tpu.memory_space<hbm>> -> memref<100352x16xf32, #tpu.memory_space<hbm>>
      tpu.wait_indirect_dma semaphore(%arg12 : memref<!tpu.dma_semaphore, #tpu.memory_space<semaphore_mem>>) src(%dma_wait3A_224 : memref<100352x16xf32, #tpu.memory_space<hbm>>) dst(%dma_wait3A_218 : memref<128x16xf32, #tpu.memory_space<vmem>>)
      %dma_start3A_225 = arith.constant 2 : i32
      %dma_start3A_226 = arith.constant 2 : i32
      %dma_start3A_227 = arith.constant 0 : i32
      %dma_start3A_228 = arith.constant 0 : i32
      %dma_start3A_229 = tpu.memref_slice %arg8[%dma_start3A_225, %dma_start3A_227, %dma_start3A_228] : memref<8x128x16xf32, #tpu.memory_space<vmem>> -> memref<1x128x16xf32, #tpu.memory_space<vmem>>
      %dma_start3A_230 = tpu.memref_squeeze %dma_start3A_229 : memref<1x128x16xf32, #tpu.memory_space<vmem>> -> memref<128x16xf32, #tpu.memory_space<vmem>>
      %dma_start3A_231 = arith.constant 0 : i32
      %dma_start3A_232 = tpu.memref_slice %arg7[%rem3A_61, %dma_start3A_226, %dma_start3A_231] : memref<2x8x128xi32, #tpu.memory_space<vmem>> -> memref<1x1x128xi32, #tpu.memory_space<vmem>>
      %dma_start3A_233 = tpu.memref_squeeze %dma_start3A_232 : memref<1x1x128xi32, #tpu.memory_space<vmem>> -> memref<128xi32, #tpu.memory_space<vmem>>
      %dma_start3A_234 = arith.constant 0 : i32
      %dma_start3A_235 = arith.constant 0 : i32
      %dma_start3A_236 = tpu.memref_slice %arg10[%dma_start3A_234, %dma_start3A_235] : memref<100352x16xf32, #tpu.memory_space<vmem_shared>> -> memref<100352x16xf32, #tpu.memory_space<vmem_shared>>
      tpu.enqueue_indirect_dma source(%dma_start3A_230 : memref<128x16xf32, #tpu.memory_space<vmem>>) target(%dma_start3A_236 : memref<100352x16xf32, #tpu.memory_space<vmem_shared>>) offsets(%dma_start3A_233 : memref<128xi32, #tpu.memory_space<vmem>>) semaphore(%arg13 : memref<!tpu.dma_semaphore, #tpu.memory_space<semaphore_mem>>) {add = true}
      %dma_wait3A_237 = arith.constant 3 : i32
      %dma_wait3A_238 = arith.constant 3 : i32
      %dma_wait3A_239 = arith.constant 0 : i32
      %dma_wait3A_240 = arith.constant 0 : i32
      %dma_wait3A_241 = tpu.memref_slice %arg8[%dma_wait3A_238, %dma_wait3A_239, %dma_wait3A_240] : memref<8x128x16xf32, #tpu.memory_space<vmem>> -> memref<1x128x16xf32, #tpu.memory_space<vmem>>
      %dma_wait3A_242 = tpu.memref_squeeze %dma_wait3A_241 : memref<1x128x16xf32, #tpu.memory_space<vmem>> -> memref<128x16xf32, #tpu.memory_space<vmem>>
      %dma_wait3A_243 = arith.constant 0 : i32
      %dma_wait3A_244 = tpu.memref_slice %arg6[%rem3A_61, %dma_wait3A_237, %dma_wait3A_243] : memref<2x8x128xi32, #tpu.memory_space<vmem>> -> memref<1x1x128xi32, #tpu.memory_space<vmem>>
      %dma_wait3A_245 = tpu.memref_squeeze %dma_wait3A_244 : memref<1x1x128xi32, #tpu.memory_space<vmem>> -> memref<128xi32, #tpu.memory_space<vmem>>
      %dma_wait3A_246 = arith.constant 0 : i32
      %dma_wait3A_247 = arith.constant 0 : i32
      %dma_wait3A_248 = tpu.memref_slice %arg2[%dma_wait3A_246, %dma_wait3A_247] : memref<100352x16xf32, #tpu.memory_space<hbm>> -> memref<100352x16xf32, #tpu.memory_space<hbm>>
      tpu.wait_indirect_dma semaphore(%arg12 : memref<!tpu.dma_semaphore, #tpu.memory_space<semaphore_mem>>) src(%dma_wait3A_248 : memref<100352x16xf32, #tpu.memory_space<hbm>>) dst(%dma_wait3A_242 : memref<128x16xf32, #tpu.memory_space<vmem>>)
      %dma_start3A_249 = arith.constant 3 : i32
      %dma_start3A_250 = arith.constant 3 : i32
      %dma_start3A_251 = arith.constant 0 : i32
      %dma_start3A_252 = arith.constant 0 : i32
      %dma_start3A_253 = tpu.memref_slice %arg8[%dma_start3A_249, %dma_start3A_251, %dma_start3A_252] : memref<8x128x16xf32, #tpu.memory_space<vmem>> -> memref<1x128x16xf32, #tpu.memory_space<vmem>>
      %dma_start3A_254 = tpu.memref_squeeze %dma_start3A_253 : memref<1x128x16xf32, #tpu.memory_space<vmem>> -> memref<128x16xf32, #tpu.memory_space<vmem>>
      %dma_start3A_255 = arith.constant 0 : i32
      %dma_start3A_256 = tpu.memref_slice %arg7[%rem3A_61, %dma_start3A_250, %dma_start3A_255] : memref<2x8x128xi32, #tpu.memory_space<vmem>> -> memref<1x1x128xi32, #tpu.memory_space<vmem>>
      %dma_start3A_257 = tpu.memref_squeeze %dma_start3A_256 : memref<1x1x128xi32, #tpu.memory_space<vmem>> -> memref<128xi32, #tpu.memory_space<vmem>>
      %dma_start3A_258 = arith.constant 0 : i32
      %dma_start3A_259 = arith.constant 0 : i32
      %dma_start3A_260 = tpu.memref_slice %arg10[%dma_start3A_258, %dma_start3A_259] : memref<100352x16xf32, #tpu.memory_space<vmem_shared>> -> memref<100352x16xf32, #tpu.memory_space<vmem_shared>>
      tpu.enqueue_indirect_dma source(%dma_start3A_254 : memref<128x16xf32, #tpu.memory_space<vmem>>) target(%dma_start3A_260 : memref<100352x16xf32, #tpu.memory_space<vmem_shared>>) offsets(%dma_start3A_257 : memref<128xi32, #tpu.memory_space<vmem>>) semaphore(%arg13 : memref<!tpu.dma_semaphore, #tpu.memory_space<semaphore_mem>>) {add = true}
      %dma_wait3A_261 = arith.constant 4 : i32
      %dma_wait3A_262 = arith.constant 4 : i32
      %dma_wait3A_263 = arith.constant 0 : i32
      %dma_wait3A_264 = arith.constant 0 : i32
      %dma_wait3A_265 = tpu.memref_slice %arg8[%dma_wait3A_262, %dma_wait3A_263, %dma_wait3A_264] : memref<8x128x16xf32, #tpu.memory_space<vmem>> -> memref<1x128x16xf32, #tpu.memory_space<vmem>>
      %dma_wait3A_266 = tpu.memref_squeeze %dma_wait3A_265 : memref<1x128x16xf32, #tpu.memory_space<vmem>> -> memref<128x16xf32, #tpu.memory_space<vmem>>
      %dma_wait3A_267 = arith.constant 0 : i32
      %dma_wait3A_268 = tpu.memref_slice %arg6[%rem3A_61, %dma_wait3A_261, %dma_wait3A_267] : memref<2x8x128xi32, #tpu.memory_space<vmem>> -> memref<1x1x128xi32, #tpu.memory_space<vmem>>
      %dma_wait3A_269 = tpu.memref_squeeze %dma_wait3A_268 : memref<1x1x128xi32, #tpu.memory_space<vmem>> -> memref<128xi32, #tpu.memory_space<vmem>>
      %dma_wait3A_270 = arith.constant 0 : i32
      %dma_wait3A_271 = arith.constant 0 : i32
      %dma_wait3A_272 = tpu.memref_slice %arg2[%dma_wait3A_270, %dma_wait3A_271] : memref<100352x16xf32, #tpu.memory_space<hbm>> -> memref<100352x16xf32, #tpu.memory_space<hbm>>
      tpu.wait_indirect_dma semaphore(%arg12 : memref<!tpu.dma_semaphore, #tpu.memory_space<semaphore_mem>>) src(%dma_wait3A_272 : memref<100352x16xf32, #tpu.memory_space<hbm>>) dst(%dma_wait3A_266 : memref<128x16xf32, #tpu.memory_space<vmem>>)
      %dma_start3A_273 = arith.constant 4 : i32
      %dma_start3A_274 = arith.constant 4 : i32
      %dma_start3A_275 = arith.constant 0 : i32
      %dma_start3A_276 = arith.constant 0 : i32
      %dma_start3A_277 = tpu.memref_slice %arg8[%dma_start3A_273, %dma_start3A_275, %dma_start3A_276] : memref<8x128x16xf32, #tpu.memory_space<vmem>> -> memref<1x128x16xf32, #tpu.memory_space<vmem>>
      %dma_start3A_278 = tpu.memref_squeeze %dma_start3A_277 : memref<1x128x16xf32, #tpu.memory_space<vmem>> -> memref<128x16xf32, #tpu.memory_space<vmem>>
      %dma_start3A_279 = arith.constant 0 : i32
      %dma_start3A_280 = tpu.memref_slice %arg7[%rem3A_61, %dma_start3A_274, %dma_start3A_279] : memref<2x8x128xi32, #tpu.memory_space<vmem>> -> memref<1x1x128xi32, #tpu.memory_space<vmem>>
      %dma_start3A_281 = tpu.memref_squeeze %dma_start3A_280 : memref<1x1x128xi32, #tpu.memory_space<vmem>> -> memref<128xi32, #tpu.memory_space<vmem>>
      %dma_start3A_282 = arith.constant 0 : i32
      %dma_start3A_283 = arith.constant 0 : i32
      %dma_start3A_284 = tpu.memref_slice %arg10[%dma_start3A_282, %dma_start3A_283] : memref<100352x16xf32, #tpu.memory_space<vmem_shared>> -> memref<100352x16xf32, #tpu.memory_space<vmem_shared>>
      tpu.enqueue_indirect_dma source(%dma_start3A_278 : memref<128x16xf32, #tpu.memory_space<vmem>>) target(%dma_start3A_284 : memref<100352x16xf32, #tpu.memory_space<vmem_shared>>) offsets(%dma_start3A_281 : memref<128xi32, #tpu.memory_space<vmem>>) semaphore(%arg13 : memref<!tpu.dma_semaphore, #tpu.memory_space<semaphore_mem>>) {add = true}
      %dma_wait3A_285 = arith.constant 5 : i32
      %dma_wait3A_286 = arith.constant 5 : i32
      %dma_wait3A_287 = arith.constant 0 : i32
      %dma_wait3A_288 = arith.constant 0 : i32
      %dma_wait3A_289 = tpu.memref_slice %arg8[%dma_wait3A_286, %dma_wait3A_287, %dma_wait3A_288] : memref<8x128x16xf32, #tpu.memory_space<vmem>> -> memref<1x128x16xf32, #tpu.memory_space<vmem>>
      %dma_wait3A_290 = tpu.memref_squeeze %dma_wait3A_289 : memref<1x128x16xf32, #tpu.memory_space<vmem>> -> memref<128x16xf32, #tpu.memory_space<vmem>>
      %dma_wait3A_291 = arith.constant 0 : i32
      %dma_wait3A_292 = tpu.memref_slice %arg6[%rem3A_61, %dma_wait3A_285, %dma_wait3A_291] : memref<2x8x128xi32, #tpu.memory_space<vmem>> -> memref<1x1x128xi32, #tpu.memory_space<vmem>>
      %dma_wait3A_293 = tpu.memref_squeeze %dma_wait3A_292 : memref<1x1x128xi32, #tpu.memory_space<vmem>> -> memref<128xi32, #tpu.memory_space<vmem>>
      %dma_wait3A_294 = arith.constant 0 : i32
      %dma_wait3A_295 = arith.constant 0 : i32
      %dma_wait3A_296 = tpu.memref_slice %arg2[%dma_wait3A_294, %dma_wait3A_295] : memref<100352x16xf32, #tpu.memory_space<hbm>> -> memref<100352x16xf32, #tpu.memory_space<hbm>>
      tpu.wait_indirect_dma semaphore(%arg12 : memref<!tpu.dma_semaphore, #tpu.memory_space<semaphore_mem>>) src(%dma_wait3A_296 : memref<100352x16xf32, #tpu.memory_space<hbm>>) dst(%dma_wait3A_290 : memref<128x16xf32, #tpu.memory_space<vmem>>)
      %dma_start3A_297 = arith.constant 5 : i32
      %dma_start3A_298 = arith.constant 5 : i32
      %dma_start3A_299 = arith.constant 0 : i32
      %dma_start3A_300 = arith.constant 0 : i32
      %dma_start3A_301 = tpu.memref_slice %arg8[%dma_start3A_297, %dma_start3A_299, %dma_start3A_300] : memref<8x128x16xf32, #tpu.memory_space<vmem>> -> memref<1x128x16xf32, #tpu.memory_space<vmem>>
      %dma_start3A_302 = tpu.memref_squeeze %dma_start3A_301 : memref<1x128x16xf32, #tpu.memory_space<vmem>> -> memref<128x16xf32, #tpu.memory_space<vmem>>
      %dma_start3A_303 = arith.constant 0 : i32
      %dma_start3A_304 = tpu.memref_slice %arg7[%rem3A_61, %dma_start3A_298, %dma_start3A_303] : memref<2x8x128xi32, #tpu.memory_space<vmem>> -> memref<1x1x128xi32, #tpu.memory_space<vmem>>
      %dma_start3A_305 = tpu.memref_squeeze %dma_start3A_304 : memref<1x1x128xi32, #tpu.memory_space<vmem>> -> memref<128xi32, #tpu.memory_space<vmem>>
      %dma_start3A_306 = arith.constant 0 : i32
      %dma_start3A_307 = arith.constant 0 : i32
      %dma_start3A_308 = tpu.memref_slice %arg10[%dma_start3A_306, %dma_start3A_307] : memref<100352x16xf32, #tpu.memory_space<vmem_shared>> -> memref<100352x16xf32, #tpu.memory_space<vmem_shared>>
      tpu.enqueue_indirect_dma source(%dma_start3A_302 : memref<128x16xf32, #tpu.memory_space<vmem>>) target(%dma_start3A_308 : memref<100352x16xf32, #tpu.memory_space<vmem_shared>>) offsets(%dma_start3A_305 : memref<128xi32, #tpu.memory_space<vmem>>) semaphore(%arg13 : memref<!tpu.dma_semaphore, #tpu.memory_space<semaphore_mem>>) {add = true}
      %dma_wait3A_309 = arith.constant 6 : i32
      %dma_wait3A_310 = arith.constant 6 : i32
      %dma_wait3A_311 = arith.constant 0 : i32
      %dma_wait3A_312 = arith.constant 0 : i32
      %dma_wait3A_313 = tpu.memref_slice %arg8[%dma_wait3A_310, %dma_wait3A_311, %dma_wait3A_312] : memref<8x128x16xf32, #tpu.memory_space<vmem>> -> memref<1x128x16xf32, #tpu.memory_space<vmem>>
      %dma_wait3A_314 = tpu.memref_squeeze %dma_wait3A_313 : memref<1x128x16xf32, #tpu.memory_space<vmem>> -> memref<128x16xf32, #tpu.memory_space<vmem>>
      %dma_wait3A_315 = arith.constant 0 : i32
      %dma_wait3A_316 = tpu.memref_slice %arg6[%rem3A_61, %dma_wait3A_309, %dma_wait3A_315] : memref<2x8x128xi32, #tpu.memory_space<vmem>> -> memref<1x1x128xi32, #tpu.memory_space<vmem>>
      %dma_wait3A_317 = tpu.memref_squeeze %dma_wait3A_316 : memref<1x1x128xi32, #tpu.memory_space<vmem>> -> memref<128xi32, #tpu.memory_space<vmem>>
      %dma_wait3A_318 = arith.constant 0 : i32
      %dma_wait3A_319 = arith.constant 0 : i32
      %dma_wait3A_320 = tpu.memref_slice %arg2[%dma_wait3A_318, %dma_wait3A_319] : memref<100352x16xf32, #tpu.memory_space<hbm>> -> memref<100352x16xf32, #tpu.memory_space<hbm>>
      tpu.wait_indirect_dma semaphore(%arg12 : memref<!tpu.dma_semaphore, #tpu.memory_space<semaphore_mem>>) src(%dma_wait3A_320 : memref<100352x16xf32, #tpu.memory_space<hbm>>) dst(%dma_wait3A_314 : memref<128x16xf32, #tpu.memory_space<vmem>>)
      %dma_start3A_321 = arith.constant 6 : i32
      %dma_start3A_322 = arith.constant 6 : i32
      %dma_start3A_323 = arith.constant 0 : i32
      %dma_start3A_324 = arith.constant 0 : i32
      %dma_start3A_325 = tpu.memref_slice %arg8[%dma_start3A_321, %dma_start3A_323, %dma_start3A_324] : memref<8x128x16xf32, #tpu.memory_space<vmem>> -> memref<1x128x16xf32, #tpu.memory_space<vmem>>
      %dma_start3A_326 = tpu.memref_squeeze %dma_start3A_325 : memref<1x128x16xf32, #tpu.memory_space<vmem>> -> memref<128x16xf32, #tpu.memory_space<vmem>>
      %dma_start3A_327 = arith.constant 0 : i32
      %dma_start3A_328 = tpu.memref_slice %arg7[%rem3A_61, %dma_start3A_322, %dma_start3A_327] : memref<2x8x128xi32, #tpu.memory_space<vmem>> -> memref<1x1x128xi32, #tpu.memory_space<vmem>>
      %dma_start3A_329 = tpu.memref_squeeze %dma_start3A_328 : memref<1x1x128xi32, #tpu.memory_space<vmem>> -> memref<128xi32, #tpu.memory_space<vmem>>
      %dma_start3A_330 = arith.constant 0 : i32
      %dma_start3A_331 = arith.constant 0 : i32
      %dma_start3A_332 = tpu.memref_slice %arg10[%dma_start3A_330, %dma_start3A_331] : memref<100352x16xf32, #tpu.memory_space<vmem_shared>> -> memref<100352x16xf32, #tpu.memory_space<vmem_shared>>
      tpu.enqueue_indirect_dma source(%dma_start3A_326 : memref<128x16xf32, #tpu.memory_space<vmem>>) target(%dma_start3A_332 : memref<100352x16xf32, #tpu.memory_space<vmem_shared>>) offsets(%dma_start3A_329 : memref<128xi32, #tpu.memory_space<vmem>>) semaphore(%arg13 : memref<!tpu.dma_semaphore, #tpu.memory_space<semaphore_mem>>) {add = true}
      %dma_wait3A_333 = arith.constant 7 : i32
      %dma_wait3A_334 = arith.constant 7 : i32
      %dma_wait3A_335 = arith.constant 0 : i32
      %dma_wait3A_336 = arith.constant 0 : i32
      %dma_wait3A_337 = tpu.memref_slice %arg8[%dma_wait3A_334, %dma_wait3A_335, %dma_wait3A_336] : memref<8x128x16xf32, #tpu.memory_space<vmem>> -> memref<1x128x16xf32, #tpu.memory_space<vmem>>
      %dma_wait3A_338 = tpu.memref_squeeze %dma_wait3A_337 : memref<1x128x16xf32, #tpu.memory_space<vmem>> -> memref<128x16xf32, #tpu.memory_space<vmem>>
      %dma_wait3A_339 = arith.constant 0 : i32
      %dma_wait3A_340 = tpu.memref_slice %arg6[%rem3A_61, %dma_wait3A_333, %dma_wait3A_339] : memref<2x8x128xi32, #tpu.memory_space<vmem>> -> memref<1x1x128xi32, #tpu.memory_space<vmem>>
      %dma_wait3A_341 = tpu.memref_squeeze %dma_wait3A_340 : memref<1x1x128xi32, #tpu.memory_space<vmem>> -> memref<128xi32, #tpu.memory_space<vmem>>
      %dma_wait3A_342 = arith.constant 0 : i32
      %dma_wait3A_343 = arith.constant 0 : i32
      %dma_wait3A_344 = tpu.memref_slice %arg2[%dma_wait3A_342, %dma_wait3A_343] : memref<100352x16xf32, #tpu.memory_space<hbm>> -> memref<100352x16xf32, #tpu.memory_space<hbm>>
      tpu.wait_indirect_dma semaphore(%arg12 : memref<!tpu.dma_semaphore, #tpu.memory_space<semaphore_mem>>) src(%dma_wait3A_344 : memref<100352x16xf32, #tpu.memory_space<hbm>>) dst(%dma_wait3A_338 : memref<128x16xf32, #tpu.memory_space<vmem>>)
      %dma_start3A_345 = arith.constant 7 : i32
      %dma_start3A_346 = arith.constant 7 : i32
      %dma_start3A_347 = arith.constant 0 : i32
      %dma_start3A_348 = arith.constant 0 : i32
      %dma_start3A_349 = tpu.memref_slice %arg8[%dma_start3A_345, %dma_start3A_347, %dma_start3A_348] : memref<8x128x16xf32, #tpu.memory_space<vmem>> -> memref<1x128x16xf32, #tpu.memory_space<vmem>>
      %dma_start3A_350 = tpu.memref_squeeze %dma_start3A_349 : memref<1x128x16xf32, #tpu.memory_space<vmem>> -> memref<128x16xf32, #tpu.memory_space<vmem>>
      %dma_start3A_351 = arith.constant 0 : i32
      %dma_start3A_352 = tpu.memref_slice %arg7[%rem3A_61, %dma_start3A_346, %dma_start3A_351] : memref<2x8x128xi32, #tpu.memory_space<vmem>> -> memref<1x1x128xi32, #tpu.memory_space<vmem>>
      %dma_start3A_353 = tpu.memref_squeeze %dma_start3A_352 : memref<1x1x128xi32, #tpu.memory_space<vmem>> -> memref<128xi32, #tpu.memory_space<vmem>>
      %dma_start3A_354 = arith.constant 0 : i32
      %dma_start3A_355 = arith.constant 0 : i32
      %dma_start3A_356 = tpu.memref_slice %arg10[%dma_start3A_354, %dma_start3A_355] : memref<100352x16xf32, #tpu.memory_space<vmem_shared>> -> memref<100352x16xf32, #tpu.memory_space<vmem_shared>>
      tpu.enqueue_indirect_dma source(%dma_start3A_350 : memref<128x16xf32, #tpu.memory_space<vmem>>) target(%dma_start3A_356 : memref<100352x16xf32, #tpu.memory_space<vmem_shared>>) offsets(%dma_start3A_353 : memref<128xi32, #tpu.memory_space<vmem>>) semaphore(%arg13 : memref<!tpu.dma_semaphore, #tpu.memory_space<semaphore_mem>>) {add = true}
      %dma_wait3A_357 = arith.constant 0 : i32
      %dma_wait3A_358 = arith.constant 0 : i32
      %dma_wait3A_359 = arith.constant 0 : i32
      %dma_wait3A_360 = arith.constant 0 : i32
      %dma_wait3A_361 = tpu.memref_slice %arg8[%dma_wait3A_357, %dma_wait3A_359, %dma_wait3A_360] : memref<8x128x16xf32, #tpu.memory_space<vmem>> -> memref<1x128x16xf32, #tpu.memory_space<vmem>>
      %dma_wait3A_362 = tpu.memref_squeeze %dma_wait3A_361 : memref<1x128x16xf32, #tpu.memory_space<vmem>> -> memref<128x16xf32, #tpu.memory_space<vmem>>
      %dma_wait3A_363 = arith.constant 0 : i32
      %dma_wait3A_364 = tpu.memref_slice %arg7[%rem3A_61, %dma_wait3A_358, %dma_wait3A_363] : memref<2x8x128xi32, #tpu.memory_space<vmem>> -> memref<1x1x128xi32, #tpu.memory_space<vmem>>
      %dma_wait3A_365 = tpu.memref_squeeze %dma_wait3A_364 : memref<1x1x128xi32, #tpu.memory_space<vmem>> -> memref<128xi32, #tpu.memory_space<vmem>>
      %dma_wait3A_366 = arith.constant 0 : i32
      %dma_wait3A_367 = arith.constant 0 : i32
      %dma_wait3A_368 = tpu.memref_slice %arg10[%dma_wait3A_366, %dma_wait3A_367] : memref<100352x16xf32, #tpu.memory_space<vmem_shared>> -> memref<100352x16xf32, #tpu.memory_space<vmem_shared>>
      tpu.wait_indirect_dma semaphore(%arg13 : memref<!tpu.dma_semaphore, #tpu.memory_space<semaphore_mem>>) src(%dma_wait3A_362 : memref<128x16xf32, #tpu.memory_space<vmem>>) dst(%dma_wait3A_368 : memref<100352x16xf32, #tpu.memory_space<vmem_shared>>)
      %dma_wait3A_369 = arith.constant 1 : i32
      %dma_wait3A_370 = arith.constant 1 : i32
      %dma_wait3A_371 = arith.constant 0 : i32
      %dma_wait3A_372 = arith.constant 0 : i32
      %dma_wait3A_373 = tpu.memref_slice %arg8[%dma_wait3A_369, %dma_wait3A_371, %dma_wait3A_372] : memref<8x128x16xf32, #tpu.memory_space<vmem>> -> memref<1x128x16xf32, #tpu.memory_space<vmem>>
      %dma_wait3A_374 = tpu.memref_squeeze %dma_wait3A_373 : memref<1x128x16xf32, #tpu.memory_space<vmem>> -> memref<128x16xf32, #tpu.memory_space<vmem>>
      %dma_wait3A_375 = arith.constant 0 : i32
      %dma_wait3A_376 = tpu.memref_slice %arg7[%rem3A_61, %dma_wait3A_370, %dma_wait3A_375] : memref<2x8x128xi32, #tpu.memory_space<vmem>> -> memref<1x1x128xi32, #tpu.memory_space<vmem>>
      %dma_wait3A_377 = tpu.memref_squeeze %dma_wait3A_376 : memref<1x1x128xi32, #tpu.memory_space<vmem>> -> memref<128xi32, #tpu.memory_space<vmem>>
      %dma_wait3A_378 = arith.constant 0 : i32
      %dma_wait3A_379 = arith.constant 0 : i32
      %dma_wait3A_380 = tpu.memref_slice %arg10[%dma_wait3A_378, %dma_wait3A_379] : memref<100352x16xf32, #tpu.memory_space<vmem_shared>> -> memref<100352x16xf32, #tpu.memory_space<vmem_shared>>
      tpu.wait_indirect_dma semaphore(%arg13 : memref<!tpu.dma_semaphore, #tpu.memory_space<semaphore_mem>>) src(%dma_wait3A_374 : memref<128x16xf32, #tpu.memory_space<vmem>>) dst(%dma_wait3A_380 : memref<100352x16xf32, #tpu.memory_space<vmem_shared>>)
      %dma_wait3A_381 = arith.constant 2 : i32
      %dma_wait3A_382 = arith.constant 2 : i32
      %dma_wait3A_383 = arith.constant 0 : i32
      %dma_wait3A_384 = arith.constant 0 : i32
      %dma_wait3A_385 = tpu.memref_slice %arg8[%dma_wait3A_381, %dma_wait3A_383, %dma_wait3A_384] : memref<8x128x16xf32, #tpu.memory_space<vmem>> -> memref<1x128x16xf32, #tpu.memory_space<vmem>>
      %dma_wait3A_386 = tpu.memref_squeeze %dma_wait3A_385 : memref<1x128x16xf32, #tpu.memory_space<vmem>> -> memref<128x16xf32, #tpu.memory_space<vmem>>
      %dma_wait3A_387 = arith.constant 0 : i32
      %dma_wait3A_388 = tpu.memref_slice %arg7[%rem3A_61, %dma_wait3A_382, %dma_wait3A_387] : memref<2x8x128xi32, #tpu.memory_space<vmem>> -> memref<1x1x128xi32, #tpu.memory_space<vmem>>
      %dma_wait3A_389 = tpu.memref_squeeze %dma_wait3A_388 : memref<1x1x128xi32, #tpu.memory_space<vmem>> -> memref<128xi32, #tpu.memory_space<vmem>>
      %dma_wait3A_390 = arith.constant 0 : i32
      %dma_wait3A_391 = arith.constant 0 : i32
      %dma_wait3A_392 = tpu.memref_slice %arg10[%dma_wait3A_390, %dma_wait3A_391] : memref<100352x16xf32, #tpu.memory_space<vmem_shared>> -> memref<100352x16xf32, #tpu.memory_space<vmem_shared>>
      tpu.wait_indirect_dma semaphore(%arg13 : memref<!tpu.dma_semaphore, #tpu.memory_space<semaphore_mem>>) src(%dma_wait3A_386 : memref<128x16xf32, #tpu.memory_space<vmem>>) dst(%dma_wait3A_392 : memref<100352x16xf32, #tpu.memory_space<vmem_shared>>)
      %dma_wait3A_393 = arith.constant 3 : i32
      %dma_wait3A_394 = arith.constant 3 : i32
      %dma_wait3A_395 = arith.constant 0 : i32
      %dma_wait3A_396 = arith.constant 0 : i32
      %dma_wait3A_397 = tpu.memref_slice %arg8[%dma_wait3A_393, %dma_wait3A_395, %dma_wait3A_396] : memref<8x128x16xf32, #tpu.memory_space<vmem>> -> memref<1x128x16xf32, #tpu.memory_space<vmem>>
      %dma_wait3A_398 = tpu.memref_squeeze %dma_wait3A_397 : memref<1x128x16xf32, #tpu.memory_space<vmem>> -> memref<128x16xf32, #tpu.memory_space<vmem>>
      %dma_wait3A_399 = arith.constant 0 : i32
      %dma_wait3A_400 = tpu.memref_slice %arg7[%rem3A_61, %dma_wait3A_394, %dma_wait3A_399] : memref<2x8x128xi32, #tpu.memory_space<vmem>> -> memref<1x1x128xi32, #tpu.memory_space<vmem>>
      %dma_wait3A_401 = tpu.memref_squeeze %dma_wait3A_400 : memref<1x1x128xi32, #tpu.memory_space<vmem>> -> memref<128xi32, #tpu.memory_space<vmem>>
      %dma_wait3A_402 = arith.constant 0 : i32
      %dma_wait3A_403 = arith.constant 0 : i32
      %dma_wait3A_404 = tpu.memref_slice %arg10[%dma_wait3A_402, %dma_wait3A_403] : memref<100352x16xf32, #tpu.memory_space<vmem_shared>> -> memref<100352x16xf32, #tpu.memory_space<vmem_shared>>
      tpu.wait_indirect_dma semaphore(%arg13 : memref<!tpu.dma_semaphore, #tpu.memory_space<semaphore_mem>>) src(%dma_wait3A_398 : memref<128x16xf32, #tpu.memory_space<vmem>>) dst(%dma_wait3A_404 : memref<100352x16xf32, #tpu.memory_space<vmem_shared>>)
      %dma_wait3A_405 = arith.constant 4 : i32
      %dma_wait3A_406 = arith.constant 4 : i32
      %dma_wait3A_407 = arith.constant 0 : i32
      %dma_wait3A_408 = arith.constant 0 : i32
      %dma_wait3A_409 = tpu.memref_slice %arg8[%dma_wait3A_405, %dma_wait3A_407, %dma_wait3A_408] : memref<8x128x16xf32, #tpu.memory_space<vmem>> -> memref<1x128x16xf32, #tpu.memory_space<vmem>>
      %dma_wait3A_410 = tpu.memref_squeeze %dma_wait3A_409 : memref<1x128x16xf32, #tpu.memory_space<vmem>> -> memref<128x16xf32, #tpu.memory_space<vmem>>
      %dma_wait3A_411 = arith.constant 0 : i32
      %dma_wait3A_412 = tpu.memref_slice %arg7[%rem3A_61, %dma_wait3A_406, %dma_wait3A_411] : memref<2x8x128xi32, #tpu.memory_space<vmem>> -> memref<1x1x128xi32, #tpu.memory_space<vmem>>
      %dma_wait3A_413 = tpu.memref_squeeze %dma_wait3A_412 : memref<1x1x128xi32, #tpu.memory_space<vmem>> -> memref<128xi32, #tpu.memory_space<vmem>>
      %dma_wait3A_414 = arith.constant 0 : i32
      %dma_wait3A_415 = arith.constant 0 : i32
      %dma_wait3A_416 = tpu.memref_slice %arg10[%dma_wait3A_414, %dma_wait3A_415] : memref<100352x16xf32, #tpu.memory_space<vmem_shared>> -> memref<100352x16xf32, #tpu.memory_space<vmem_shared>>
      tpu.wait_indirect_dma semaphore(%arg13 : memref<!tpu.dma_semaphore, #tpu.memory_space<semaphore_mem>>) src(%dma_wait3A_410 : memref<128x16xf32, #tpu.memory_space<vmem>>) dst(%dma_wait3A_416 : memref<100352x16xf32, #tpu.memory_space<vmem_shared>>)
      %dma_wait3A_417 = arith.constant 5 : i32
      %dma_wait3A_418 = arith.constant 5 : i32
      %dma_wait3A_419 = arith.constant 0 : i32
      %dma_wait3A_420 = arith.constant 0 : i32
      %dma_wait3A_421 = tpu.memref_slice %arg8[%dma_wait3A_417, %dma_wait3A_419, %dma_wait3A_420] : memref<8x128x16xf32, #tpu.memory_space<vmem>> -> memref<1x128x16xf32, #tpu.memory_space<vmem>>
      %dma_wait3A_422 = tpu.memref_squeeze %dma_wait3A_421 : memref<1x128x16xf32, #tpu.memory_space<vmem>> -> memref<128x16xf32, #tpu.memory_space<vmem>>
      %dma_wait3A_423 = arith.constant 0 : i32
      %dma_wait3A_424 = tpu.memref_slice %arg7[%rem3A_61, %dma_wait3A_418, %dma_wait3A_423] : memref<2x8x128xi32, #tpu.memory_space<vmem>> -> memref<1x1x128xi32, #tpu.memory_space<vmem>>
      %dma_wait3A_425 = tpu.memref_squeeze %dma_wait3A_424 : memref<1x1x128xi32, #tpu.memory_space<vmem>> -> memref<128xi32, #tpu.memory_space<vmem>>
      %dma_wait3A_426 = arith.constant 0 : i32
      %dma_wait3A_427 = arith.constant 0 : i32
      %dma_wait3A_428 = tpu.memref_slice %arg10[%dma_wait3A_426, %dma_wait3A_427] : memref<100352x16xf32, #tpu.memory_space<vmem_shared>> -> memref<100352x16xf32, #tpu.memory_space<vmem_shared>>
      tpu.wait_indirect_dma semaphore(%arg13 : memref<!tpu.dma_semaphore, #tpu.memory_space<semaphore_mem>>) src(%dma_wait3A_422 : memref<128x16xf32, #tpu.memory_space<vmem>>) dst(%dma_wait3A_428 : memref<100352x16xf32, #tpu.memory_space<vmem_shared>>)
      %dma_wait3A_429 = arith.constant 6 : i32
      %dma_wait3A_430 = arith.constant 6 : i32
      %dma_wait3A_431 = arith.constant 0 : i32
      %dma_wait3A_432 = arith.constant 0 : i32
      %dma_wait3A_433 = tpu.memref_slice %arg8[%dma_wait3A_429, %dma_wait3A_431, %dma_wait3A_432] : memref<8x128x16xf32, #tpu.memory_space<vmem>> -> memref<1x128x16xf32, #tpu.memory_space<vmem>>
      %dma_wait3A_434 = tpu.memref_squeeze %dma_wait3A_433 : memref<1x128x16xf32, #tpu.memory_space<vmem>> -> memref<128x16xf32, #tpu.memory_space<vmem>>
      %dma_wait3A_435 = arith.constant 0 : i32
      %dma_wait3A_436 = tpu.memref_slice %arg7[%rem3A_61, %dma_wait3A_430, %dma_wait3A_435] : memref<2x8x128xi32, #tpu.memory_space<vmem>> -> memref<1x1x128xi32, #tpu.memory_space<vmem>>
      %dma_wait3A_437 = tpu.memref_squeeze %dma_wait3A_436 : memref<1x1x128xi32, #tpu.memory_space<vmem>> -> memref<128xi32, #tpu.memory_space<vmem>>
      %dma_wait3A_438 = arith.constant 0 : i32
      %dma_wait3A_439 = arith.constant 0 : i32
      %dma_wait3A_440 = tpu.memref_slice %arg10[%dma_wait3A_438, %dma_wait3A_439] : memref<100352x16xf32, #tpu.memory_space<vmem_shared>> -> memref<100352x16xf32, #tpu.memory_space<vmem_shared>>
      tpu.wait_indirect_dma semaphore(%arg13 : memref<!tpu.dma_semaphore, #tpu.memory_space<semaphore_mem>>) src(%dma_wait3A_434 : memref<128x16xf32, #tpu.memory_space<vmem>>) dst(%dma_wait3A_440 : memref<100352x16xf32, #tpu.memory_space<vmem_shared>>)
      %dma_wait3A_441 = arith.constant 7 : i32
      %dma_wait3A_442 = arith.constant 7 : i32
      %dma_wait3A_443 = arith.constant 0 : i32
      %dma_wait3A_444 = arith.constant 0 : i32
      %dma_wait3A_445 = tpu.memref_slice %arg8[%dma_wait3A_441, %dma_wait3A_443, %dma_wait3A_444] : memref<8x128x16xf32, #tpu.memory_space<vmem>> -> memref<1x128x16xf32, #tpu.memory_space<vmem>>
      %dma_wait3A_446 = tpu.memref_squeeze %dma_wait3A_445 : memref<1x128x16xf32, #tpu.memory_space<vmem>> -> memref<128x16xf32, #tpu.memory_space<vmem>>
      %dma_wait3A_447 = arith.constant 0 : i32
      %dma_wait3A_448 = tpu.memref_slice %arg7[%rem3A_61, %dma_wait3A_442, %dma_wait3A_447] : memref<2x8x128xi32, #tpu.memory_space<vmem>> -> memref<1x1x128xi32, #tpu.memory_space<vmem>>
      %dma_wait3A_449 = tpu.memref_squeeze %dma_wait3A_448 : memref<1x1x128xi32, #tpu.memory_space<vmem>> -> memref<128xi32, #tpu.memory_space<vmem>>
      %dma_wait3A_450 = arith.constant 0 : i32
      %dma_wait3A_451 = arith.constant 0 : i32
      %dma_wait3A_452 = tpu.memref_slice %arg10[%dma_wait3A_450, %dma_wait3A_451] : memref<100352x16xf32, #tpu.memory_space<vmem_shared>> -> memref<100352x16xf32, #tpu.memory_space<vmem_shared>>
      tpu.wait_indirect_dma semaphore(%arg13 : memref<!tpu.dma_semaphore, #tpu.memory_space<semaphore_mem>>) src(%dma_wait3A_446 : memref<128x16xf32, #tpu.memory_space<vmem>>) dst(%dma_wait3A_452 : memref<100352x16xf32, #tpu.memory_space<vmem_shared>>)
      %scan3A_453 = arith.constant 0 : i32
      scf.yield %scan3A_453 : i32
    }
    %scan3A_54 = arith.constant 196 : i32
    %barrier3A_55 = arith.constant 0 : index
    tpu.barrier barrier_id(%barrier3A_55)
    %mul3A_56 = arith.constant 100352 : i32
    %mul3A_57 = arith.muli %arg0, %mul3A_56 : i32
    %add3A_58 = arith.addi %mul3A_57, %mul3A_2 : i32
    "tpu.region"() ({
      %run_scoped3A_59 = tpu.sem_alloc : memref<!tpu.dma_semaphore, #tpu.memory_space<semaphore_mem>>
      %dma_start3A_60 = arith.constant 0 : i32
      %dma_start3A_61 = tpu.memref_slice %arg5[%add3A_58, %dma_start3A_60] : memref<200704x16xf32, #tpu.memory_space<hbm>> -> memref<6272x16xf32, #tpu.memory_space<hbm>>
      %dma_start3A_62 = arith.constant 0 : i32
      %dma_start3A_63 = tpu.memref_slice %arg10[%mul3A_2, %dma_start3A_62] : memref<100352x16xf32, #tpu.memory_space<vmem_shared>> -> memref<6272x16xf32, #tpu.memory_space<vmem_shared>>
      tpu.enqueue_dma source(%dma_start3A_63 : memref<6272x16xf32, #tpu.memory_space<vmem_shared>>) target(%dma_start3A_61 : memref<6272x16xf32, #tpu.memory_space<hbm>>) target_semaphore(%run_scoped3A_59 : memref<!tpu.dma_semaphore, #tpu.memory_space<semaphore_mem>>)
      %dma_wait3A = arith.constant 0 : i32
      %dma_wait3A_64 = tpu.memref_slice %arg5[%add3A_58, %dma_wait3A] : memref<200704x16xf32, #tpu.memory_space<hbm>> -> memref<6272x16xf32, #tpu.memory_space<hbm>>
      %dma_wait3A_65 = arith.constant 0 : i32
      %dma_wait3A_66 = tpu.memref_slice %arg10[%mul3A_2, %dma_wait3A_65] : memref<100352x16xf32, #tpu.memory_space<vmem_shared>> -> memref<6272x16xf32, #tpu.memory_space<vmem_shared>>
      tpu.wait_dma2 semaphore(%run_scoped3A_59 : memref<!tpu.dma_semaphore, #tpu.memory_space<semaphore_mem>>) src(%dma_wait3A_66 : memref<6272x16xf32, #tpu.memory_space<vmem_shared>>) dst(%dma_wait3A_64 : memref<6272x16xf32, #tpu.memory_space<hbm>>)
      tpu.yield
    }) : () -> ()
    return
  }
}

module attributes {stable_mosaic.version = 14 : i64} {
  func.func @_dense_a_body(%arg0: i32, %arg1: memref<2x1024xf32, #tpu.memory_space<vmem>>, %arg2: memref<1024x3xf32, #tpu.memory_space<vmem>>, %arg3: memref<3x16xf32, #tpu.memory_space<vmem>>, %arg4: memref<1024x16xf32, #tpu.memory_space<vmem>>, %arg5: memref<1024xf32, #tpu.memory_space<vmem>>) attributes {dimension_semantics = [#tpu.dimension_semantics<arbitrary>], iteration_bounds = array<i64: 98>, scalar_prefetch = 0 : i64, scratch_operands = 0 : i64, tpu.core_type = #tpu.core_type<tc>, window_params = [{transform_indices = @transform_0, window_bounds = array<i64: 2, 1024>}, {transform_indices = @transform_1, window_bounds = array<i64: 1024, 3>}, {pipeline_mode = #tpu.pipeline_mode<synchronous>, transform_indices = @transform_2, window_bounds = array<i64: 3, 16>}, {transform_indices = @transform_3, window_bounds = array<i64: 1024, 16>}, {transform_indices = @transform_4, window_bounds = array<i64: 1024>}]} {
    %get3A = arith.constant 0 : index
    %get3A_0 = arith.constant 0 : index
    %get3A_1 = vector.load %arg1[%get3A, %get3A_0] : memref<2x1024xf32, #tpu.memory_space<vmem>>, vector<1x1024xf32>
    %get3A_2 = vector.shape_cast %get3A_1 : vector<1x1024xf32> to vector<1024xf32>
    %get3A_3 = arith.constant 1 : index
    %get3A_4 = arith.constant 0 : index
    %get3A_5 = vector.load %arg1[%get3A_3, %get3A_4] : memref<2x1024xf32, #tpu.memory_space<vmem>>, vector<1x1024xf32>
    %get3A_6 = vector.shape_cast %get3A_5 : vector<1x1024xf32> to vector<1024xf32>
    %add3A = arith.addf %get3A_2, %get3A_6 : vector<1024xf32>
    %add3A_7 = arith.constant 1.000000e+00 : f32
    %add3A_8 = vector.broadcast %add3A_7 : f32 to vector<1024xf32>
    %add3A_9 = arith.addf %add3A, %add3A_8 : vector<1024xf32>
    %rsqrt3A = math.rsqrt %add3A_9 : vector<1024xf32>
    %get3A_10 = arith.constant 0 : index
    %get3A_11 = arith.constant 0 : index
    %get3A_12 = vector.load %arg2[%get3A_10, %get3A_11] : memref<1024x3xf32, #tpu.memory_space<vmem>>, vector<1024x3xf32>
    %get3A_13 = arith.constant 0 : index
    %get3A_14 = arith.constant 0 : index
    %get3A_15 = vector.load %arg3[%get3A_13, %get3A_14] : memref<3x16xf32, #tpu.memory_space<vmem>>, vector<3x16xf32>
    %dot_general3A = arith.constant dense<0.000000e+00> : vector<1024x16xf32>
    %dot_general3A_16 = tpu.matmul %get3A_12, %get3A_15, %dot_general3A {dimension_numbers = #tpu.dot_dimension_numbers<[1], [0], [0], [1], [0, 0, 1, 1], [], []>, transpose_lhs_hint = false} : vector<1024x3xf32>, vector<3x16xf32>, vector<1024x16xf32> -> vector<1024x16xf32>
    %broadcast_in_dim3A = vector.shape_cast %rsqrt3A : vector<1024xf32> to vector<1024x1xf32>
    %mul3A = vector.broadcast %broadcast_in_dim3A : vector<1024x1xf32> to vector<1024x16xf32>
    %mul3A_17 = arith.mulf %dot_general3A_16, %mul3A : vector<1024x16xf32>
    %swap3A = arith.constant 0 : index
    %swap3A_18 = arith.constant 0 : index
    %swap3A_19 = vector.load %arg4[%swap3A, %swap3A_18] : memref<1024x16xf32, #tpu.memory_space<vmem>>, vector<1024x16xf32>
    tpu.vector_store %arg4[%swap3A, %swap3A_18], %mul3A_17 {strides = array<i32>} : memref<1024x16xf32, #tpu.memory_space<vmem>>, vector<1024x16xf32>,
    %swap3A_20 = arith.constant 0 : index
    %swap3A_21 = vector.load %arg5[%swap3A_20] : memref<1024xf32, #tpu.memory_space<vmem>>, vector<1024xf32>
    tpu.vector_store %arg5[%swap3A_20], %rsqrt3A {strides = array<i32>} : memref<1024xf32, #tpu.memory_space<vmem>>, vector<1024xf32>,
    return
  }
  func.func @transform_0(%arg0: i32) -> (i32, i32) {
    %c0_i32 = arith.constant 0 : i32
    %c0_i32_0 = arith.constant 0 : i32
    return %c0_i32, %arg0 : i32, i32
  }
  func.func @transform_1(%arg0: i32) -> (i32, i32) {
    %c0_i32 = arith.constant 0 : i32
    %c0_i32_0 = arith.constant 0 : i32
    return %arg0, %c0_i32 : i32, i32
  }
  func.func @transform_2(%arg0: i32) -> (i32, i32) {
    %c0_i32 = arith.constant 0 : i32
    %c0_i32_0 = arith.constant 0 : i32
    %c0_i32_1 = arith.constant 0 : i32
    return %c0_i32, %c0_i32_0 : i32, i32
  }
  func.func @transform_3(%arg0: i32) -> (i32, i32) {
    %c0_i32 = arith.constant 0 : i32
    %c0_i32_0 = arith.constant 0 : i32
    return %arg0, %c0_i32 : i32, i32
  }
  func.func @transform_4(%arg0: i32) -> i32 {
    %c0_i32 = arith.constant 0 : i32
    return %arg0 : i32
  }
}

module attributes {stable_mosaic.version = 14 : i64} {
  func.func @_dense_b_body(%arg0: i32, %arg1: memref<2x1024x16xf32, #tpu.memory_space<vmem>>, %arg2: memref<1024x16xf32, #tpu.memory_space<vmem>>, %arg3: memref<1024xf32, #tpu.memory_space<vmem>>, %arg4: memref<16xf32, #tpu.memory_space<vmem>>, %arg5: memref<1024x16xf32, #tpu.memory_space<vmem>>) attributes {dimension_semantics = [#tpu.dimension_semantics<arbitrary>], iteration_bounds = array<i64: 98>, scalar_prefetch = 0 : i64, scratch_operands = 0 : i64, tpu.core_type = #tpu.core_type<tc>, window_params = [{transform_indices = @transform_0, window_bounds = array<i64: 2, 1024, 16>}, {transform_indices = @transform_1, window_bounds = array<i64: 1024, 16>}, {transform_indices = @transform_2, window_bounds = array<i64: 1024>}, {pipeline_mode = #tpu.pipeline_mode<synchronous>, transform_indices = @transform_3, window_bounds = array<i64: 16>}, {transform_indices = @transform_4, window_bounds = array<i64: 1024, 16>}]} {
    %get3A = arith.constant 0 : index
    %get3A_0 = arith.constant 0 : index
    %get3A_1 = arith.constant 0 : index
    %get3A_2 = vector.load %arg1[%get3A, %get3A_0, %get3A_1] : memref<2x1024x16xf32, #tpu.memory_space<vmem>>, vector<1x1024x16xf32>
    %get3A_3 = vector.shape_cast %get3A_2 : vector<1x1024x16xf32> to vector<1024x16xf32>
    %get3A_4 = arith.constant 1 : index
    %get3A_5 = arith.constant 0 : index
    %get3A_6 = arith.constant 0 : index
    %get3A_7 = vector.load %arg1[%get3A_4, %get3A_5, %get3A_6] : memref<2x1024x16xf32, #tpu.memory_space<vmem>>, vector<1x1024x16xf32>
    %get3A_8 = vector.shape_cast %get3A_7 : vector<1x1024x16xf32> to vector<1024x16xf32>
    %add3A = arith.addf %get3A_3, %get3A_8 : vector<1024x16xf32>
    %get3A_9 = arith.constant 0 : index
    %get3A_10 = arith.constant 0 : index
    %get3A_11 = vector.load %arg2[%get3A_9, %get3A_10] : memref<1024x16xf32, #tpu.memory_space<vmem>>, vector<1024x16xf32>
    %add3A_12 = arith.addf %add3A, %get3A_11 : vector<1024x16xf32>
    %get3A_13 = arith.constant 0 : index
    %get3A_14 = vector.load %arg3[%get3A_13] : memref<1024xf32, #tpu.memory_space<vmem>>, vector<1024xf32>
    %broadcast_in_dim3A = vector.shape_cast %get3A_14 : vector<1024xf32> to vector<1024x1xf32>
    %mul3A = vector.broadcast %broadcast_in_dim3A : vector<1024x1xf32> to vector<1024x16xf32>
    %mul3A_15 = arith.mulf %add3A_12, %mul3A : vector<1024x16xf32>
    %get3A_16 = arith.constant 0 : index
    %get3A_17 = vector.load %arg4[%get3A_16] : memref<16xf32, #tpu.memory_space<vmem>>, vector<16xf32>
    %broadcast_in_dim3A_18 = vector.shape_cast %get3A_17 : vector<16xf32> to vector<1x16xf32>
    %add3A_19 = vector.broadcast %broadcast_in_dim3A_18 : vector<1x16xf32> to vector<1024x16xf32>
    %add3A_20 = arith.addf %mul3A_15, %add3A_19 : vector<1024x16xf32>
    %max3A = arith.constant 0.000000e+00 : f32
    %max3A_21 = vector.broadcast %max3A : f32 to vector<1024x16xf32>
    %max3A_22 = arith.maximumf %add3A_20, %max3A_21 : vector<1024x16xf32>
    %broadcast_in_dim3A_23 = vector.shape_cast %get3A_14 : vector<1024xf32> to vector<1024x1xf32>
    %mul3A_24 = vector.broadcast %broadcast_in_dim3A_23 : vector<1024x1xf32> to vector<1024x16xf32>
    %mul3A_25 = arith.mulf %max3A_22, %mul3A_24 : vector<1024x16xf32>
    %swap3A = arith.constant 0 : index
    %swap3A_26 = arith.constant 0 : index
    %swap3A_27 = vector.load %arg5[%swap3A, %swap3A_26] : memref<1024x16xf32, #tpu.memory_space<vmem>>, vector<1024x16xf32>
    tpu.vector_store %arg5[%swap3A, %swap3A_26], %mul3A_25 {strides = array<i32>} : memref<1024x16xf32, #tpu.memory_space<vmem>>, vector<1024x16xf32>,
    return
  }
  func.func @transform_0(%arg0: i32) -> (i32, i32, i32) {
    %c0_i32 = arith.constant 0 : i32
    %c0_i32_0 = arith.constant 0 : i32
    %c0_i32_1 = arith.constant 0 : i32
    return %c0_i32, %arg0, %c0_i32_0 : i32, i32, i32
  }
  func.func @transform_1(%arg0: i32) -> (i32, i32) {
    %c0_i32 = arith.constant 0 : i32
    %c0_i32_0 = arith.constant 0 : i32
    return %arg0, %c0_i32 : i32, i32
  }
  func.func @transform_2(%arg0: i32) -> i32 {
    %c0_i32 = arith.constant 0 : i32
    return %arg0 : i32
  }
  func.func @transform_3(%arg0: i32) -> i32 {
    %c0_i32 = arith.constant 0 : i32
    %c0_i32_0 = arith.constant 0 : i32
    return %c0_i32 : i32
  }
  func.func @transform_4(%arg0: i32) -> (i32, i32) {
    %c0_i32 = arith.constant 0 : i32
    %c0_i32_0 = arith.constant 0 : i32
    return %arg0, %c0_i32 : i32, i32
  }
}

module attributes {stable_mosaic.version = 14 : i64} {
  func.func @_dense_c_body(%arg0: i32, %arg1: memref<2x1024x16xf32, #tpu.memory_space<vmem>>, %arg2: memref<1024x16xf32, #tpu.memory_space<vmem>>, %arg3: memref<1024xf32, #tpu.memory_space<vmem>>, %arg4: memref<16x2xf32, #tpu.memory_space<vmem>>, %arg5: memref<2xf32, #tpu.memory_space<vmem>>, %arg6: memref<1024x2xf32, #tpu.memory_space<vmem>>) attributes {dimension_semantics = [#tpu.dimension_semantics<arbitrary>], iteration_bounds = array<i64: 98>, scalar_prefetch = 0 : i64, scratch_operands = 0 : i64, tpu.core_type = #tpu.core_type<tc>, window_params = [{transform_indices = @transform_0, window_bounds = array<i64: 2, 1024, 16>}, {transform_indices = @transform_1, window_bounds = array<i64: 1024, 16>}, {transform_indices = @transform_2, window_bounds = array<i64: 1024>}, {pipeline_mode = #tpu.pipeline_mode<synchronous>, transform_indices = @transform_3, window_bounds = array<i64: 16, 2>}, {pipeline_mode = #tpu.pipeline_mode<synchronous>, transform_indices = @transform_4, window_bounds = array<i64: 2>}, {transform_indices = @transform_5, window_bounds = array<i64: 1024, 2>}]} {
    %get3A = arith.constant 0 : index
    %get3A_0 = arith.constant 0 : index
    %get3A_1 = arith.constant 0 : index
    %get3A_2 = vector.load %arg1[%get3A, %get3A_0, %get3A_1] : memref<2x1024x16xf32, #tpu.memory_space<vmem>>, vector<1x1024x16xf32>
    %get3A_3 = vector.shape_cast %get3A_2 : vector<1x1024x16xf32> to vector<1024x16xf32>
    %get3A_4 = arith.constant 1 : index
    %get3A_5 = arith.constant 0 : index
    %get3A_6 = arith.constant 0 : index
    %get3A_7 = vector.load %arg1[%get3A_4, %get3A_5, %get3A_6] : memref<2x1024x16xf32, #tpu.memory_space<vmem>>, vector<1x1024x16xf32>
    %get3A_8 = vector.shape_cast %get3A_7 : vector<1x1024x16xf32> to vector<1024x16xf32>
    %add3A = arith.addf %get3A_3, %get3A_8 : vector<1024x16xf32>
    %get3A_9 = arith.constant 0 : index
    %get3A_10 = arith.constant 0 : index
    %get3A_11 = vector.load %arg2[%get3A_9, %get3A_10] : memref<1024x16xf32, #tpu.memory_space<vmem>>, vector<1024x16xf32>
    %add3A_12 = arith.addf %add3A, %get3A_11 : vector<1024x16xf32>
    %get3A_13 = arith.constant 0 : index
    %get3A_14 = arith.constant 0 : index
    %get3A_15 = vector.load %arg4[%get3A_13, %get3A_14] : memref<16x2xf32, #tpu.memory_space<vmem>>, vector<16x2xf32>
    %dot_general3A = arith.constant dense<0.000000e+00> : vector<1024x2xf32>
    %dot_general3A_16 = tpu.matmul %add3A_12, %get3A_15, %dot_general3A {dimension_numbers = #tpu.dot_dimension_numbers<[1], [0], [0], [1], [0, 0, 1, 1], [], []>, transpose_lhs_hint = false} : vector<1024x16xf32>, vector<16x2xf32>, vector<1024x2xf32> -> vector<1024x2xf32>
    %get3A_17 = arith.constant 0 : index
    %get3A_18 = vector.load %arg3[%get3A_17] : memref<1024xf32, #tpu.memory_space<vmem>>, vector<1024xf32>
    %broadcast_in_dim3A = vector.shape_cast %get3A_18 : vector<1024xf32> to vector<1024x1xf32>
    %mul3A = vector.broadcast %broadcast_in_dim3A : vector<1024x1xf32> to vector<1024x2xf32>
    %mul3A_19 = arith.mulf %dot_general3A_16, %mul3A : vector<1024x2xf32>
    %get3A_20 = arith.constant 0 : index
    %get3A_21 = vector.load %arg5[%get3A_20] : memref<2xf32, #tpu.memory_space<vmem>>, vector<2xf32>
    %broadcast_in_dim3A_22 = vector.shape_cast %get3A_21 : vector<2xf32> to vector<1x2xf32>
    %add3A_23 = vector.broadcast %broadcast_in_dim3A_22 : vector<1x2xf32> to vector<1024x2xf32>
    %add3A_24 = arith.addf %mul3A_19, %add3A_23 : vector<1024x2xf32>
    %reduce_max3A = arith.constant dense<0xFF800000> : vector<1024xf32>
    %reduce_max3A_25 = vector.multi_reduction <maximumf>, %add3A_24, %reduce_max3A [1] : vector<1024x2xf32> to vector<1024xf32>
    %broadcast_in_dim3A_26 = vector.shape_cast %reduce_max3A_25 : vector<1024xf32> to vector<1024x1xf32>
    %sub3A = vector.broadcast %broadcast_in_dim3A_26 : vector<1024x1xf32> to vector<1024x2xf32>
    %sub3A_27 = arith.subf %add3A_24, %sub3A : vector<1024x2xf32>
    %exp3A = math.exp %sub3A_27 : vector<1024x2xf32>
    %reduce_sum3A = arith.constant dense<0.000000e+00> : vector<1024xf32>
    %reduce_sum3A_28 = vector.multi_reduction <add>, %exp3A, %reduce_sum3A [1] : vector<1024x2xf32> to vector<1024xf32>
    %broadcast_in_dim3A_29 = vector.shape_cast %reduce_sum3A_28 : vector<1024xf32> to vector<1024x1xf32>
    %log3A = math.log %broadcast_in_dim3A_29 : vector<1024x1xf32>
    %add3A_30 = arith.addf %broadcast_in_dim3A_26, %log3A : vector<1024x1xf32>
    %sub3A_31 = vector.broadcast %add3A_30 : vector<1024x1xf32> to vector<1024x2xf32>
    %sub3A_32 = arith.subf %add3A_24, %sub3A_31 : vector<1024x2xf32>
    %swap3A = arith.constant 0 : index
    %swap3A_33 = arith.constant 0 : index
    %swap3A_34 = vector.load %arg6[%swap3A, %swap3A_33] : memref<1024x2xf32, #tpu.memory_space<vmem>>, vector<1024x2xf32>
    tpu.vector_store %arg6[%swap3A, %swap3A_33], %sub3A_32 {strides = array<i32>} : memref<1024x2xf32, #tpu.memory_space<vmem>>, vector<1024x2xf32>,
    return
  }
  func.func @transform_0(%arg0: i32) -> (i32, i32, i32) {
    %c0_i32 = arith.constant 0 : i32
    %c0_i32_0 = arith.constant 0 : i32
    %c0_i32_1 = arith.constant 0 : i32
    return %c0_i32, %arg0, %c0_i32_0 : i32, i32, i32
  }
  func.func @transform_1(%arg0: i32) -> (i32, i32) {
    %c0_i32 = arith.constant 0 : i32
    %c0_i32_0 = arith.constant 0 : i32
    return %arg0, %c0_i32 : i32, i32
  }
  func.func @transform_2(%arg0: i32) -> i32 {
    %c0_i32 = arith.constant 0 : i32
    return %arg0 : i32
  }
  func.func @transform_3(%arg0: i32) -> (i32, i32) {
    %c0_i32 = arith.constant 0 : i32
    %c0_i32_0 = arith.constant 0 : i32
    %c0_i32_1 = arith.constant 0 : i32
    return %c0_i32, %c0_i32_0 : i32, i32
  }
  func.func @transform_4(%arg0: i32) -> i32 {
    %c0_i32 = arith.constant 0 : i32
    %c0_i32_0 = arith.constant 0 : i32
    return %c0_i32 : i32
  }
  func.func @transform_5(%arg0: i32) -> (i32, i32) {
    %c0_i32 = arith.constant 0 : i32
    %c0_i32_0 = arith.constant 0 : i32
    return %arg0, %c0_i32 : i32, i32
  }
}

</mosaic_0001>

<sc_bundles>
// kernel: kernel.11.cloned.1.call-start
scs
__scs_entry_jumppad:
0x0: {  	(pc) =	sbr.rel $0x88, $3  }
0x1: {  	(tag) =	ssettag $0x0;
	lr =	simm.s32 $0x1  }
0x2: {  	[smem:$0x3F9B] =	sst lr;
	_ =	strace $0xD0000000  }
0x3: {  	_ = 	snop  }
0x4: {  	_ = 	snop  }
0x5: {  	_ = 	snop  }
0x6: {  	_ = 	snop  }
0x7: {  	_ = 	snop  }
__scs_overlays_trampoline_lowered:
0x8: {  	[smem:$0x3FAA] =	sst s0  }
0x9: {  	[smem:$0x3FAB] =	sst s1  }
0xa: {  	[smem:$0x3FAC] =	sst s2  }
0xb: {  	[smem:$0x3FAD] =	sst s3  }
0xc: {  	[smem:$0x3FAE] =	sst s4  }
0xd: {  	[smem:$0x3FAF] =	sst s5  }
0xe: {  	[smem:$0x3FB0] =	sst s6  }
0xf: {  	[smem:$0x3FB1] =	sst s7  }
0x10: {  	[smem:$0x3FB2] =	sst s8  }
0x11: {  	[smem:$0x3FB3] =	sst s9;
	s0 =	simm.s32 @!p0 $0x0  }
0x12: {  	s1 =	sld [smem:$0x3F99];
	s0 =	simm.s32 @p0 $0x1  }
0x13: {  	[smem:$0x3FB4] =	sst s0;
	s0 =	simm.s32 @!p1 $0x0  }
0x14: {  	s2 =	sld [smem:$0x3F98];
	s0 =	simm.s32 @p1 $0x1  }
0x15: {  	[smem:$0x3FB5] =	sst s0;
	s0 =	simm.s32 @!p2 $0x0  }
0x16: {  	s3 =	sld [smem:$0x3FDB];
	s0 =	simm.s32 @p2 $0x1  }
0x17: {  	s4 =	simm.s32 $0x1BF5;
	[smem:$0x3FB7] =	sst s0  }
0x18: {  	s0 =	sld [smem:$0x3F9A];
	_ =	swait.ge [sflag:s4], $0x0  }
0x19: {  	s7 =	sld [smem:$0x3F9B]  }
0x1a: {  	s8 =	sadd.s32 $0xFFFFE003, lr  }
0x1b: {  	s9 =	sadd.s32 $0xFFFFFEF7, lr;
	s5 =	simm.s32 $0xFFFFFFFF;
	p2 =	slt.u32 s8, $0xFFFFF086  }
0x1c: {  	p1 =	slt.u32 s9, $0xF7A;
	s5 =	simm.s32 @!p2 $0x0  }
0x1d: {  	s5 =	simm.s32 @p1 $0x1;
	p0 =	seq.s32 s7, s2  }
0x1e: {  	s7 =	smul.u32 @!p0 $0xF7A, s2;
	p2 =	seq.s32 @!p0 s5, $0x0  }
0x1f: {  	s9 =	smul.u32 $0xF7A, s1;
	s8 =	simm.s32 @!p0 $0x1BF5;
	p2 =	por !p2, p0  }
0x20: {  	[sflag:s8] =	ssyncset.s32 @!p0 $0xFFFFF086;
	s6 =	sadd.s32 @!p0 s3, s7;
	s7 =	simm.s32 @!p0 $0x108  }
0x21: {  	s3 =	sadd.s32 s3, s9;
	s6 =	sadd.s32 @!p0 $0x88, s6;
	s7 =	simm.s32 @p2 $0x1082  }
0x22: {  	[simem:s7], [sflag:s8] =	dma.local @!p0 [hbm:s6], $0xF7A  }
0x23: {  	s9 =	sor.u32 $0xD0000000, s2;
	s6 =	simm.s32 $0x108;
	_ =	swait.ge @!p0 [sflag:s8], $0x0  }
0x24: {  	s3 =	sadd.s32 $0x88, s3;
	s6 =	simm.s32 @!p1 $0x1082;
	[sflag:s4] =	ssyncset.s32 $0xFFFFF086  }
0x25: {  	[simem:s6], [sflag:s4] =	dma.local [hbm:s3], $0xF7A  }
0x26: {  	[smem:$0x3F9B] =	sst s1;
	(tag) =	ssettag s2;
	_ =	strace s9  }
0x27: {  	s1 =	sld [smem:$0x3FAB]  }
0x28: {  	s2 =	sld [smem:$0x3FAC]  }
0x29: {  	s4 =	sld [smem:$0x3FAE]  }
0x2a: {  	p0 =	seq.s32 s5, $0x0;
	s5 =	sld [smem:$0x3FAF]  }
0x2b: {  	s6 =	sld [smem:$0x3FB0]  }
0x2c: {  	s7 =	sld [smem:$0x3FB1]  }
0x2d: {  	s3 =	simm.s32 $0x108;
	s8 =	sld [smem:$0x3FB2]  }
0x2e: {  	s3 =	simm.s32 @!p0 $0x1082;
	s9 =	sld [smem:$0x3FB3]  }
0x2f: {  	lr =	sadd.s32 s0, s3;
	s0 =	sld [smem:$0x3FAA]  }
0x30: {  	s3 =	sld [smem:$0x3FAD]  }
0x31: {  	[smem:$0x3FB6] =	sst s10  }
0x32: {  	s10 =	sld [smem:$0x3FB4];
	_ =	sdelay $0x3  }
0x33: {  	p0 =	seq.s32 s10, $0x1;
	s10 =	sld [smem:$0x3FB6];
	_ =	sdelay $0x3  }
0x34: {  	[smem:$0x3FB6] =	sst s10  }
0x35: {  	s10 =	sld [smem:$0x3FB5];
	_ =	sdelay $0x3  }
0x36: {  	p1 =	seq.s32 s10, $0x1;
	s10 =	sld [smem:$0x3FB6];
	_ =	sdelay $0x3  }
0x37: {  	[smem:$0x3FB6] =	sst s10  }
0x38: {  	s10 =	sld [smem:$0x3FB7]  }
0x39: {  	_ = 	snop;
	(pc) =	sbr.ind lr, $3  }
0x3a: {  	_ = 	snop  }
0x3b: {  	_ = 	snop  }
0x3c: {  	p2 =	seq.s32 s10, $0x1;
	s10 =	sld [smem:$0x3FB6]  }
0x3d: {  	_ =	shalt  }
0x3e: {  	_ =	shalt  }
0x3f: {  	_ =	shalt  }
0x40: {  	_ =	shalt  }
0x41: {  	_ =	shalt  }
0x42: {  	_ =	shalt  }
0x43: {  	_ =	shalt  }
0x44: {  	_ =	shalt  }
0x45: {  	_ =	shalt  }
0x46: {  	_ =	shalt  }
0x47: {  	_ =	shalt  }
0x48: {  	_ =	shalt  }
0x49: {  	_ =	shalt  }
0x4a: {  	_ =	shalt  }
0x4b: {  	_ =	shalt  }
0x4c: {  	_ =	shalt  }
0x4d: {  	_ =	shalt  }
0x4e: {  	_ =	shalt  }
0x4f: {  	_ =	shalt  }
0x50: {  	_ =	shalt  }
0x51: {  	_ =	shalt  }
0x52: {  	_ =	shalt  }
0x53: {  	_ =	shalt  }
0x54: {  	_ =	shalt  }
0x55: {  	_ =	shalt  }
0x56: {  	_ =	shalt  }
0x57: {  	_ =	shalt  }
0x58: {  	_ =	shalt  }
0x59: {  	_ =	shalt  }
0x5a: {  	_ =	shalt  }
0x5b: {  	_ =	shalt  }
0x5c: {  	_ =	shalt  }
0x5d: {  	_ =	shalt  }
0x5e: {  	_ =	shalt  }
0x5f: {  	_ =	shalt  }
0x60: {  	_ =	shalt  }
0x61: {  	_ =	shalt  }
0x62: {  	_ =	shalt  }
0x63: {  	_ =	shalt  }
0x64: {  	_ =	shalt  }
0x65: {  	_ =	shalt  }
0x66: {  	_ =	shalt  }
0x67: {  	_ =	shalt  }
0x68: {  	_ =	shalt  }
0x69: {  	_ =	shalt  }
0x6a: {  	_ =	shalt  }
0x6b: {  	_ =	shalt  }
0x6c: {  	_ =	shalt  }
0x6d: {  	_ =	shalt  }
0x6e: {  	_ =	shalt  }
0x6f: {  	_ =	shalt  }
0x70: {  	_ =	shalt  }
0x71: {  	_ =	shalt  }
0x72: {  	_ =	shalt  }
0x73: {  	_ =	shalt  }
0x74: {  	_ =	shalt  }
0x75: {  	_ =	shalt  }
0x76: {  	_ =	shalt  }
0x77: {  	_ =	shalt  }
0x78: {  	_ =	shalt  }
0x79: {  	_ =	shalt  }
0x7a: {  	_ =	shalt  }
0x7b: {  	_ =	shalt  }
0x7c: {  	_ =	shalt  }
0x7d: {  	_ =	shalt  }
0x7e: {  	_ =	shalt  }
0x7f: {  	_ =	shalt  }
0x80: {  	_ =	shalt  }
0x81: {  	_ =	shalt  }
0x82: {  	_ =	shalt  }
0x83: {  	_ =	shalt  }
0x84: {  	_ =	shalt  }
0x85: {  	_ =	shalt  }
0x86: {  	_ =	shalt  }
0x87: {  	_ =	shalt  }
.Lfunc_end0:
.L_simem_size_0:
called_computation.1_lowered:
.L_overlay_start_0:
0x88: {  	s2 =	sld [smem:$0x3FD9]  }
0x89: {  	s3 =	sld [smem:$0x3FFE];
	_ =	sdelay $0x1  }
0x8a: {  	s1 =	srdreg.scid  }
0x8b: {  	s0 =	sand.u32 $0x1, s1  }
0x8c: {  	s16 =	sshll.u32 s0, $0xA;
	s2 =	sadd.s32 s3, s2  }
0x8d: {  	s2 =	sadd.s32 s2, s16  }
0x8e: {  	[smem:$0x3FC2] =	sst s2  }
0x8f: {  	_ = 	snop  }
0x90: {  	(tm) =	ssettm $0x1  }
0x91: {  	s17 =	sld [smem:$0x3FFB];
	_ =	sdelay $0x3  }
0x92: {  	_ =	strace s17  }
0x93: {  	s2 =	sld [smem:$0x3FFC];
	_ =	sdelay $0x3  }
0x94: {  	_ =	strace s2  }
0x95: {  	s2 =	sld [smem:$0x3FFD];
	_ =	sdelay $0x3  }
0x96: {  	_ =	strace s2  }
0x97: {  	_ =	strace $0x8FFFFFFF  }
0x98: {  	s18 =	sld [smem:$0x3FDB];
	_ =	sdelay $0x1  }
0x99: {  	s19 =	simm.s32 $_scs_section_size  }
0x9a: {  	s4 =	simm.s32 $_size__tile_overlayer_lowered;
	s5 =	simm.s32 $_tile_overlayer_lowered  }
0x9b: {  	s22 =	simm.s32 $0x1BFF;
	s21 =	sshll.u32 s5, $0x1;
	s2 =	sadd.s32 s19, s18  }
0x9c: {  	s6 =	simm.s32 $0x0;
	s20 =	sshll.u32 s4, $0x1;
	s4 =	sadd.s32 s21, s2  }
0x9d: {  	[timem:s6], [sflag:s22] =	dma.local [hbm:s4], s20  }
0x9e: {  	_ =	swait.ge [sflag:s22], s20  }
0x9f: {  	s3 =	ssub.s32 $0x0, s20;
	[sflag:s22] =	ssyncset.done $0x0  }
0xa0: {  	[sflag:s22] =	ssyncadd.s32 s3;
	_ =	sdelay $0x1  }
0xa1: {  	s23 =	simm.s32 $0x1B8B  }
0xa2: {  	_ =	swait.ge [sflag:s23], $0x1  }
0xa3: {  	[sflag:s23] =	ssyncset.done $0x0  }
0xa4: {  	s25 =	simm.s32 $0x1B8E;
	s24 =	sld [smem:$0x3FFE];
	[sflag:s23] =	ssyncadd.s32 $0xFFFFFFFF  }
0xa5: {  	s26 =	simm.s32 $execute0_lowered;
	[smem:$0x3FD2] =	sst s25  }
0xa6: {  	s4 =	sshll.u32 s26, $0x1;
	_ =	strace $0x80000049;
	[dreg:$0x1] =	wrdreg $0xFFFFFFFF  }
0xa7: {  	s28 =	simm.s32 $_size_execute0_lowered;
	s2 =	sadd.s32 s2, s4;
	[dreg:$0x0] =	wrdreg $0x0  }
0xa8: {  	s4 =	sshll.u32 s28, $0x1;
	[dreg:$0x2] =	wrdreg s2  }
0xa9: {  	[dreg:$0x3] =	wrdreg s4  }
0xaa: {  	[dreg:$0x4] =	wrdreg $0xC0  }
0xab: {  	_ =	task [dreg:s6], $0x5FFFF  }
0xac: {  	[dreg:$0x1] =	wrdreg $0xFFFFFFFF  }
0xad: {  	[dreg:$0x0] =	wrdreg $0x60  }
0xae: {  	[dreg:$0x2] =	wrdreg s24  }
0xaf: {  	[dreg:$0x3] =	wrdreg $0x54000  }
0xb0: {  	[dreg:$0x4] =	wrdreg $0x9  }
0xb1: {  	_ =	task.clear_ibuf [dreg:s6], $0x5FFFF;
	_ =	strace $0x90000049  }
0xb2: {  	s29 =	simm.s32 $0x9;
	_ =	strace $0x8000004B  }
0xb3: {  	_ =	swait.ge [sflag:s29], $0x1  }
0xb4: {  	[sflag:s29] =	ssyncadd.s32 $0xFFFFFFFF  }
0xb5: {  	_ =	strace $0x9000004B  }
0xb6: {  	_ =	sfence  }
0xb7: {  	s30 =	sld [smem:$0x0];
	_ =	sdelay $0x2  }
0xb8: {  	s31 =	sshll.u32 s1, $0xD;
	s1 =	sshrl.u32 s1, $0x2  }
0xb9: {  	s3 =	sand.u32 $0x4000, s31;
	s1 =	sadd.s32 s1, s30  }
0xba: {  	s0 =	sor.u32 s3, s0;
	s1 =	sshll.u32 s1, $0x11  }
0xbb: {  	s0 =	sor.u32 s1, s0  }
0xbc: {  	s0 =	sadd.s32 $0x8F2B, s0  }
0xbd: {  	[sflag:s0] =	ssyncadd.remote.s32 $0x1  }
0xbe: {  	_ =	sfence.sel $0xFFFF  }
0xbf: {  	[dreg:$0x0] =	wrdreg $0xFFFFFFFF;
	(pc) =	sbr.abs _section_cstart, $3  }
0xc0: {  	[dreg:$0x1] =	wrdreg $0xFFFFFFFF  }
0xc1: {  	_ =	task.clear_ibuf [dreg:s6], $0x2FFFF;
	_ =	strace $0x9FFFFFFF  }
0xc2: {  	(tm) =	ssettm $0x7FFFFFFF  }
0xc3: {  	_ =	shalt  }
tec
execute0_lowered:
.L_overlay_start_1:
0x0: {  	(tag) =	ssettag $0x1  }
0x1: {  	s0 =	rddreg [dreg:$0x0]  }
0x2: {  	s1 =	rddreg [dreg:$0x1]  }
0x3: {  	s3 =	simm.s32 $0x0;
	s4 =	srdreg.scid;
	s2 =	stileid.u32  }
0x4: {  	s15 =	simm.s32 $0x5000;
	s16 =	simm.s32 $0x4;
	s20 =	simm.s32 $0x80  }
0x5: {  	s21 =	simm.s32 $0x1000;
	s28 =	simm.s32 $0x4000;
	s29 =	simm.s32 $0x4800  }
0x6: {  	s30 =	simm.s32 $0x2;
	s31 =	simm.s32 $0x3;
	[smem:$0x7FF] =	sst s3  }
0x7: {  	s7 =	sand.u32 $0x1, s4;
	s8 =	smul.u32 $0x3100, s2;
	s4 =	sadd.s32 $0x1C00, s0  }
0x8: {  	s5 =	sadd.s32 $0xC5200, s0;
	s6 =	sadd.s32 $0x189200, s0;
	s11 =	smul.u32 $0x62000, s2  }
0x9: {  	s9 =	smul.u32 $0x31000, s7;
	s10 =	sshll.u32 s7, $0x4;
	s7 =	ssub.s32 $0x2, s7  }
0xa: {  	_ =	strace $0x8000004A;
	s12 =	sor.u32 s2, s10;
	s22 =	sshrl.u32 s7, $0x1  }
0xb: {  	s23 =	sshrl.u32 s11, $0x2;
	s8 =	sadd.s32 s8, s9;
	s24 =	smul.u32 $0x6200, s12  }
0xc: {  	s14 =	ssub.s32 s7, s22;
	s7 =	sadd.s32 s23, s1;
	s12 =	smul.u32 $0x31000, s12  }
0xd: {  	s22 =	simm.s32 $0x1800;
	s23 =	simm.s32 $0x2000;
	s0 =	sadd.s32 s8, s0  }
0xe: {  	s14 =	smax.u32 s14, $0x1;
	s25 =	sadd.s32 s5, s24;
	s26 =	sadd.s32 s6, s24  }
0xf: {  	s11 =	sor.u32 $0x80, s24;
	s13 =	sadd.s32 $0x32C00, s0;
	[dreg:$0x3] =	wrdreg s25  }
0x10: {  	s24 =	simm.s32 $0x2800;
	[dreg:$0x4] =	wrdreg s26;
	s10 =	sadd.s32 s5, s11  }
0x11: {  	v0 =	vimm.f32 $0.0e+00;
	s11 =	sadd.s32 s6, s11;
	s25 =	simm.s32 $0x3000;
	s26 =	simm.s32 $0x3800  }
.LBB2_1:
0x12: {  	s0 =	simm.s32 $0x0  }
.LBB2_2:
0x13: {  	p0 =	sne.s32 s0, $0xFC0  }
.Ltmp0:
0x14: {  	_ = 	snop;
	(pc) =	sbr.rel @p0 .LBB2_2-.Ltmp0, $3  }
0x15: {  	_ =	sdelay $0x1  }
0x16: {  	s2 =	sshra.s32 s0, $0x2  }
0x17: {  	s0 =	sadd.s32 $0x40, s0;
	[tilespmem:s2+$0x5000] =	vst v0  }
0x18: {  	s0 =	sadd.s32 $0x0, s7  }
0x19: {  	[spmem:s0] =	stream.linear.scatter [tilespmem:s15], [sflag:$0x4], $0x400, $0x38;
	[tilespmem:$0x1DC00] =	vst v63  }
0x1a: {  	s0 =	simm.s32 $0x1000;
	_ =	swait.ge [sflag:s16], $0x400  }
.LBB2_4:
0x1b: {  	s2 =	sshra.s32 s0, $0x2;
	[sflag:s16] =	ssyncset.done $0x0;
	p0 =	sne.s32 s0, $0x61000  }
.Ltmp1:
0x1c: {  	s2 =	sadd.s32 s2, s7;
	[sflag:s16] =	ssyncadd.s32 $0xFFFFFC00;
	(pc) =	sbr.rel @p0 .LBB2_4-.Ltmp1, $3  }
0x1d: {  	[spmem:s2] =	stream.linear.scatter [tilespmem:s15], [sflag:$0x4], $0x400, $0x38;
	[tilespmem:$0x1DC00] =	vst v63  }
0x1e: {  	s0 =	sadd.s32 $0x1000, s0;
	_ =	sdelay $0x1  }
0x1f: {  	_ =	swait.ge [sflag:s16], $0x400  }
0x20: {  	[sflag:s16] =	ssyncset.done $0x0  }
0x21: {  	[sflag:s16] =	ssyncadd.s32 $0xFFFFFC00  }
0x22: {  	[bflag:$0x0] =	sbarrier.arrive $0xFFFF  }
0x23: {  	s0 =	simm.s32 $0x0;
	s2 =	rddreg [dreg:$0x3]  }
0x24: {  	[tilespmem:s0], [sflag:$0x4] =	stream.linear.gather [hbm4b:s2+s0], $0x400, $0x38;
	[tilespmem:$0x1DC00] =	vst v63  }
0x25: {  	_ =	swait.ge [sflag:s16], $0x400  }
0x26: {  	[sflag:s16] =	ssyncset.done $0x0  }
0x27: {  	s8 =	simm.s32 $0x800;
	s17 =	rddreg [dreg:$0x4];
	[sflag:s16] =	ssyncadd.s32 $0xFFFFFC00  }
0x28: {  	[tilespmem:s8], [sflag:$0x4] =	stream.linear.gather [hbm4b:s17+s0], $0x400, $0x38;
	[tilespmem:$0x1DC00] =	vst v63  }
0x29: {  	_ =	swait.ge [sflag:s16], $0x400  }
0x2a: {  	[sflag:s16] =	ssyncset.done $0x0  }
0x2b: {  	s18 =	simm.s32 $0x400;
	[sflag:s16] =	ssyncadd.s32 $0xFFFFFC00  }
0x2c: {  	[tilespmem:s18], [sflag:$0x1] =	stream.linear.gather [hbm4b:s10+s0], $0x400, $0x38;
	[tilespmem:$0x1DC00] =	vst v63  }
0x2d: {  	s19 =	simm.s32 $0xC00  }
0x2e: {  	[tilespmem:s19], [sflag:$0x1] =	stream.linear.gather [hbm4b:s11+s0], $0x400, $0x38;
	[tilespmem:$0x1DC00] =	vst v63  }
.LBB2_6:
0x2f: {  	p0 =	seq.s32 s0, $0x0  }
0x30: {  	s2 =	simm.s32 @!p0 $0x1  }
0x31: {  	p1 =	seq.s32 @!p0 s0, $0xC3;
	_ =	swait.ge @!p0 [sflag:s2], $0x400  }
0x32: {  	p2 =	por p1, p0;
	[sflag:s2] =	ssyncset.done @!p0 $0x0  }
0x33: {  	s17 =	sand.u32 $0x1, s0;
	s0 =	sadd.s32 @!p2 $0x1, s0;
	[sflag:s2] =	ssyncadd.s32 @!p0 $0xFFFFFC00  }
0x34: {  	s18 =	sshll.u32 @!p2 s0, $0xA;
	_ =	swait.ge @!p0 [sflag:s2], $0x400  }
0x35: {  	s18 =	sadd.s32 @!p2 s12, s18;
	[sflag:s2] =	ssyncset.done @!p0 $0x0  }
0x36: {  	s18 =	sshrl.u32 @!p2 s18, $0x3;
	[sflag:s2] =	ssyncadd.s32 @!p0 $0xFFFFFC00;
	s2 =	sshll.u32 @!p2 s17, $0xA  }
0x37: {  	s9 =	simm.s32 @!p2 $0x0;
	s8 =	sadd.s32 @!p2 s5, s18;
	s19 =	sxor.u32 @!p2 $0x400, s2  }
0x38: {  	[tilespmem:s19], [sflag:$0x1] =	stream.linear.gather @!p2 [hbm4b:s8+s9], $0x400, $0x38;
	[tilespmem:$0x1DC00] =	vst v63  }
0x39: {  	s2 =	sxor.u32 @!p2 $0xC00, s2;
	s8 =	sadd.s32 @!p2 s6, s18  }
0x3a: {  	[tilespmem:s2], [sflag:$0x1] =	stream.linear.gather @!p2 [hbm4b:s8+s9], $0x400, $0x38;
	[tilespmem:$0x1DC00] =	vst v63  }
0x3b: {  	s2 =	sshll.u32 s17, $0xA  }
0x3c: {  	[tilespmem:s21], [sflag:$0x2] =	stream.indirect.gather [hbm4b:s4+s20], $0x10, s2, s20, $0xb8;
	[tilespmem:$0x1DC00] =	vst v63  }
0x3d: {  	s18 =	sor.u32 $0x80, s2  }
0x3e: {  	[tilespmem:s22], [sflag:$0x2] =	stream.indirect.gather [hbm4b:s4+s20], $0x10, s18, s20, $0xb8;
	[tilespmem:$0x1DC00] =	vst v63  }
0x3f: {  	s19 =	sor.u32 $0x100, s2  }
0x40: {  	[tilespmem:s23], [sflag:$0x2] =	stream.indirect.gather [hbm4b:s4+s20], $0x10, s19, s20, $0xb8;
	[tilespmem:$0x1DC00] =	vst v63  }
0x41: {  	s9 =	sor.u32 $0x180, s2  }
0x42: {  	[tilespmem:s24], [sflag:$0x2] =	stream.indirect.gather [hbm4b:s4+s20], $0x10, s9, s20, $0xb8;
	[tilespmem:$0x1DC00] =	vst v63  }
0x43: {  	s17 =	sor.u32 $0x200, s2  }
0x44: {  	[tilespmem:s25], [sflag:$0x2] =	stream.indirect.gather [hbm4b:s4+s20], $0x10, s17, s20, $0xb8;
	[tilespmem:$0x1DC00] =	vst v63  }
0x45: {  	s18 =	sor.u32 $0x280, s2  }
0x46: {  	[tilespmem:s26], [sflag:$0x2] =	stream.indirect.gather [hbm4b:s4+s20], $0x10, s18, s20, $0xb8;
	[tilespmem:$0x1DC00] =	vst v63  }
0x47: {  	s19 =	sor.u32 $0x300, s2  }
0x48: {  	[tilespmem:s28], [sflag:$0x2] =	stream.indirect.gather [hbm4b:s4+s20], $0x10, s19, s20, $0xb8;
	[tilespmem:$0x1DC00] =	vst v63  }
0x49: {  	s9 =	sor.u32 $0x380, s2  }
0x4a: {  	[tilespmem:s29], [sflag:$0x2] =	stream.indirect.gather [hbm4b:s4+s20], $0x10, s9, s20, $0xb8;
	[tilespmem:$0x1DC00] =	vst v63  }
0x4b: {  	_ =	swait.ge [sflag:s30], $0x800  }
0x4c: {  	[sflag:s30] =	ssyncset.done $0x0  }
0x4d: {  	s17 =	sor.u32 $0x800, s2;
	[sflag:s30] =	ssyncadd.s32 $0xFFFFF800  }
0x4e: {  	[spmem:s1] =	stream.indirect.scatter.add.f32 [tilespmem:s21], [sflag:$0x3], $0x10, s17, s20, $0xb8;
	[tilespmem:$0x1DC00] =	vst v63  }
0x4f: {  	_ =	swait.ge [sflag:s30], $0x800  }
0x50: {  	[sflag:s30] =	ssyncset.done $0x0  }
0x51: {  	s18 =	sor.u32 $0x880, s2;
	[sflag:s30] =	ssyncadd.s32 $0xFFFFF800  }
0x52: {  	[spmem:s1] =	stream.indirect.scatter.add.f32 [tilespmem:s22], [sflag:$0x3], $0x10, s18, s20, $0xb8;
	[tilespmem:$0x1DC00] =	vst v63  }
0x53: {  	_ =	swait.ge [sflag:s30], $0x800  }
0x54: {  	[sflag:s30] =	ssyncset.done $0x0  }
0x55: {  	s19 =	sor.u32 $0x900, s2;
	[sflag:s30] =	ssyncadd.s32 $0xFFFFF800  }
0x56: {  	[spmem:s1] =	stream.indirect.scatter.add.f32 [tilespmem:s23], [sflag:$0x3], $0x10, s19, s20, $0xb8;
	[tilespmem:$0x1DC00] =	vst v63  }
0x57: {  	_ =	swait.ge [sflag:s30], $0x800  }
0x58: {  	[sflag:s30] =	ssyncset.done $0x0  }
0x59: {  	s9 =	sor.u32 $0x980, s2;
	[sflag:s30] =	ssyncadd.s32 $0xFFFFF800  }
0x5a: {  	[spmem:s1] =	stream.indirect.scatter.add.f32 [tilespmem:s24], [sflag:$0x3], $0x10, s9, s20, $0xb8;
	[tilespmem:$0x1DC00] =	vst v63  }
0x5b: {  	_ =	swait.ge [sflag:s30], $0x800  }
0x5c: {  	[sflag:s30] =	ssyncset.done $0x0  }
0x5d: {  	s17 =	sor.u32 $0xA00, s2;
	[sflag:s30] =	ssyncadd.s32 $0xFFFFF800  }
0x5e: {  	[spmem:s1] =	stream.indirect.scatter.add.f32 [tilespmem:s25], [sflag:$0x3], $0x10, s17, s20, $0xb8;
	[tilespmem:$0x1DC00] =	vst v63  }
0x5f: {  	_ =	swait.ge [sflag:s30], $0x800  }
0x60: {  	[sflag:s30] =	ssyncset.done $0x0  }
0x61: {  	s18 =	sor.u32 $0xA80, s2;
	[sflag:s30] =	ssyncadd.s32 $0xFFFFF800  }
0x62: {  	[spmem:s1] =	stream.indirect.scatter.add.f32 [tilespmem:s26], [sflag:$0x3], $0x10, s18, s20, $0xb8;
	[tilespmem:$0x1DC00] =	vst v63  }
0x63: {  	_ =	swait.ge [sflag:s30], $0x800  }
0x64: {  	[sflag:s30] =	ssyncset.done $0x0  }
0x65: {  	s19 =	sor.u32 $0xB00, s2;
	[sflag:s30] =	ssyncadd.s32 $0xFFFFF800  }
0x66: {  	[spmem:s1] =	stream.indirect.scatter.add.f32 [tilespmem:s28], [sflag:$0x3], $0x10, s19, s20, $0xb8;
	[tilespmem:$0x1DC00] =	vst v63  }
0x67: {  	_ =	swait.ge [sflag:s30], $0x800  }
0x68: {  	[sflag:s30] =	ssyncset.done $0x0  }
0x69: {  	s2 =	sor.u32 $0xB80, s2;
	[sflag:s30] =	ssyncadd.s32 $0xFFFFF800  }
0x6a: {  	[spmem:s1] =	stream.indirect.scatter.add.f32 [tilespmem:s29], [sflag:$0x3], $0x10, s2, s20, $0xb8;
	[tilespmem:$0x1DC00] =	vst v63  }
0x6b: {  	_ =	swait.ge [sflag:s31], $0x800  }
0x6c: {  	[sflag:s31] =	ssyncset.done $0x0  }
0x6d: {  	[sflag:s31] =	ssyncadd.s32 $0xFFFFF800  }
0x6e: {  	_ =	swait.ge [sflag:s31], $0x800  }
0x6f: {  	[sflag:s31] =	ssyncset.done $0x0  }
0x70: {  	[sflag:s31] =	ssyncadd.s32 $0xFFFFF800  }
0x71: {  	_ =	swait.ge [sflag:s31], $0x800  }
0x72: {  	[sflag:s31] =	ssyncset.done $0x0  }
0x73: {  	[sflag:s31] =	ssyncadd.s32 $0xFFFFF800  }
0x74: {  	_ =	swait.ge [sflag:s31], $0x800  }
0x75: {  	[sflag:s31] =	ssyncset.done $0x0  }
0x76: {  	[sflag:s31] =	ssyncadd.s32 $0xFFFFF800  }
0x77: {  	_ =	swait.ge [sflag:s31], $0x800  }
0x78: {  	[sflag:s31] =	ssyncset.done $0x0  }
0x79: {  	[sflag:s31] =	ssyncadd.s32 $0xFFFFF800  }
0x7a: {  	p1 =	por !p1, p0;
	_ =	swait.ge [sflag:s31], $0x800  }
0x7b: {  	s0 =	simm.s32 @!p1 $0xC4;
	[sflag:s31] =	ssyncset.done $0x0  }
0x7c: {  	s0 =	simm.s32 @p0 $0x1;
	[sflag:s31] =	ssyncadd.s32 $0xFFFFF800  }
0x7d: {  	p0 =	slt.u32 s0, $0xC4;
	_ =	swait.ge [sflag:s31], $0x800  }
.Ltmp2:
0x7e: {  	[sflag:s31] =	ssyncset.done $0x0;
	(pc) =	sbr.rel @p0 .LBB2_6-.Ltmp2, $4  }
0x7f: {  	[sflag:s31] =	ssyncadd.s32 $0xFFFFF800  }
0x80: {  	_ =	swait.ge [sflag:s31], $0x800  }
0x81: {  	[sflag:s31] =	ssyncset.done $0x0  }
0x82: {  	[sflag:s31] =	ssyncadd.s32 $0xFFFFF800  }
0x83: {  	s0 =	stileid.u32;
	s3 =	sadd.s32 $0x1, s3  }
0x84: {  	[bflag:$0x0] =	sbarrier.arrive $0xFFFF;
	s0 =	sshll.u32 s0, $0x6;
	p0 =	sne.s32 s3, s14  }
.Ltmp3:
0x85: {  	s2 =	sshrl.u32 s7, $0x3;
	s0 =	sor.u32 $0x1C04, s0;
	(pc) =	sbr.rel @p0 .LBB2_1-.Ltmp3, $4  }
0x86: {  	[hbm:s13], [sflag:s0] =	dma.local [spmem:s2], $0x3100  }
0x87: {  	_ =	swait.ge [sflag:s16], $0x3100  }
0x88: {  	[sflag:s16] =	ssyncset.done $0x0  }
0x89: {  	[sflag:s16] =	ssyncadd.s32 $0xFFFFCF00  }
0x8a: {  	_ =	sfence.sel $0x180000  }
0x8b: {  	[bflag:$0x0] =	sbarrier.arrive $0xFFFF  }
0x8c: {  	_ =	strace $0x9000004A  }
0x8d: {  	s0 =	stileid.u32;
	[bflag:$0x2] =	sbarrier.arrive $0xFFFF  }
0x8e: {  	p0 =	sne.s32 s0, $0x0;
	s0 =	rddreg [dreg:$0x2]  }
0x8f: {  	s0 =	sadd.s32 @!p0 $0x100000, s0  }
0x90: {  	[sflag:s0] =	ssyncadd.tile.s32 @!p0 $0x1;
	_ =	shalt  }
.Lfunc_end2:
_tile_overlayer_lowered:
.L_overlay_start_2:
0x91: {  	(tag) =	ssettag $0x2  }
0x92: {  	s0 =	rddreg [dreg:$0x0];
	s2 =	stileid.u32  }
0x93: {  	s1 =	rddreg [dreg:$0x1];
	p0 =	sne.s32 s2, $0x0  }
0x94: {  	s3 =	rddreg [dreg:$0x2];
	[bflag:$0x3] =	sbarrier.arrive $0xFFFF;
	s2 =	simm.s32 @!p0 $0x1C04  }
0x95: {  	[timem:s3], [sflag:s2] =	dma.local @!p0 [hbm:s0], s1  }
0x96: {  	s0 =	simm.s32 @!p0 $0x4  }
0x97: {  	_ =	swait.ge @!p0 [sflag:s0], s1  }
0x98: {  	s1 =	ssub.s32 @!p0 $0x0, s1;
	[sflag:s0] =	ssyncset.done @!p0 $0x0  }
0x99: {  	[sflag:s0] =	ssyncadd.s32 @!p0 s1  }
0x9a: {  	[bflag:$0x3] =	sbarrier.arrive $0xFFFF  }
0x9b: {  	_ =	shalt  }

// kernel: kernel.14.cloned.1.call-start
scs
__scs_entry_jumppad:
0x0: {  	(pc) =	sbr.rel $0x88, $3  }
0x1: {  	(tag) =	ssettag $0x0;
	lr =	simm.s32 $0x1  }
0x2: {  	[smem:$0x3F9B] =	sst lr;
	_ =	strace $0xD0000000  }
0x3: {  	_ = 	snop  }
0x4: {  	_ = 	snop  }
0x5: {  	_ = 	snop  }
0x6: {  	_ = 	snop  }
0x7: {  	_ = 	snop  }
__scs_overlays_trampoline_lowered:
0x8: {  	[smem:$0x3FAA] =	sst s0  }
0x9: {  	[smem:$0x3FAB] =	sst s1  }
0xa: {  	[smem:$0x3FAC] =	sst s2  }
0xb: {  	[smem:$0x3FAD] =	sst s3  }
0xc: {  	[smem:$0x3FAE] =	sst s4  }
0xd: {  	[smem:$0x3FAF] =	sst s5  }
0xe: {  	[smem:$0x3FB0] =	sst s6  }
0xf: {  	[smem:$0x3FB1] =	sst s7  }
0x10: {  	[smem:$0x3FB2] =	sst s8  }
0x11: {  	[smem:$0x3FB3] =	sst s9;
	s0 =	simm.s32 @!p0 $0x0  }
0x12: {  	s1 =	sld [smem:$0x3F99];
	s0 =	simm.s32 @p0 $0x1  }
0x13: {  	[smem:$0x3FB4] =	sst s0;
	s0 =	simm.s32 @!p1 $0x0  }
0x14: {  	s2 =	sld [smem:$0x3F98];
	s0 =	simm.s32 @p1 $0x1  }
0x15: {  	[smem:$0x3FB5] =	sst s0;
	s0 =	simm.s32 @!p2 $0x0  }
0x16: {  	s3 =	sld [smem:$0x3FDB];
	s0 =	simm.s32 @p2 $0x1  }
0x17: {  	s4 =	simm.s32 $0x1BF5;
	[smem:$0x3FB7] =	sst s0  }
0x18: {  	s0 =	sld [smem:$0x3F9A];
	_ =	swait.ge [sflag:s4], $0x0  }
0x19: {  	s7 =	sld [smem:$0x3F9B]  }
0x1a: {  	s8 =	sadd.s32 $0xFFFFE003, lr  }
0x1b: {  	s9 =	sadd.s32 $0xFFFFFEF7, lr;
	s5 =	simm.s32 $0xFFFFFFFF;
	p2 =	slt.u32 s8, $0xFFFFF086  }
0x1c: {  	p1 =	slt.u32 s9, $0xF7A;
	s5 =	simm.s32 @!p2 $0x0  }
0x1d: {  	s5 =	simm.s32 @p1 $0x1;
	p0 =	seq.s32 s7, s2  }
0x1e: {  	s7 =	smul.u32 @!p0 $0xF7A, s2;
	p2 =	seq.s32 @!p0 s5, $0x0  }
0x1f: {  	s9 =	smul.u32 $0xF7A, s1;
	s8 =	simm.s32 @!p0 $0x1BF5;
	p2 =	por !p2, p0  }
0x20: {  	[sflag:s8] =	ssyncset.s32 @!p0 $0xFFFFF086;
	s6 =	sadd.s32 @!p0 s3, s7;
	s7 =	simm.s32 @!p0 $0x108  }
0x21: {  	s3 =	sadd.s32 s3, s9;
	s6 =	sadd.s32 @!p0 $0x88, s6;
	s7 =	simm.s32 @p2 $0x1082  }
0x22: {  	[simem:s7], [sflag:s8] =	dma.local @!p0 [hbm:s6], $0xF7A  }
0x23: {  	s9 =	sor.u32 $0xD0000000, s2;
	s6 =	simm.s32 $0x108;
	_ =	swait.ge @!p0 [sflag:s8], $0x0  }
0x24: {  	s3 =	sadd.s32 $0x88, s3;
	s6 =	simm.s32 @!p1 $0x1082;
	[sflag:s4] =	ssyncset.s32 $0xFFFFF086  }
0x25: {  	[simem:s6], [sflag:s4] =	dma.local [hbm:s3], $0xF7A  }
0x26: {  	[smem:$0x3F9B] =	sst s1;
	(tag) =	ssettag s2;
	_ =	strace s9  }
0x27: {  	s1 =	sld [smem:$0x3FAB]  }
0x28: {  	s2 =	sld [smem:$0x3FAC]  }
0x29: {  	s4 =	sld [smem:$0x3FAE]  }
0x2a: {  	p0 =	seq.s32 s5, $0x0;
	s5 =	sld [smem:$0x3FAF]  }
0x2b: {  	s6 =	sld [smem:$0x3FB0]  }
0x2c: {  	s7 =	sld [smem:$0x3FB1]  }
0x2d: {  	s3 =	simm.s32 $0x108;
	s8 =	sld [smem:$0x3FB2]  }
0x2e: {  	s3 =	simm.s32 @!p0 $0x1082;
	s9 =	sld [smem:$0x3FB3]  }
0x2f: {  	lr =	sadd.s32 s0, s3;
	s0 =	sld [smem:$0x3FAA]  }
0x30: {  	s3 =	sld [smem:$0x3FAD]  }
0x31: {  	[smem:$0x3FB6] =	sst s10  }
0x32: {  	s10 =	sld [smem:$0x3FB4];
	_ =	sdelay $0x3  }
0x33: {  	p0 =	seq.s32 s10, $0x1;
	s10 =	sld [smem:$0x3FB6];
	_ =	sdelay $0x3  }
0x34: {  	[smem:$0x3FB6] =	sst s10  }
0x35: {  	s10 =	sld [smem:$0x3FB5];
	_ =	sdelay $0x3  }
0x36: {  	p1 =	seq.s32 s10, $0x1;
	s10 =	sld [smem:$0x3FB6];
	_ =	sdelay $0x3  }
0x37: {  	[smem:$0x3FB6] =	sst s10  }
0x38: {  	s10 =	sld [smem:$0x3FB7]  }
0x39: {  	_ = 	snop;
	(pc) =	sbr.ind lr, $3  }
0x3a: {  	_ = 	snop  }
0x3b: {  	_ = 	snop  }
0x3c: {  	p2 =	seq.s32 s10, $0x1;
	s10 =	sld [smem:$0x3FB6]  }
0x3d: {  	_ =	shalt  }
0x3e: {  	_ =	shalt  }
0x3f: {  	_ =	shalt  }
0x40: {  	_ =	shalt  }
0x41: {  	_ =	shalt  }
0x42: {  	_ =	shalt  }
0x43: {  	_ =	shalt  }
0x44: {  	_ =	shalt  }
0x45: {  	_ =	shalt  }
0x46: {  	_ =	shalt  }
0x47: {  	_ =	shalt  }
0x48: {  	_ =	shalt  }
0x49: {  	_ =	shalt  }
0x4a: {  	_ =	shalt  }
0x4b: {  	_ =	shalt  }
0x4c: {  	_ =	shalt  }
0x4d: {  	_ =	shalt  }
0x4e: {  	_ =	shalt  }
0x4f: {  	_ =	shalt  }
0x50: {  	_ =	shalt  }
0x51: {  	_ =	shalt  }
0x52: {  	_ =	shalt  }
0x53: {  	_ =	shalt  }
0x54: {  	_ =	shalt  }
0x55: {  	_ =	shalt  }
0x56: {  	_ =	shalt  }
0x57: {  	_ =	shalt  }
0x58: {  	_ =	shalt  }
0x59: {  	_ =	shalt  }
0x5a: {  	_ =	shalt  }
0x5b: {  	_ =	shalt  }
0x5c: {  	_ =	shalt  }
0x5d: {  	_ =	shalt  }
0x5e: {  	_ =	shalt  }
0x5f: {  	_ =	shalt  }
0x60: {  	_ =	shalt  }
0x61: {  	_ =	shalt  }
0x62: {  	_ =	shalt  }
0x63: {  	_ =	shalt  }
0x64: {  	_ =	shalt  }
0x65: {  	_ =	shalt  }
0x66: {  	_ =	shalt  }
0x67: {  	_ =	shalt  }
0x68: {  	_ =	shalt  }
0x69: {  	_ =	shalt  }
0x6a: {  	_ =	shalt  }
0x6b: {  	_ =	shalt  }
0x6c: {  	_ =	shalt  }
0x6d: {  	_ =	shalt  }
0x6e: {  	_ =	shalt  }
0x6f: {  	_ =	shalt  }
0x70: {  	_ =	shalt  }
0x71: {  	_ =	shalt  }
0x72: {  	_ =	shalt  }
0x73: {  	_ =	shalt  }
0x74: {  	_ =	shalt  }
0x75: {  	_ =	shalt  }
0x76: {  	_ =	shalt  }
0x77: {  	_ =	shalt  }
0x78: {  	_ =	shalt  }
0x79: {  	_ =	shalt  }
0x7a: {  	_ =	shalt  }
0x7b: {  	_ =	shalt  }
0x7c: {  	_ =	shalt  }
0x7d: {  	_ =	shalt  }
0x7e: {  	_ =	shalt  }
0x7f: {  	_ =	shalt  }
0x80: {  	_ =	shalt  }
0x81: {  	_ =	shalt  }
0x82: {  	_ =	shalt  }
0x83: {  	_ =	shalt  }
0x84: {  	_ =	shalt  }
0x85: {  	_ =	shalt  }
0x86: {  	_ =	shalt  }
0x87: {  	_ =	shalt  }
.Lfunc_end0:
.L_simem_size_0:
called_computation.2_lowered:
.L_overlay_start_0:
0x88: {  	s2 =	sld [smem:$0x3FD9]  }
0x89: {  	s3 =	sld [smem:$0x3FFE];
	_ =	sdelay $0x1  }
0x8a: {  	s1 =	srdreg.scid  }
0x8b: {  	s0 =	sand.u32 $0x1, s1  }
0x8c: {  	s16 =	sshll.u32 s0, $0xA;
	s2 =	sadd.s32 s3, s2  }
0x8d: {  	s2 =	sadd.s32 s2, s16  }
0x8e: {  	[smem:$0x3FC2] =	sst s2  }
0x8f: {  	_ = 	snop  }
0x90: {  	(tm) =	ssettm $0x1  }
0x91: {  	s17 =	sld [smem:$0x3FFB];
	_ =	sdelay $0x3  }
0x92: {  	_ =	strace s17  }
0x93: {  	s2 =	sld [smem:$0x3FFC];
	_ =	sdelay $0x3  }
0x94: {  	_ =	strace s2  }
0x95: {  	s2 =	sld [smem:$0x3FFD];
	_ =	sdelay $0x3  }
0x96: {  	_ =	strace s2  }
0x97: {  	_ =	strace $0x8FFFFFFF  }
0x98: {  	s18 =	sld [smem:$0x3FDB];
	_ =	sdelay $0x1  }
0x99: {  	s19 =	simm.s32 $_scs_section_size  }
0x9a: {  	s4 =	simm.s32 $_size__tile_overlayer_lowered;
	s5 =	simm.s32 $_tile_overlayer_lowered  }
0x9b: {  	s22 =	simm.s32 $0x1BFF;
	s21 =	sshll.u32 s5, $0x1;
	s2 =	sadd.s32 s19, s18  }
0x9c: {  	s6 =	simm.s32 $0x0;
	s20 =	sshll.u32 s4, $0x1;
	s4 =	sadd.s32 s21, s2  }
0x9d: {  	[timem:s6], [sflag:s22] =	dma.local [hbm:s4], s20  }
0x9e: {  	_ =	swait.ge [sflag:s22], s20  }
0x9f: {  	s3 =	ssub.s32 $0x0, s20;
	[sflag:s22] =	ssyncset.done $0x0  }
0xa0: {  	[sflag:s22] =	ssyncadd.s32 s3;
	_ =	sdelay $0x1  }
0xa1: {  	s23 =	simm.s32 $0x1B8B  }
0xa2: {  	_ =	swait.ge [sflag:s23], $0x1  }
0xa3: {  	[sflag:s23] =	ssyncset.done $0x0  }
0xa4: {  	s25 =	simm.s32 $0x1B8E;
	s24 =	sld [smem:$0x3FFE];
	[sflag:s23] =	ssyncadd.s32 $0xFFFFFFFF  }
0xa5: {  	s26 =	simm.s32 $execute0_lowered;
	[smem:$0x3FD2] =	sst s25  }
0xa6: {  	s4 =	sshll.u32 s26, $0x1;
	_ =	strace $0x8000004C;
	[dreg:$0x1] =	wrdreg $0xFFFFFFFF  }
0xa7: {  	s28 =	simm.s32 $_size_execute0_lowered;
	s2 =	sadd.s32 s2, s4;
	[dreg:$0x0] =	wrdreg $0x0  }
0xa8: {  	s4 =	sshll.u32 s28, $0x1;
	[dreg:$0x2] =	wrdreg s2  }
0xa9: {  	[dreg:$0x3] =	wrdreg s4  }
0xaa: {  	[dreg:$0x4] =	wrdreg $0xC0  }
0xab: {  	_ =	task [dreg:s6], $0x5FFFF  }
0xac: {  	[dreg:$0x1] =	wrdreg $0xFFFFFFFF  }
0xad: {  	[dreg:$0x0] =	wrdreg $0x60  }
0xae: {  	[dreg:$0x2] =	wrdreg s24  }
0xaf: {  	[dreg:$0x3] =	wrdreg $0x54000  }
0xb0: {  	[dreg:$0x4] =	wrdreg $0x9  }
0xb1: {  	_ =	task.clear_ibuf [dreg:s6], $0x5FFFF;
	_ =	strace $0x9000004C  }
0xb2: {  	s29 =	simm.s32 $0x9;
	_ =	strace $0x8000004E  }
0xb3: {  	_ =	swait.ge [sflag:s29], $0x1  }
0xb4: {  	[sflag:s29] =	ssyncadd.s32 $0xFFFFFFFF  }
0xb5: {  	_ =	strace $0x9000004E  }
0xb6: {  	_ =	sfence  }
0xb7: {  	s30 =	sld [smem:$0x0];
	_ =	sdelay $0x2  }
0xb8: {  	s31 =	sshll.u32 s1, $0xD;
	s1 =	sshrl.u32 s1, $0x2  }
0xb9: {  	s3 =	sand.u32 $0x4000, s31;
	s1 =	sadd.s32 s1, s30  }
0xba: {  	s0 =	sor.u32 s3, s0;
	s1 =	sshll.u32 s1, $0x11  }
0xbb: {  	s0 =	sor.u32 s1, s0  }
0xbc: {  	s0 =	sadd.s32 $0x8F2B, s0  }
0xbd: {  	[sflag:s0] =	ssyncadd.remote.s32 $0x1  }
0xbe: {  	_ =	sfence.sel $0xFFFF  }
0xbf: {  	[dreg:$0x0] =	wrdreg $0xFFFFFFFF;
	(pc) =	sbr.abs _section_cstart, $3  }
0xc0: {  	[dreg:$0x1] =	wrdreg $0xFFFFFFFF  }
0xc1: {  	_ =	task.clear_ibuf [dreg:s6], $0x2FFFF;
	_ =	strace $0x9FFFFFFF  }
0xc2: {  	(tm) =	ssettm $0x7FFFFFFF  }
0xc3: {  	_ =	shalt  }
tec
execute0_lowered:
.L_overlay_start_1:
0x0: {  	(tag) =	ssettag $0x1  }
0x1: {  	s0 =	rddreg [dreg:$0x0]  }
0x2: {  	s1 =	rddreg [dreg:$0x1]  }
0x3: {  	s3 =	simm.s32 $0x0;
	s4 =	srdreg.scid;
	s2 =	stileid.u32  }
0x4: {  	s15 =	simm.s32 $0x5000;
	s16 =	simm.s32 $0x4;
	s20 =	simm.s32 $0x80  }
0x5: {  	s21 =	simm.s32 $0x1000;
	s28 =	simm.s32 $0x4000;
	s29 =	simm.s32 $0x4800  }
0x6: {  	s30 =	simm.s32 $0x2;
	s31 =	simm.s32 $0x3;
	[smem:$0x7FF] =	sst s3  }
0x7: {  	s7 =	sand.u32 $0x1, s4;
	s8 =	smul.u32 $0x3100, s2;
	s4 =	sadd.s32 $0x1C00, s0  }
0x8: {  	s5 =	sadd.s32 $0xC5200, s0;
	s6 =	sadd.s32 $0x189200, s0;
	s11 =	smul.u32 $0x62000, s2  }
0x9: {  	s9 =	smul.u32 $0x31000, s7;
	s10 =	sshll.u32 s7, $0x4;
	s7 =	ssub.s32 $0x2, s7  }
0xa: {  	_ =	strace $0x8000004D;
	s12 =	sor.u32 s2, s10;
	s22 =	sshrl.u32 s7, $0x1  }
0xb: {  	s23 =	sshrl.u32 s11, $0x2;
	s8 =	sadd.s32 s8, s9;
	s24 =	smul.u32 $0x6200, s12  }
0xc: {  	s14 =	ssub.s32 s7, s22;
	s7 =	sadd.s32 s23, s1;
	s12 =	smul.u32 $0x31000, s12  }
0xd: {  	s22 =	simm.s32 $0x1800;
	s23 =	simm.s32 $0x2000;
	s0 =	sadd.s32 s8, s0  }
0xe: {  	s14 =	smax.u32 s14, $0x1;
	s25 =	sadd.s32 s5, s24;
	s26 =	sadd.s32 s6, s24  }
0xf: {  	s11 =	sor.u32 $0x80, s24;
	s13 =	sadd.s32 $0x32C00, s0;
	[dreg:$0x3] =	wrdreg s25  }
0x10: {  	s24 =	simm.s32 $0x2800;
	[dreg:$0x4] =	wrdreg s26;
	s10 =	sadd.s32 s5, s11  }
0x11: {  	v0 =	vimm.f32 $0.0e+00;
	s11 =	sadd.s32 s6, s11;
	s25 =	simm.s32 $0x3000;
	s26 =	simm.s32 $0x3800  }
.LBB2_1:
0x12: {  	s0 =	simm.s32 $0x0  }
.LBB2_2:
0x13: {  	p0 =	sne.s32 s0, $0xFC0  }
.Ltmp0:
0x14: {  	_ = 	snop;
	(pc) =	sbr.rel @p0 .LBB2_2-.Ltmp0, $3  }
0x15: {  	_ =	sdelay $0x1  }
0x16: {  	s2 =	sshra.s32 s0, $0x2  }
0x17: {  	s0 =	sadd.s32 $0x40, s0;
	[tilespmem:s2+$0x5000] =	vst v0  }
0x18: {  	s0 =	sadd.s32 $0x0, s7  }
0x19: {  	[spmem:s0] =	stream.linear.scatter [tilespmem:s15], [sflag:$0x4], $0x400, $0x38;
	[tilespmem:$0x1DC00] =	vst v63  }
0x1a: {  	s0 =	simm.s32 $0x1000;
	_ =	swait.ge [sflag:s16], $0x400  }
.LBB2_4:
0x1b: {  	s2 =	sshra.s32 s0, $0x2;
	[sflag:s16] =	ssyncset.done $0x0;
	p0 =	sne.s32 s0, $0x61000  }
.Ltmp1:
0x1c: {  	s2 =	sadd.s32 s2, s7;
	[sflag:s16] =	ssyncadd.s32 $0xFFFFFC00;
	(pc) =	sbr.rel @p0 .LBB2_4-.Ltmp1, $3  }
0x1d: {  	[spmem:s2] =	stream.linear.scatter [tilespmem:s15], [sflag:$0x4], $0x400, $0x38;
	[tilespmem:$0x1DC00] =	vst v63  }
0x1e: {  	s0 =	sadd.s32 $0x1000, s0;
	_ =	sdelay $0x1  }
0x1f: {  	_ =	swait.ge [sflag:s16], $0x400  }
0x20: {  	[sflag:s16] =	ssyncset.done $0x0  }
0x21: {  	[sflag:s16] =	ssyncadd.s32 $0xFFFFFC00  }
0x22: {  	[bflag:$0x0] =	sbarrier.arrive $0xFFFF  }
0x23: {  	s0 =	simm.s32 $0x0;
	s2 =	rddreg [dreg:$0x3]  }
0x24: {  	[tilespmem:s0], [sflag:$0x4] =	stream.linear.gather [hbm4b:s2+s0], $0x400, $0x38;
	[tilespmem:$0x1DC00] =	vst v63  }
0x25: {  	_ =	swait.ge [sflag:s16], $0x400  }
0x26: {  	[sflag:s16] =	ssyncset.done $0x0  }
0x27: {  	s8 =	simm.s32 $0x800;
	s17 =	rddreg [dreg:$0x4];
	[sflag:s16] =	ssyncadd.s32 $0xFFFFFC00  }
0x28: {  	[tilespmem:s8], [sflag:$0x4] =	stream.linear.gather [hbm4b:s17+s0], $0x400, $0x38;
	[tilespmem:$0x1DC00] =	vst v63  }
0x29: {  	_ =	swait.ge [sflag:s16], $0x400  }
0x2a: {  	[sflag:s16] =	ssyncset.done $0x0  }
0x2b: {  	s18 =	simm.s32 $0x400;
	[sflag:s16] =	ssyncadd.s32 $0xFFFFFC00  }
0x2c: {  	[tilespmem:s18], [sflag:$0x1] =	stream.linear.gather [hbm4b:s10+s0], $0x400, $0x38;
	[tilespmem:$0x1DC00] =	vst v63  }
0x2d: {  	s19 =	simm.s32 $0xC00  }
0x2e: {  	[tilespmem:s19], [sflag:$0x1] =	stream.linear.gather [hbm4b:s11+s0], $0x400, $0x38;
	[tilespmem:$0x1DC00] =	vst v63  }
.LBB2_6:
0x2f: {  	p0 =	seq.s32 s0, $0x0  }
0x30: {  	s2 =	simm.s32 @!p0 $0x1  }
0x31: {  	p1 =	seq.s32 @!p0 s0, $0xC3;
	_ =	swait.ge @!p0 [sflag:s2], $0x400  }
0x32: {  	p2 =	por p1, p0;
	[sflag:s2] =	ssyncset.done @!p0 $0x0  }
0x33: {  	s17 =	sand.u32 $0x1, s0;
	s0 =	sadd.s32 @!p2 $0x1, s0;
	[sflag:s2] =	ssyncadd.s32 @!p0 $0xFFFFFC00  }
0x34: {  	s18 =	sshll.u32 @!p2 s0, $0xA;
	_ =	swait.ge @!p0 [sflag:s2], $0x400  }
0x35: {  	s18 =	sadd.s32 @!p2 s12, s18;
	[sflag:s2] =	ssyncset.done @!p0 $0x0  }
0x36: {  	s18 =	sshrl.u32 @!p2 s18, $0x3;
	[sflag:s2] =	ssyncadd.s32 @!p0 $0xFFFFFC00;
	s2 =	sshll.u32 @!p2 s17, $0xA  }
0x37: {  	s9 =	simm.s32 @!p2 $0x0;
	s8 =	sadd.s32 @!p2 s5, s18;
	s19 =	sxor.u32 @!p2 $0x400, s2  }
0x38: {  	[tilespmem:s19], [sflag:$0x1] =	stream.linear.gather @!p2 [hbm4b:s8+s9], $0x400, $0x38;
	[tilespmem:$0x1DC00] =	vst v63  }
0x39: {  	s2 =	sxor.u32 @!p2 $0xC00, s2;
	s8 =	sadd.s32 @!p2 s6, s18  }
0x3a: {  	[tilespmem:s2], [sflag:$0x1] =	stream.linear.gather @!p2 [hbm4b:s8+s9], $0x400, $0x38;
	[tilespmem:$0x1DC00] =	vst v63  }
0x3b: {  	s2 =	sshll.u32 s17, $0xA  }
0x3c: {  	[tilespmem:s21], [sflag:$0x2] =	stream.indirect.gather [hbm4b:s4+s20], $0x10, s2, s20, $0xb8;
	[tilespmem:$0x1DC00] =	vst v63  }
0x3d: {  	s18 =	sor.u32 $0x80, s2  }
0x3e: {  	[tilespmem:s22], [sflag:$0x2] =	stream.indirect.gather [hbm4b:s4+s20], $0x10, s18, s20, $0xb8;
	[tilespmem:$0x1DC00] =	vst v63  }
0x3f: {  	s19 =	sor.u32 $0x100, s2  }
0x40: {  	[tilespmem:s23], [sflag:$0x2] =	stream.indirect.gather [hbm4b:s4+s20], $0x10, s19, s20, $0xb8;
	[tilespmem:$0x1DC00] =	vst v63  }
0x41: {  	s9 =	sor.u32 $0x180, s2  }
0x42: {  	[tilespmem:s24], [sflag:$0x2] =	stream.indirect.gather [hbm4b:s4+s20], $0x10, s9, s20, $0xb8;
	[tilespmem:$0x1DC00] =	vst v63  }
0x43: {  	s17 =	sor.u32 $0x200, s2  }
0x44: {  	[tilespmem:s25], [sflag:$0x2] =	stream.indirect.gather [hbm4b:s4+s20], $0x10, s17, s20, $0xb8;
	[tilespmem:$0x1DC00] =	vst v63  }
0x45: {  	s18 =	sor.u32 $0x280, s2  }
0x46: {  	[tilespmem:s26], [sflag:$0x2] =	stream.indirect.gather [hbm4b:s4+s20], $0x10, s18, s20, $0xb8;
	[tilespmem:$0x1DC00] =	vst v63  }
0x47: {  	s19 =	sor.u32 $0x300, s2  }
0x48: {  	[tilespmem:s28], [sflag:$0x2] =	stream.indirect.gather [hbm4b:s4+s20], $0x10, s19, s20, $0xb8;
	[tilespmem:$0x1DC00] =	vst v63  }
0x49: {  	s9 =	sor.u32 $0x380, s2  }
0x4a: {  	[tilespmem:s29], [sflag:$0x2] =	stream.indirect.gather [hbm4b:s4+s20], $0x10, s9, s20, $0xb8;
	[tilespmem:$0x1DC00] =	vst v63  }
0x4b: {  	_ =	swait.ge [sflag:s30], $0x800  }
0x4c: {  	[sflag:s30] =	ssyncset.done $0x0  }
0x4d: {  	s17 =	sor.u32 $0x800, s2;
	[sflag:s30] =	ssyncadd.s32 $0xFFFFF800  }
0x4e: {  	[spmem:s1] =	stream.indirect.scatter.add.f32 [tilespmem:s21], [sflag:$0x3], $0x10, s17, s20, $0xb8;
	[tilespmem:$0x1DC00] =	vst v63  }
0x4f: {  	_ =	swait.ge [sflag:s30], $0x800  }
0x50: {  	[sflag:s30] =	ssyncset.done $0x0  }
0x51: {  	s18 =	sor.u32 $0x880, s2;
	[sflag:s30] =	ssyncadd.s32 $0xFFFFF800  }
0x52: {  	[spmem:s1] =	stream.indirect.scatter.add.f32 [tilespmem:s22], [sflag:$0x3], $0x10, s18, s20, $0xb8;
	[tilespmem:$0x1DC00] =	vst v63  }
0x53: {  	_ =	swait.ge [sflag:s30], $0x800  }
0x54: {  	[sflag:s30] =	ssyncset.done $0x0  }
0x55: {  	s19 =	sor.u32 $0x900, s2;
	[sflag:s30] =	ssyncadd.s32 $0xFFFFF800  }
0x56: {  	[spmem:s1] =	stream.indirect.scatter.add.f32 [tilespmem:s23], [sflag:$0x3], $0x10, s19, s20, $0xb8;
	[tilespmem:$0x1DC00] =	vst v63  }
0x57: {  	_ =	swait.ge [sflag:s30], $0x800  }
0x58: {  	[sflag:s30] =	ssyncset.done $0x0  }
0x59: {  	s9 =	sor.u32 $0x980, s2;
	[sflag:s30] =	ssyncadd.s32 $0xFFFFF800  }
0x5a: {  	[spmem:s1] =	stream.indirect.scatter.add.f32 [tilespmem:s24], [sflag:$0x3], $0x10, s9, s20, $0xb8;
	[tilespmem:$0x1DC00] =	vst v63  }
0x5b: {  	_ =	swait.ge [sflag:s30], $0x800  }
0x5c: {  	[sflag:s30] =	ssyncset.done $0x0  }
0x5d: {  	s17 =	sor.u32 $0xA00, s2;
	[sflag:s30] =	ssyncadd.s32 $0xFFFFF800  }
0x5e: {  	[spmem:s1] =	stream.indirect.scatter.add.f32 [tilespmem:s25], [sflag:$0x3], $0x10, s17, s20, $0xb8;
	[tilespmem:$0x1DC00] =	vst v63  }
0x5f: {  	_ =	swait.ge [sflag:s30], $0x800  }
0x60: {  	[sflag:s30] =	ssyncset.done $0x0  }
0x61: {  	s18 =	sor.u32 $0xA80, s2;
	[sflag:s30] =	ssyncadd.s32 $0xFFFFF800  }
0x62: {  	[spmem:s1] =	stream.indirect.scatter.add.f32 [tilespmem:s26], [sflag:$0x3], $0x10, s18, s20, $0xb8;
	[tilespmem:$0x1DC00] =	vst v63  }
0x63: {  	_ =	swait.ge [sflag:s30], $0x800  }
0x64: {  	[sflag:s30] =	ssyncset.done $0x0  }
0x65: {  	s19 =	sor.u32 $0xB00, s2;
	[sflag:s30] =	ssyncadd.s32 $0xFFFFF800  }
0x66: {  	[spmem:s1] =	stream.indirect.scatter.add.f32 [tilespmem:s28], [sflag:$0x3], $0x10, s19, s20, $0xb8;
	[tilespmem:$0x1DC00] =	vst v63  }
0x67: {  	_ =	swait.ge [sflag:s30], $0x800  }
0x68: {  	[sflag:s30] =	ssyncset.done $0x0  }
0x69: {  	s2 =	sor.u32 $0xB80, s2;
	[sflag:s30] =	ssyncadd.s32 $0xFFFFF800  }
0x6a: {  	[spmem:s1] =	stream.indirect.scatter.add.f32 [tilespmem:s29], [sflag:$0x3], $0x10, s2, s20, $0xb8;
	[tilespmem:$0x1DC00] =	vst v63  }
0x6b: {  	_ =	swait.ge [sflag:s31], $0x800  }
0x6c: {  	[sflag:s31] =	ssyncset.done $0x0  }
0x6d: {  	[sflag:s31] =	ssyncadd.s32 $0xFFFFF800  }
0x6e: {  	_ =	swait.ge [sflag:s31], $0x800  }
0x6f: {  	[sflag:s31] =	ssyncset.done $0x0  }
0x70: {  	[sflag:s31] =	ssyncadd.s32 $0xFFFFF800  }
0x71: {  	_ =	swait.ge [sflag:s31], $0x800  }
0x72: {  	[sflag:s31] =	ssyncset.done $0x0  }
0x73: {  	[sflag:s31] =	ssyncadd.s32 $0xFFFFF800  }
0x74: {  	_ =	swait.ge [sflag:s31], $0x800  }
0x75: {  	[sflag:s31] =	ssyncset.done $0x0  }
0x76: {  	[sflag:s31] =	ssyncadd.s32 $0xFFFFF800  }
0x77: {  	_ =	swait.ge [sflag:s31], $0x800  }
0x78: {  	[sflag:s31] =	ssyncset.done $0x0  }
0x79: {  	[sflag:s31] =	ssyncadd.s32 $0xFFFFF800  }
0x7a: {  	p1 =	por !p1, p0;
	_ =	swait.ge [sflag:s31], $0x800  }
0x7b: {  	s0 =	simm.s32 @!p1 $0xC4;
	[sflag:s31] =	ssyncset.done $0x0  }
0x7c: {  	s0 =	simm.s32 @p0 $0x1;
	[sflag:s31] =	ssyncadd.s32 $0xFFFFF800  }
0x7d: {  	p0 =	slt.u32 s0, $0xC4;
	_ =	swait.ge [sflag:s31], $0x800  }
.Ltmp2:
0x7e: {  	[sflag:s31] =	ssyncset.done $0x0;
	(pc) =	sbr.rel @p0 .LBB2_6-.Ltmp2, $4  }
0x7f: {  	[sflag:s31] =	ssyncadd.s32 $0xFFFFF800  }
0x80: {  	_ =	swait.ge [sflag:s31], $0x800  }
0x81: {  	[sflag:s31] =	ssyncset.done $0x0  }
0x82: {  	[sflag:s31] =	ssyncadd.s32 $0xFFFFF800  }
0x83: {  	s0 =	stileid.u32;
	s3 =	sadd.s32 $0x1, s3  }
0x84: {  	[bflag:$0x0] =	sbarrier.arrive $0xFFFF;
	s0 =	sshll.u32 s0, $0x6;
	p0 =	sne.s32 s3, s14  }
.Ltmp3:
0x85: {  	s2 =	sshrl.u32 s7, $0x3;
	s0 =	sor.u32 $0x1C04, s0;
	(pc) =	sbr.rel @p0 .LBB2_1-.Ltmp3, $4  }
0x86: {  	[hbm:s13], [sflag:s0] =	dma.local [spmem:s2], $0x3100  }
0x87: {  	_ =	swait.ge [sflag:s16], $0x3100  }
0x88: {  	[sflag:s16] =	ssyncset.done $0x0  }
0x89: {  	[sflag:s16] =	ssyncadd.s32 $0xFFFFCF00  }
0x8a: {  	_ =	sfence.sel $0x180000  }
0x8b: {  	[bflag:$0x0] =	sbarrier.arrive $0xFFFF  }
0x8c: {  	_ =	strace $0x9000004D  }
0x8d: {  	s0 =	stileid.u32;
	[bflag:$0x2] =	sbarrier.arrive $0xFFFF  }
0x8e: {  	p0 =	sne.s32 s0, $0x0;
	s0 =	rddreg [dreg:$0x2]  }
0x8f: {  	s0 =	sadd.s32 @!p0 $0x100000, s0  }
0x90: {  	[sflag:s0] =	ssyncadd.tile.s32 @!p0 $0x1;
	_ =	shalt  }
.Lfunc_end2:
_tile_overlayer_lowered:
.L_overlay_start_2:
0x91: {  	(tag) =	ssettag $0x2  }
0x92: {  	s0 =	rddreg [dreg:$0x0];
	s2 =	stileid.u32  }
0x93: {  	s1 =	rddreg [dreg:$0x1];
	p0 =	sne.s32 s2, $0x0  }
0x94: {  	s3 =	rddreg [dreg:$0x2];
	[bflag:$0x3] =	sbarrier.arrive $0xFFFF;
	s2 =	simm.s32 @!p0 $0x1C04  }
0x95: {  	[timem:s3], [sflag:s2] =	dma.local @!p0 [hbm:s0], s1  }
0x96: {  	s0 =	simm.s32 @!p0 $0x4  }
0x97: {  	_ =	swait.ge @!p0 [sflag:s0], s1  }
0x98: {  	s1 =	ssub.s32 @!p0 $0x0, s1;
	[sflag:s0] =	ssyncset.done @!p0 $0x0  }
0x99: {  	[sflag:s0] =	ssyncadd.s32 @!p0 s1  }
0x9a: {  	[bflag:$0x3] =	sbarrier.arrive $0xFFFF  }
0x9b: {  	_ =	shalt  }

// kernel: kernel.8.cloned.1.call-start
scs
__scs_entry_jumppad:
0x0: {  	(pc) =	sbr.rel $0x88, $3  }
0x1: {  	(tag) =	ssettag $0x0;
	lr =	simm.s32 $0x1  }
0x2: {  	[smem:$0x3F9B] =	sst lr;
	_ =	strace $0xD0000000  }
0x3: {  	_ = 	snop  }
0x4: {  	_ = 	snop  }
0x5: {  	_ = 	snop  }
0x6: {  	_ = 	snop  }
0x7: {  	_ = 	snop  }
__scs_overlays_trampoline_lowered:
0x8: {  	[smem:$0x3FAA] =	sst s0  }
0x9: {  	[smem:$0x3FAB] =	sst s1  }
0xa: {  	[smem:$0x3FAC] =	sst s2  }
0xb: {  	[smem:$0x3FAD] =	sst s3  }
0xc: {  	[smem:$0x3FAE] =	sst s4  }
0xd: {  	[smem:$0x3FAF] =	sst s5  }
0xe: {  	[smem:$0x3FB0] =	sst s6  }
0xf: {  	[smem:$0x3FB1] =	sst s7  }
0x10: {  	[smem:$0x3FB2] =	sst s8  }
0x11: {  	[smem:$0x3FB3] =	sst s9;
	s0 =	simm.s32 @!p0 $0x0  }
0x12: {  	s1 =	sld [smem:$0x3F99];
	s0 =	simm.s32 @p0 $0x1  }
0x13: {  	[smem:$0x3FB4] =	sst s0;
	s0 =	simm.s32 @!p1 $0x0  }
0x14: {  	s2 =	sld [smem:$0x3F98];
	s0 =	simm.s32 @p1 $0x1  }
0x15: {  	[smem:$0x3FB5] =	sst s0;
	s0 =	simm.s32 @!p2 $0x0  }
0x16: {  	s3 =	sld [smem:$0x3FDB];
	s0 =	simm.s32 @p2 $0x1  }
0x17: {  	s4 =	simm.s32 $0x1BF5;
	[smem:$0x3FB7] =	sst s0  }
0x18: {  	s0 =	sld [smem:$0x3F9A];
	_ =	swait.ge [sflag:s4], $0x0  }
0x19: {  	s7 =	sld [smem:$0x3F9B]  }
0x1a: {  	s8 =	sadd.s32 $0xFFFFE003, lr  }
0x1b: {  	s9 =	sadd.s32 $0xFFFFFEF7, lr;
	s5 =	simm.s32 $0xFFFFFFFF;
	p2 =	slt.u32 s8, $0xFFFFF086  }
0x1c: {  	p1 =	slt.u32 s9, $0xF7A;
	s5 =	simm.s32 @!p2 $0x0  }
0x1d: {  	s5 =	simm.s32 @p1 $0x1;
	p0 =	seq.s32 s7, s2  }
0x1e: {  	s7 =	smul.u32 @!p0 $0xF7A, s2;
	p2 =	seq.s32 @!p0 s5, $0x0  }
0x1f: {  	s9 =	smul.u32 $0xF7A, s1;
	s8 =	simm.s32 @!p0 $0x1BF5;
	p2 =	por !p2, p0  }
0x20: {  	[sflag:s8] =	ssyncset.s32 @!p0 $0xFFFFF086;
	s6 =	sadd.s32 @!p0 s3, s7;
	s7 =	simm.s32 @!p0 $0x108  }
0x21: {  	s3 =	sadd.s32 s3, s9;
	s6 =	sadd.s32 @!p0 $0x88, s6;
	s7 =	simm.s32 @p2 $0x1082  }
0x22: {  	[simem:s7], [sflag:s8] =	dma.local @!p0 [hbm:s6], $0xF7A  }
0x23: {  	s9 =	sor.u32 $0xD0000000, s2;
	s6 =	simm.s32 $0x108;
	_ =	swait.ge @!p0 [sflag:s8], $0x0  }
0x24: {  	s3 =	sadd.s32 $0x88, s3;
	s6 =	simm.s32 @!p1 $0x1082;
	[sflag:s4] =	ssyncset.s32 $0xFFFFF086  }
0x25: {  	[simem:s6], [sflag:s4] =	dma.local [hbm:s3], $0xF7A  }
0x26: {  	[smem:$0x3F9B] =	sst s1;
	(tag) =	ssettag s2;
	_ =	strace s9  }
0x27: {  	s1 =	sld [smem:$0x3FAB]  }
0x28: {  	s2 =	sld [smem:$0x3FAC]  }
0x29: {  	s4 =	sld [smem:$0x3FAE]  }
0x2a: {  	p0 =	seq.s32 s5, $0x0;
	s5 =	sld [smem:$0x3FAF]  }
0x2b: {  	s6 =	sld [smem:$0x3FB0]  }
0x2c: {  	s7 =	sld [smem:$0x3FB1]  }
0x2d: {  	s3 =	simm.s32 $0x108;
	s8 =	sld [smem:$0x3FB2]  }
0x2e: {  	s3 =	simm.s32 @!p0 $0x1082;
	s9 =	sld [smem:$0x3FB3]  }
0x2f: {  	lr =	sadd.s32 s0, s3;
	s0 =	sld [smem:$0x3FAA]  }
0x30: {  	s3 =	sld [smem:$0x3FAD]  }
0x31: {  	[smem:$0x3FB6] =	sst s10  }
0x32: {  	s10 =	sld [smem:$0x3FB4];
	_ =	sdelay $0x3  }
0x33: {  	p0 =	seq.s32 s10, $0x1;
	s10 =	sld [smem:$0x3FB6];
	_ =	sdelay $0x3  }
0x34: {  	[smem:$0x3FB6] =	sst s10  }
0x35: {  	s10 =	sld [smem:$0x3FB5];
	_ =	sdelay $0x3  }
0x36: {  	p1 =	seq.s32 s10, $0x1;
	s10 =	sld [smem:$0x3FB6];
	_ =	sdelay $0x3  }
0x37: {  	[smem:$0x3FB6] =	sst s10  }
0x38: {  	s10 =	sld [smem:$0x3FB7]  }
0x39: {  	_ = 	snop;
	(pc) =	sbr.ind lr, $3  }
0x3a: {  	_ = 	snop  }
0x3b: {  	_ = 	snop  }
0x3c: {  	p2 =	seq.s32 s10, $0x1;
	s10 =	sld [smem:$0x3FB6]  }
0x3d: {  	_ =	shalt  }
0x3e: {  	_ =	shalt  }
0x3f: {  	_ =	shalt  }
0x40: {  	_ =	shalt  }
0x41: {  	_ =	shalt  }
0x42: {  	_ =	shalt  }
0x43: {  	_ =	shalt  }
0x44: {  	_ =	shalt  }
0x45: {  	_ =	shalt  }
0x46: {  	_ =	shalt  }
0x47: {  	_ =	shalt  }
0x48: {  	_ =	shalt  }
0x49: {  	_ =	shalt  }
0x4a: {  	_ =	shalt  }
0x4b: {  	_ =	shalt  }
0x4c: {  	_ =	shalt  }
0x4d: {  	_ =	shalt  }
0x4e: {  	_ =	shalt  }
0x4f: {  	_ =	shalt  }
0x50: {  	_ =	shalt  }
0x51: {  	_ =	shalt  }
0x52: {  	_ =	shalt  }
0x53: {  	_ =	shalt  }
0x54: {  	_ =	shalt  }
0x55: {  	_ =	shalt  }
0x56: {  	_ =	shalt  }
0x57: {  	_ =	shalt  }
0x58: {  	_ =	shalt  }
0x59: {  	_ =	shalt  }
0x5a: {  	_ =	shalt  }
0x5b: {  	_ =	shalt  }
0x5c: {  	_ =	shalt  }
0x5d: {  	_ =	shalt  }
0x5e: {  	_ =	shalt  }
0x5f: {  	_ =	shalt  }
0x60: {  	_ =	shalt  }
0x61: {  	_ =	shalt  }
0x62: {  	_ =	shalt  }
0x63: {  	_ =	shalt  }
0x64: {  	_ =	shalt  }
0x65: {  	_ =	shalt  }
0x66: {  	_ =	shalt  }
0x67: {  	_ =	shalt  }
0x68: {  	_ =	shalt  }
0x69: {  	_ =	shalt  }
0x6a: {  	_ =	shalt  }
0x6b: {  	_ =	shalt  }
0x6c: {  	_ =	shalt  }
0x6d: {  	_ =	shalt  }
0x6e: {  	_ =	shalt  }
0x6f: {  	_ =	shalt  }
0x70: {  	_ =	shalt  }
0x71: {  	_ =	shalt  }
0x72: {  	_ =	shalt  }
0x73: {  	_ =	shalt  }
0x74: {  	_ =	shalt  }
0x75: {  	_ =	shalt  }
0x76: {  	_ =	shalt  }
0x77: {  	_ =	shalt  }
0x78: {  	_ =	shalt  }
0x79: {  	_ =	shalt  }
0x7a: {  	_ =	shalt  }
0x7b: {  	_ =	shalt  }
0x7c: {  	_ =	shalt  }
0x7d: {  	_ =	shalt  }
0x7e: {  	_ =	shalt  }
0x7f: {  	_ =	shalt  }
0x80: {  	_ =	shalt  }
0x81: {  	_ =	shalt  }
0x82: {  	_ =	shalt  }
0x83: {  	_ =	shalt  }
0x84: {  	_ =	shalt  }
0x85: {  	_ =	shalt  }
0x86: {  	_ =	shalt  }
0x87: {  	_ =	shalt  }
.Lfunc_end0:
.L_simem_size_0:
called_computation_lowered:
.L_overlay_start_0:
0x88: {  	s2 =	sld [smem:$0x3FD9]  }
0x89: {  	s3 =	sld [smem:$0x3FFE];
	_ =	sdelay $0x1  }
0x8a: {  	s1 =	srdreg.scid  }
0x8b: {  	s0 =	sand.u32 $0x1, s1  }
0x8c: {  	s16 =	sshll.u32 s0, $0xA;
	s2 =	sadd.s32 s3, s2  }
0x8d: {  	s2 =	sadd.s32 s2, s16  }
0x8e: {  	[smem:$0x3FC2] =	sst s2  }
0x8f: {  	_ = 	snop  }
0x90: {  	(tm) =	ssettm $0x1  }
0x91: {  	s17 =	sld [smem:$0x3FFB];
	_ =	sdelay $0x3  }
0x92: {  	_ =	strace s17  }
0x93: {  	s2 =	sld [smem:$0x3FFC];
	_ =	sdelay $0x3  }
0x94: {  	_ =	strace s2  }
0x95: {  	s2 =	sld [smem:$0x3FFD];
	_ =	sdelay $0x3  }
0x96: {  	_ =	strace s2  }
0x97: {  	_ =	strace $0x8FFFFFFF  }
0x98: {  	s18 =	sld [smem:$0x3FDB];
	_ =	sdelay $0x1  }
0x99: {  	s19 =	simm.s32 $_scs_section_size  }
0x9a: {  	s4 =	simm.s32 $_size__tile_overlayer_lowered;
	s5 =	simm.s32 $_tile_overlayer_lowered  }
0x9b: {  	s22 =	simm.s32 $0x1BFF;
	s21 =	sshll.u32 s5, $0x1;
	s2 =	sadd.s32 s19, s18  }
0x9c: {  	s6 =	simm.s32 $0x0;
	s20 =	sshll.u32 s4, $0x1;
	s4 =	sadd.s32 s21, s2  }
0x9d: {  	[timem:s6], [sflag:s22] =	dma.local [hbm:s4], s20  }
0x9e: {  	_ =	swait.ge [sflag:s22], s20  }
0x9f: {  	s3 =	ssub.s32 $0x0, s20;
	[sflag:s22] =	ssyncset.done $0x0  }
0xa0: {  	[sflag:s22] =	ssyncadd.s32 s3;
	_ =	sdelay $0x1  }
0xa1: {  	s23 =	simm.s32 $0x1B8B  }
0xa2: {  	_ =	swait.ge [sflag:s23], $0x1  }
0xa3: {  	[sflag:s23] =	ssyncset.done $0x0  }
0xa4: {  	s25 =	simm.s32 $0x1B8E;
	s24 =	sld [smem:$0x3FFE];
	[sflag:s23] =	ssyncadd.s32 $0xFFFFFFFF  }
0xa5: {  	s26 =	simm.s32 $execute0_lowered;
	[smem:$0x3FD2] =	sst s25  }
0xa6: {  	s4 =	sshll.u32 s26, $0x1;
	_ =	strace $0x80000046;
	[dreg:$0x1] =	wrdreg $0xFFFFFFFF  }
0xa7: {  	s28 =	simm.s32 $_size_execute0_lowered;
	s2 =	sadd.s32 s2, s4;
	[dreg:$0x0] =	wrdreg $0x0  }
0xa8: {  	s4 =	sshll.u32 s28, $0x1;
	[dreg:$0x2] =	wrdreg s2  }
0xa9: {  	[dreg:$0x3] =	wrdreg s4  }
0xaa: {  	[dreg:$0x4] =	wrdreg $0xC0  }
0xab: {  	_ =	task [dreg:s6], $0x5FFFF  }
0xac: {  	[dreg:$0x1] =	wrdreg $0xFFFFFFFF  }
0xad: {  	[dreg:$0x0] =	wrdreg $0x60  }
0xae: {  	[dreg:$0x2] =	wrdreg s24  }
0xaf: {  	[dreg:$0x3] =	wrdreg $0x18800  }
0xb0: {  	[dreg:$0x4] =	wrdreg $0x9  }
0xb1: {  	_ =	task.clear_ibuf [dreg:s6], $0x5FFFF;
	_ =	strace $0x90000046  }
0xb2: {  	s29 =	simm.s32 $0x9;
	_ =	strace $0x80000048  }
0xb3: {  	_ =	swait.ge [sflag:s29], $0x1  }
0xb4: {  	[sflag:s29] =	ssyncadd.s32 $0xFFFFFFFF  }
0xb5: {  	_ =	strace $0x90000048  }
0xb6: {  	_ =	sfence  }
0xb7: {  	s30 =	sld [smem:$0x0];
	_ =	sdelay $0x2  }
0xb8: {  	s31 =	sshll.u32 s1, $0xD;
	s1 =	sshrl.u32 s1, $0x2  }
0xb9: {  	s3 =	sand.u32 $0x4000, s31;
	s1 =	sadd.s32 s1, s30  }
0xba: {  	s0 =	sor.u32 s3, s0;
	s1 =	sshll.u32 s1, $0x11  }
0xbb: {  	s0 =	sor.u32 s1, s0  }
0xbc: {  	s0 =	sadd.s32 $0x8F2B, s0  }
0xbd: {  	[sflag:s0] =	ssyncadd.remote.s32 $0x1  }
0xbe: {  	_ =	sfence.sel $0xFFFF  }
0xbf: {  	[dreg:$0x0] =	wrdreg $0xFFFFFFFF;
	(pc) =	sbr.abs _section_cstart, $3  }
0xc0: {  	[dreg:$0x1] =	wrdreg $0xFFFFFFFF  }
0xc1: {  	_ =	task.clear_ibuf [dreg:s6], $0x2FFFF;
	_ =	strace $0x9FFFFFFF  }
0xc2: {  	(tm) =	ssettm $0x7FFFFFFF  }
0xc3: {  	_ =	shalt  }
tec
execute0_lowered:
.L_overlay_start_1:
0x0: {  	(tag) =	ssettag $0x1  }
0x1: {  	s5 =	rddreg [dreg:$0x0];
	s1 =	srdreg.scid  }
0x2: {  	s0 =	stileid.u32;
	s2 =	rddreg [dreg:$0x1];
	s3 =	simm.s32 $0x0  }
0x3: {  	s14 =	simm.s32 $0x1080;
	s15 =	simm.s32 $0x3;
	s16 =	simm.s32 $0x800  }
0x4: {  	s17 =	simm.s32 $0x80;
	s18 =	simm.s32 $0x1000;
	s19 =	simm.s32 $0x2  }
0x5: {  	s4 =	sand.u32 $0x1, s1;
	s6 =	smul.u32 $0x1880, s0;
	s1 =	rddreg [dreg:$0x2]  }
0x6: {  	[smem:$0x7FF] =	sst s3;
	s20 =	sshll.u32 s0, $0x6;
	s7 =	smul.u32 $0x18800, s4  }
0x7: {  	s8 =	sshll.u32 s4, $0x4;
	_ =	strace $0x80000047;
	s30 =	ssub.s32 $0x2, s4  }
0x8: {  	s4 =	sadd.s32 $0x189200, s5;
	s20 =	sor.u32 $0x1C03, s20;
	s9 =	sor.u32 s0, s8  }
0x9: {  	s31 =	sshrl.u32 s30, $0x1;
	s7 =	sadd.s32 s6, s7;
	s10 =	smul.u32 $0x6200, s9  }
0xa: {  	s12 =	ssub.s32 s30, s31;
	s9 =	smul.u32 $0x31000, s9;
	s7 =	sshrl.u32 s7, $0x3  }
0xb: {  	s11 =	sadd.s32 s7, s5;
	s5 =	sadd.s32 s6, s2;
	s6 =	sadd.s32 s4, s10  }
0xc: {  	s7 =	sadd.s32 $0x1800, s5;
	s8 =	sadd.s32 $0x100, s6;
	s10 =	sadd.s32 $0x1C00, s11  }
0xd: {  	v0 =	vimm.f32 $1.000000000e+00;
	v1 =	vimm.f32 $0.0e+00;
	s11 =	smax.u32 s12, $0x1;
	s12 =	sadd.s32 $0x800, s5;
	s13 =	sadd.s32 $0x1000, s5  }
.LBB2_1:
0xe: {  	[tilespmem:$0x1000] =	vst v0  }
0xf: {  	[tilespmem:$0x1010] =	vst v0  }
0x10: {  	[tilespmem:$0x1020] =	vst v0  }
0x11: {  	[tilespmem:$0x1030] =	vst v0  }
0x12: {  	[tilespmem:$0x1040] =	vst v0  }
0x13: {  	[tilespmem:$0x1050] =	vst v0  }
0x14: {  	[tilespmem:$0x1060] =	vst v0  }
0x15: {  	[tilespmem:$0x1070] =	vst v0;
	s21 =	simm.s32 $0x40;
	s22 =	simm.s32 $0x0  }
.LBB2_2:
0x16: {  	p0 =	sne.s32 s21, $0x1FC0;
	[tilespmem:s22+$0x1080] =	vst v1;
	s22 =	smov.u32 s21;
	s21 =	sadd.s32 $0x40, s21  }
.Ltmp0:
0x17: {  	(pc) =	sbr.rel @p0 .LBB2_2-.Ltmp0, $2  }
0x18: {  	_ =	sdelay $0x2  }
0x19: {  	s22 =	sshra.s32 s22, $0x2  }
0x1a: {  	[tilespmem:s22+$0x1080] =	vst v1  }
0x1b: {  	[spmem:s5] =	stream.linear.scatter [tilespmem:s14], [sflag:$0x3], $0x800, $0x38;
	[tilespmem:$0x3100] =	vst v63  }
0x1c: {  	_ =	swait.ge [sflag:s15], $0x800  }
0x1d: {  	[sflag:s15] =	ssyncset.done $0x0  }
0x1e: {  	[sflag:s15] =	ssyncadd.s32 $0xFFFFF800  }
0x1f: {  	[spmem:s12] =	stream.linear.scatter [tilespmem:s14], [sflag:$0x3], $0x800, $0x38;
	[tilespmem:$0x3100] =	vst v63  }
0x20: {  	_ =	swait.ge [sflag:s15], $0x800  }
0x21: {  	[sflag:s15] =	ssyncset.done $0x0  }
0x22: {  	[sflag:s15] =	ssyncadd.s32 $0xFFFFF800  }
0x23: {  	[spmem:s13] =	stream.linear.scatter [tilespmem:s14], [sflag:$0x3], $0x800, $0x38;
	[tilespmem:$0x3100] =	vst v63  }
0x24: {  	_ =	swait.ge [sflag:s15], $0x800  }
0x25: {  	[sflag:s15] =	ssyncset.done $0x0  }
0x26: {  	[sflag:s15] =	ssyncadd.s32 $0xFFFFF800  }
0x27: {  	[spmem:s7] =	stream.linear.scatter [tilespmem:s14], [sflag:$0x3], $0x80, $0x38;
	[tilespmem:$0x3100] =	vst v63  }
0x28: {  	_ =	swait.ge [sflag:s15], $0x80  }
0x29: {  	[sflag:s15] =	ssyncset.done $0x0  }
0x2a: {  	[sflag:s15] =	ssyncadd.s32 $0xFFFFFF80  }
0x2b: {  	s21 =	simm.s32 $0x0;
	[bflag:$0x0] =	sbarrier.arrive $0xFFFF  }
0x2c: {  	[tilespmem:s21], [sflag:$0x3] =	stream.linear.gather [hbm4b:s6+s21], $0x800, $0x38;
	[tilespmem:$0x3100] =	vst v63  }
0x2d: {  	_ =	swait.ge [sflag:s15], $0x800  }
0x2e: {  	[sflag:s15] =	ssyncset.done $0x0  }
0x2f: {  	[sflag:s15] =	ssyncadd.s32 $0xFFFFF800  }
0x30: {  	[tilespmem:s16], [sflag:$0x1] =	stream.linear.gather [hbm4b:s8+s21], $0x800, $0x38;
	[tilespmem:$0x3100] =	vst v63  }
.LBB2_4:
0x31: {  	p0 =	seq.s32 s21, $0x0  }
0x32: {  	p1 =	seq.s32 @!p0 s21, $0x61  }
0x33: {  	p2 =	por p1, p0  }
0x34: {  	s22 =	sand.u32 $0x1, s21;
	s23 =	simm.s32 @!p0 $0x1;
	s21 =	sadd.s32 @!p2 $0x1, s21  }
0x35: {  	_ =	swait.ge @!p0 [sflag:s23], $0x800;
	s24 =	sshll.u32 @!p2 s21, $0xB  }
0x36: {  	[sflag:s23] =	ssyncset.done @!p0 $0x0;
	s24 =	sadd.s32 @!p2 s9, s24  }
0x37: {  	[sflag:s23] =	ssyncadd.s32 @!p0 $0xFFFFF800;
	s23 =	sshll.u32 @!p2 s22, $0xB;
	s24 =	sshrl.u32 @!p2 s24, $0x3  }
0x38: {  	s25 =	simm.s32 @!p2 $0x0;
	s23 =	sxor.u32 @!p2 $0x800, s23;
	s24 =	sadd.s32 @!p2 s4, s24  }
0x39: {  	[tilespmem:s23], [sflag:$0x1] =	stream.linear.gather @!p2 [hbm4b:s24+s25], $0x800, $0x38;
	[tilespmem:$0x3100] =	vst v63  }
0x3a: {  	s22 =	sshll.u32 s22, $0xB  }
0x3b: {  	[spmem:s2] =	stream.indirect.scatter.add.f32 [tilespmem:s18], [sflag:$0x2], $0x1, s22, s17, $0xb8;
	[tilespmem:$0x3100] =	vst v63  }
0x3c: {  	s24 =	sor.u32 $0x80, s22  }
0x3d: {  	[spmem:s2] =	stream.indirect.scatter.add.f32 [tilespmem:s18], [sflag:$0x2], $0x1, s24, s17, $0xb8;
	[tilespmem:$0x3100] =	vst v63  }
0x3e: {  	s25 =	sor.u32 $0x100, s22  }
0x3f: {  	[spmem:s2] =	stream.indirect.scatter.add.f32 [tilespmem:s18], [sflag:$0x2], $0x1, s25, s17, $0xb8;
	[tilespmem:$0x3100] =	vst v63  }
0x40: {  	s26 =	sor.u32 $0x180, s22  }
0x41: {  	[spmem:s2] =	stream.indirect.scatter.add.f32 [tilespmem:s18], [sflag:$0x2], $0x1, s26, s17, $0xb8;
	[tilespmem:$0x3100] =	vst v63  }
0x42: {  	s28 =	sor.u32 $0x200, s22  }
0x43: {  	[spmem:s2] =	stream.indirect.scatter.add.f32 [tilespmem:s18], [sflag:$0x2], $0x1, s28, s17, $0xb8;
	[tilespmem:$0x3100] =	vst v63  }
0x44: {  	s29 =	sor.u32 $0x280, s22  }
0x45: {  	[spmem:s2] =	stream.indirect.scatter.add.f32 [tilespmem:s18], [sflag:$0x2], $0x1, s29, s17, $0xb8;
	[tilespmem:$0x3100] =	vst v63  }
0x46: {  	s30 =	sor.u32 $0x300, s22  }
0x47: {  	[spmem:s2] =	stream.indirect.scatter.add.f32 [tilespmem:s18], [sflag:$0x2], $0x1, s30, s17, $0xb8;
	[tilespmem:$0x3100] =	vst v63  }
0x48: {  	s31 =	sor.u32 $0x380, s22  }
0x49: {  	[spmem:s2] =	stream.indirect.scatter.add.f32 [tilespmem:s18], [sflag:$0x2], $0x1, s31, s17, $0xb8;
	[tilespmem:$0x3100] =	vst v63  }
0x4a: {  	s24 =	sor.u32 $0x400, s22  }
0x4b: {  	[spmem:s2] =	stream.indirect.scatter.add.f32 [tilespmem:s18], [sflag:$0x2], $0x1, s24, s17, $0xb8;
	[tilespmem:$0x3100] =	vst v63  }
0x4c: {  	s25 =	sor.u32 $0x480, s22  }
0x4d: {  	[spmem:s2] =	stream.indirect.scatter.add.f32 [tilespmem:s18], [sflag:$0x2], $0x1, s25, s17, $0xb8;
	[tilespmem:$0x3100] =	vst v63  }
0x4e: {  	s26 =	sor.u32 $0x500, s22  }
0x4f: {  	[spmem:s2] =	stream.indirect.scatter.add.f32 [tilespmem:s18], [sflag:$0x2], $0x1, s26, s17, $0xb8;
	[tilespmem:$0x3100] =	vst v63  }
0x50: {  	s28 =	sor.u32 $0x580, s22  }
0x51: {  	[spmem:s2] =	stream.indirect.scatter.add.f32 [tilespmem:s18], [sflag:$0x2], $0x1, s28, s17, $0xb8;
	[tilespmem:$0x3100] =	vst v63  }
0x52: {  	s29 =	sor.u32 $0x600, s22  }
0x53: {  	[spmem:s2] =	stream.indirect.scatter.add.f32 [tilespmem:s18], [sflag:$0x2], $0x1, s29, s17, $0xb8;
	[tilespmem:$0x3100] =	vst v63  }
0x54: {  	s30 =	sor.u32 $0x680, s22  }
0x55: {  	[spmem:s2] =	stream.indirect.scatter.add.f32 [tilespmem:s18], [sflag:$0x2], $0x1, s30, s17, $0xb8;
	[tilespmem:$0x3100] =	vst v63  }
0x56: {  	s31 =	sor.u32 $0x700, s22  }
0x57: {  	[spmem:s2] =	stream.indirect.scatter.add.f32 [tilespmem:s18], [sflag:$0x2], $0x1, s31, s17, $0xb8;
	[tilespmem:$0x3100] =	vst v63  }
0x58: {  	s22 =	sor.u32 $0x780, s22  }
0x59: {  	[spmem:s2] =	stream.indirect.scatter.add.f32 [tilespmem:s18], [sflag:$0x2], $0x1, s22, s17, $0xb8;
	[tilespmem:$0x3100] =	vst v63  }
0x5a: {  	_ =	swait.ge [sflag:s19], $0x80  }
0x5b: {  	[sflag:s19] =	ssyncset.done $0x0  }
0x5c: {  	[sflag:s19] =	ssyncadd.s32 $0xFFFFFF80  }
0x5d: {  	_ =	swait.ge [sflag:s19], $0x80  }
0x5e: {  	[sflag:s19] =	ssyncset.done $0x0  }
0x5f: {  	[sflag:s19] =	ssyncadd.s32 $0xFFFFFF80  }
0x60: {  	_ =	swait.ge [sflag:s19], $0x80  }
0x61: {  	[sflag:s19] =	ssyncset.done $0x0  }
0x62: {  	[sflag:s19] =	ssyncadd.s32 $0xFFFFFF80  }
0x63: {  	_ =	swait.ge [sflag:s19], $0x80  }
0x64: {  	[sflag:s19] =	ssyncset.done $0x0  }
0x65: {  	[sflag:s19] =	ssyncadd.s32 $0xFFFFFF80  }
0x66: {  	_ =	swait.ge [sflag:s19], $0x80  }
0x67: {  	[sflag:s19] =	ssyncset.done $0x0  }
0x68: {  	[sflag:s19] =	ssyncadd.s32 $0xFFFFFF80  }
0x69: {  	_ =	swait.ge [sflag:s19], $0x80  }
0x6a: {  	[sflag:s19] =	ssyncset.done $0x0  }
0x6b: {  	[sflag:s19] =	ssyncadd.s32 $0xFFFFFF80  }
0x6c: {  	_ =	swait.ge [sflag:s19], $0x80  }
0x6d: {  	[sflag:s19] =	ssyncset.done $0x0  }
0x6e: {  	[sflag:s19] =	ssyncadd.s32 $0xFFFFFF80  }
0x6f: {  	_ =	swait.ge [sflag:s19], $0x80  }
0x70: {  	[sflag:s19] =	ssyncset.done $0x0  }
0x71: {  	[sflag:s19] =	ssyncadd.s32 $0xFFFFFF80  }
0x72: {  	_ =	swait.ge [sflag:s19], $0x80  }
0x73: {  	[sflag:s19] =	ssyncset.done $0x0  }
0x74: {  	[sflag:s19] =	ssyncadd.s32 $0xFFFFFF80  }
0x75: {  	_ =	swait.ge [sflag:s19], $0x80  }
0x76: {  	[sflag:s19] =	ssyncset.done $0x0  }
0x77: {  	[sflag:s19] =	ssyncadd.s32 $0xFFFFFF80  }
0x78: {  	_ =	swait.ge [sflag:s19], $0x80  }
0x79: {  	[sflag:s19] =	ssyncset.done $0x0  }
0x7a: {  	[sflag:s19] =	ssyncadd.s32 $0xFFFFFF80  }
0x7b: {  	_ =	swait.ge [sflag:s19], $0x80  }
0x7c: {  	[sflag:s19] =	ssyncset.done $0x0  }
0x7d: {  	[sflag:s19] =	ssyncadd.s32 $0xFFFFFF80  }
0x7e: {  	_ =	swait.ge [sflag:s19], $0x80  }
0x7f: {  	[sflag:s19] =	ssyncset.done $0x0  }
0x80: {  	[sflag:s19] =	ssyncadd.s32 $0xFFFFFF80  }
0x81: {  	p1 =	por !p1, p0;
	_ =	swait.ge [sflag:s19], $0x80  }
0x82: {  	s21 =	simm.s32 @!p1 $0x62;
	[sflag:s19] =	ssyncset.done $0x0  }
0x83: {  	s21 =	simm.s32 @p0 $0x1;
	[sflag:s19] =	ssyncadd.s32 $0xFFFFFF80  }
0x84: {  	p0 =	slt.u32 s21, $0x62;
	_ =	swait.ge [sflag:s19], $0x80  }
.Ltmp1:
0x85: {  	[sflag:s19] =	ssyncset.done $0x0;
	(pc) =	sbr.rel @p0 .LBB2_4-.Ltmp1, $4  }
0x86: {  	[sflag:s19] =	ssyncadd.s32 $0xFFFFFF80  }
0x87: {  	_ =	swait.ge [sflag:s19], $0x80  }
0x88: {  	[sflag:s19] =	ssyncset.done $0x0  }
0x89: {  	[sflag:s19] =	ssyncadd.s32 $0xFFFFFF80  }
0x8a: {  	s3 =	sadd.s32 $0x1, s3  }
0x8b: {  	p0 =	sne.s32 s3, s11  }
.Ltmp2:
0x8c: {  	[bflag:$0x0] =	sbarrier.arrive $0xFFFF;
	s21 =	sshrl.u32 s5, $0x3;
	(pc) =	sbr.rel @p0 .LBB2_1-.Ltmp2, $4  }
0x8d: {  	[hbm:s10], [sflag:s20] =	dma.local [spmem:s21], $0x310  }
0x8e: {  	_ =	swait.ge [sflag:s15], $0x310  }
0x8f: {  	[sflag:s15] =	ssyncset.done $0x0  }
0x90: {  	[sflag:s15] =	ssyncadd.s32 $0xFFFFFCF0  }
0x91: {  	_ =	sfence.sel $0x180000  }
0x92: {  	[bflag:$0x0] =	sbarrier.arrive $0xFFFF  }
0x93: {  	p0 =	sne.s32 s0, $0x0;
	_ =	strace $0x90000047  }
0x94: {  	s0 =	sadd.s32 @!p0 $0x100000, s1;
	[bflag:$0x2] =	sbarrier.arrive $0xFFFF  }
0x95: {  	[sflag:s0] =	ssyncadd.tile.s32 @!p0 $0x1;
	_ =	shalt  }
.Lfunc_end2:
_tile_overlayer_lowered:
.L_overlay_start_2:
0x96: {  	(tag) =	ssettag $0x2  }
0x97: {  	s0 =	rddreg [dreg:$0x0];
	s2 =	stileid.u32  }
0x98: {  	s1 =	rddreg [dreg:$0x1];
	p0 =	sne.s32 s2, $0x0  }
0x99: {  	s3 =	rddreg [dreg:$0x2];
	[bflag:$0x3] =	sbarrier.arrive $0xFFFF;
	s2 =	simm.s32 @!p0 $0x1C03  }
0x9a: {  	[timem:s3], [sflag:s2] =	dma.local @!p0 [hbm:s0], s1  }
0x9b: {  	s0 =	simm.s32 @!p0 $0x3  }
0x9c: {  	_ =	swait.ge @!p0 [sflag:s0], s1  }
0x9d: {  	s1 =	ssub.s32 @!p0 $0x0, s1;
	[sflag:s0] =	ssyncset.done @!p0 $0x0  }
0x9e: {  	[sflag:s0] =	ssyncadd.s32 @!p0 s1  }
0x9f: {  	[bflag:$0x3] =	sbarrier.arrive $0xFFFF  }
0xa0: {  	_ =	shalt  }

</sc_bundles>
